<compile_context>
chip_gen: v7x
topology: tpu7x:2x2x1
jax: 0.10.2.dev20260603
libtpu: 0.0.44.dev20260713+nightly
codegen_flags: <defaults>
</compile_context>

<pallas_src>
import jax
import jax.numpy as jnp
from jax import lax
from jax.experimental import pallas as pl
from jax.experimental.pallas import tpu as pltpu
from jax.experimental.pallas import tpu_sc as plsc

N = 10000
E = 320000
NC = 2
NS = 16
NW = NC * NS
PER_W = E // NW
C = 125
CH = PER_W // C
NPS = N // NS
ZR = NPS // C
WB = 624
NB = 4
D = 64

_MESH = plsc.VectorSubcoreMesh(core_axis_name="c", subcore_axis_name="s")

_IDX_T = pltpu.VMEM((CH, C), jnp.int32)
_BUF_T = pltpu.VMEM((C, D), jnp.float32)
_ACC_T = pltpu.VMEM_SHARED((N, D), jnp.float32)
_SEM_T = pltpu.SemaphoreType.DMA


def _fill_zbuf(zbuf):
    zeros16 = jnp.zeros((16,), jnp.float32)

    @pl.loop(0, C)
    def _zero_rows(r):
        for cc in range(D // 16):
            zbuf[r, pl.ds(cc * 16, 16)] = zeros16


def _zero_acc(zbuf, acc, sid):
    for k in range(ZR):
        pltpu.sync_copy(zbuf, acc.at[pl.ds(sid * NPS + k * C, C)])


def _accumulate(h_hbm, src_iv, dst_iv, bufs, acc, sem_g, sem_s):
    for b in range(NB):
        pltpu.async_copy(h_hbm.at[src_iv.at[b]], bufs[b], sem_g[b])

    @pl.loop(0, CH, step=NB)
    def _chunks(jj):
        for b in range(NB):
            j = jj + b
            pltpu.make_async_copy(h_hbm.at[src_iv.at[j]], bufs[b],
                                  sem_g[b]).wait()
            pltpu.async_copy(bufs[b], acc.at[dst_iv.at[j]], sem_s[b],
                             add=True)

            @pl.when(j + NB < CH)
            def _(b=b, j=j):
                pltpu.make_async_copy(bufs[b], acc.at[dst_iv.at[j]],
                                      sem_s[b]).wait()
                pltpu.async_copy(h_hbm.at[src_iv.at[j + NB]], bufs[b],
                                 sem_g[b])

    for b in range(NB):
        pltpu.make_async_copy(bufs[b], acc.at[dst_iv.at[CH - NB + b]],
                              sem_s[b]).wait()


def _writeback(acc, out_hbm, cid, sid):
    pltpu.sync_copy(acc.at[pl.ds(sid * WB, WB)],
                    out_hbm.at[cid, pl.ds(sid * WB, WB)])

    @pl.when(sid == NS - 1)
    def _():
        pltpu.sync_copy(acc.at[pl.ds(NS * WB, N - NS * WB)],
                        out_hbm.at[cid, pl.ds(NS * WB, N - NS * WB)])


def _seg_sum_sc():

    def body(h_hbm, src_hbm, dst_hbm, out_hbm, src_iv, dst_iv, zbuf, *rest):
        bufs = rest[:NB]
        acc = rest[NB]
        sem_i = rest[NB + 1]
        sem_g = rest[NB + 2:NB + 2 + NB]
        sem_s = rest[NB + 2 + NB:]
        cid = lax.axis_index("c")
        sid = lax.axis_index("s")
        wid = sid * NC + cid

        pltpu.async_copy(src_hbm.at[wid], src_iv, sem_i)
        pltpu.async_copy(dst_hbm.at[wid], dst_iv, sem_i)
        _fill_zbuf(zbuf)
        _zero_acc(zbuf, acc, sid)
        pltpu.make_async_copy(src_hbm.at[wid], src_iv, sem_i).wait()
        pltpu.make_async_copy(dst_hbm.at[wid], dst_iv, sem_i).wait()
        plsc.subcore_barrier()

        _accumulate(h_hbm, src_iv, dst_iv, bufs, acc, sem_g, sem_s)
        plsc.subcore_barrier()
        _writeback(acc, out_hbm, cid, sid)

    return pl.kernel(
        body,
        out_type=jax.ShapeDtypeStruct((NC, N, D), jnp.float32),
        mesh=_MESH,
        compiler_params=pltpu.CompilerParams(use_tc_tiling_on_sc=False),
        scratch_types=(
            [_IDX_T, _IDX_T, _BUF_T]
            + [_BUF_T for _ in range(NB)]
            + [_ACC_T]
            + [_SEM_T for _ in range(2 * NB + 1)]
        ),
    )


def _mm_first(x_ref, w_ref, b_ref, o_ref):
    o_ref[...] = jnp.dot(x_ref[...], w_ref[...],
                         preferred_element_type=jnp.float32,
                         precision=lax.Precision.HIGHEST) + b_ref[...]


def _mm_combine(p_ref, w_ref, b_ref, o_ref):
    a = jnp.maximum(p_ref[0] + p_ref[1], 0.0)
    o_ref[...] = jnp.dot(a, w_ref[...],
                         preferred_element_type=jnp.float32,
                         precision=lax.Precision.HIGHEST) + b_ref[...]


def _relu_add(p_ref, o_ref):
    o_ref[...] = jnp.maximum(p_ref[0] + p_ref[1], 0.0)


def _mm_last(q_ref, w_ref, o_ref):
    o_ref[...] = jnp.dot(q_ref[0] + q_ref[1], w_ref[...],
                         preferred_element_type=jnp.float32,
                         precision=lax.Precision.HIGHEST)


def _tc_mm_first(x, wt, b):
    return pl.pallas_call(
        _mm_first,
        out_shape=jax.ShapeDtypeStruct((N, wt.shape[1]), jnp.float32),
    )(x, wt, b)


def _tc_mm_combine(p, wt, b):
    return pl.pallas_call(
        _mm_combine,
        out_shape=jax.ShapeDtypeStruct((N, wt.shape[1]), jnp.float32),
    )(p, wt, b)


def _tc_relu_add(p):
    return pl.pallas_call(
        _relu_add,
        out_shape=jax.ShapeDtypeStruct((N, 64), jnp.float32),
    )(p)


def _tc_mm_last(q, wt):
    return pl.pallas_call(
        _mm_last,
        out_shape=jax.ShapeDtypeStruct((N, wt.shape[1]), jnp.float32),
    )(q, wt)


def kernel(x, edge_index, edge_weight, W1, b1, att1, W2, b2, att2, W3, b3, att3):
    src = edge_index[0].reshape(NW, CH, C)
    dst = edge_index[1].reshape(NW, CH, C)

    seg64 = _seg_sum_sc()

    h = _tc_mm_first(x, W1.T, b1)
    p = seg64(h, src, dst)
    h = _tc_mm_combine(p, W2.T, b2)
    p = seg64(h, src, dst)
    h = _tc_relu_add(p)
    q = seg64(h, src, dst)
    return _tc_mm_last(q, W3.T)

# --- scband reference (transcript-rebuilt; emitter-appended) ---
"""Pipeline reference for scband-gatnet-24154896072822 (READ-ONLY COPY).

The authoritative reference and input builder live on the scoring server;
editing this copy changes nothing except your own understanding.
"""

import jax, jax.numpy as jnp
import numpy as np

N = 10000
E = 320000
IN_CH = 128
HID = 64
OUT_CH = 128
HEADS = 1


def _xavier(k, shape):
    limit = float(np.sqrt(6.0 / (shape[0] + shape[-1])))
    return jax.random.uniform(k, shape, dtype=jnp.float32, minval=-limit, maxval=limit)


def _gat_conv(x, edge_index, edge_weight, W, b, att):
    out_ch = att.shape[-1]
    h = (x @ W.T + b).reshape(-1, HEADS, out_ch)
    src = edge_index[0]
    dst = edge_index[1]
    x_j = h[src]
    alpha = (x_j * att).sum(axis=-1)
    alpha = jax.nn.leaky_relu(alpha, negative_slope=0.2)
    alpha = alpha * edge_weight[:, None]
    alpha = jax.nn.softmax(alpha, axis=1)
    msg = x_j * alpha[:, :, None]
    aggr = jax.ops.segment_sum(msg, dst, num_segments=x.shape[0])
    return aggr.mean(axis=1)


def setup_inputs(seed: int = 0):
    key = jax.random.key(seed)
    ks = jax.random.split(key, 10)
    x = jax.random.normal(ks[0], (N, IN_CH), dtype=jnp.float32)
    edge_index = jax.random.randint(ks[1], (2, E), 0, N, dtype=jnp.int32)
    edge_weight = jax.random.uniform(ks[2], (E,), dtype=jnp.float32)
    W1 = _xavier(ks[3], (HEADS * HID, IN_CH))
    b1 = jnp.zeros((HEADS * HID,), dtype=jnp.float32)
    att1 = _xavier(ks[4], (1, HEADS, HID))
    W2 = _xavier(ks[5], (HEADS * HID, HID * HEADS))
    b2 = jnp.zeros((HEADS * HID,), dtype=jnp.float32)
    att2 = _xavier(ks[6], (1, HEADS, HID))
    W3 = _xavier(ks[7], (HEADS * OUT_CH, HID * HEADS))
    b3 = jnp.zeros((HEADS * OUT_CH,), dtype=jnp.float32)
    att3 = _xavier(ks[8], (1, HEADS, OUT_CH))
    return {"x": x, "edge_index": edge_index, "edge_weight": edge_weight,
            "W1": W1, "b1": b1, "att1": att1,
            "W2": W2, "b2": b2, "att2": att2,
            "W3": W3, "b3": b3, "att3": att3}


def reference(x, edge_index, edge_weight, W1, b1, att1, W2, b2, att2, W3, b3, att3):
    h = _gat_conv(x, edge_index, edge_weight, W1, b1, att1)
    h = jax.nn.relu(h)
    h = _gat_conv(h, edge_index, edge_weight, W2, b2, att2)
    h = jax.nn.relu(h)
    out = _gat_conv(h, edge_index, edge_weight, W3, b3, att3)
    return out

if __name__ == "__main__":
    import jax
    _d = setup_inputs()
    print(jax.jit(kernel)(*tuple(_d.values())))

</pallas_src>

<mosaic_0001>
#map = affine_map<(d0, d1) -> (0, 0)>
#map1 = affine_map<(d0, d1) -> (0, 0, 0)>
module attributes {stable_mosaic.version = 14 : i64} {
  func.func @body(%arg0: i32, %arg1: i32, %arg2: memref<10000x64xf32, #tpu.memory_space<hbm>>, %arg3: memref<32x80x125xi32, #tpu.memory_space<hbm>>, %arg4: memref<32x80x125xi32, #tpu.memory_space<hbm>>, %arg5: memref<2x10000x64xf32, #tpu.memory_space<hbm>>, %arg6: memref<80x125xi32, #tpu.memory_space<vmem>>, %arg7: memref<80x125xi32, #tpu.memory_space<vmem>>, %arg8: memref<125x64xf32, #tpu.memory_space<vmem>>, %arg9: memref<125x64xf32, #tpu.memory_space<vmem>>, %arg10: memref<125x64xf32, #tpu.memory_space<vmem>>, %arg11: memref<125x64xf32, #tpu.memory_space<vmem>>, %arg12: memref<125x64xf32, #tpu.memory_space<vmem>>, %arg13: memref<10000x64xf32, #tpu.memory_space<vmem_shared>>, %arg14: memref<!tpu.dma_semaphore, #tpu.memory_space<semaphore_mem>>, %arg15: memref<!tpu.dma_semaphore, #tpu.memory_space<semaphore_mem>>, %arg16: memref<!tpu.dma_semaphore, #tpu.memory_space<semaphore_mem>>, %arg17: memref<!tpu.dma_semaphore, #tpu.memory_space<semaphore_mem>>, %arg18: memref<!tpu.dma_semaphore, #tpu.memory_space<semaphore_mem>>, %arg19: memref<!tpu.dma_semaphore, #tpu.memory_space<semaphore_mem>>, %arg20: memref<!tpu.dma_semaphore, #tpu.memory_space<semaphore_mem>>, %arg21: memref<!tpu.dma_semaphore, #tpu.memory_space<semaphore_mem>>, %arg22: memref<!tpu.dma_semaphore, #tpu.memory_space<semaphore_mem>>) attributes {dimension_semantics = [#tpu.dimension_semantics<core_parallel>, #tpu.dimension_semantics<subcore_parallel>], iteration_bounds = array<i64: 2, 16>, scalar_prefetch = 0 : i64, scratch_operands = 17 : i64, tpu.core_type = #tpu.core_type<sc_vector_subcore>, window_params = [{transform_indices = #map}, {transform_indices = #map1}, {transform_indices = #map1}, {transform_indices = #map1}]} {
    %mul3A = arith.constant 2 : i32
    %mul3A_0 = arith.muli %arg1, %mul3A : i32
    %add3A = arith.addi %mul3A_0, %arg0 : i32
    %dma_start3A = arith.constant 0 : i32
    %dma_start3A_1 = arith.constant 0 : i32
    %dma_start3A_2 = tpu.memref_slice %arg3[%add3A, %dma_start3A, %dma_start3A_1] : memref<32x80x125xi32, #tpu.memory_space<hbm>> -> memref<1x80x125xi32, #tpu.memory_space<hbm>>
    %dma_start3A_3 = tpu.memref_squeeze %dma_start3A_2 : memref<1x80x125xi32, #tpu.memory_space<hbm>> -> memref<80x125xi32, #tpu.memory_space<hbm>>
    %dma_start3A_4 = arith.constant 0 : i32
    %dma_start3A_5 = arith.constant 0 : i32
    %dma_start3A_6 = tpu.memref_slice %arg3[%add3A, %dma_start3A_4, %dma_start3A_5] : memref<32x80x125xi32, #tpu.memory_space<hbm>> -> memref<1x80x125xi32, #tpu.memory_space<hbm>>
    %dma_start3A_7 = tpu.memref_squeeze %dma_start3A_6 : memref<1x80x125xi32, #tpu.memory_space<hbm>> -> memref<80x125xi32, #tpu.memory_space<hbm>>
    tpu.enqueue_dma source(%dma_start3A_7 : memref<80x125xi32, #tpu.memory_space<hbm>>) target(%arg6 : memref<80x125xi32, #tpu.memory_space<vmem>>) target_semaphore(%arg14 : memref<!tpu.dma_semaphore, #tpu.memory_space<semaphore_mem>>)
    %dma_start3A_8 = arith.constant 0 : i32
    %dma_start3A_9 = arith.constant 0 : i32
    %dma_start3A_10 = tpu.memref_slice %arg4[%add3A, %dma_start3A_8, %dma_start3A_9] : memref<32x80x125xi32, #tpu.memory_space<hbm>> -> memref<1x80x125xi32, #tpu.memory_space<hbm>>
    %dma_start3A_11 = tpu.memref_squeeze %dma_start3A_10 : memref<1x80x125xi32, #tpu.memory_space<hbm>> -> memref<80x125xi32, #tpu.memory_space<hbm>>
    %dma_start3A_12 = arith.constant 0 : i32
    %dma_start3A_13 = arith.constant 0 : i32
    %dma_start3A_14 = tpu.memref_slice %arg4[%add3A, %dma_start3A_12, %dma_start3A_13] : memref<32x80x125xi32, #tpu.memory_space<hbm>> -> memref<1x80x125xi32, #tpu.memory_space<hbm>>
    %dma_start3A_15 = tpu.memref_squeeze %dma_start3A_14 : memref<1x80x125xi32, #tpu.memory_space<hbm>> -> memref<80x125xi32, #tpu.memory_space<hbm>>
    tpu.enqueue_dma source(%dma_start3A_15 : memref<80x125xi32, #tpu.memory_space<hbm>>) target(%arg7 : memref<80x125xi32, #tpu.memory_space<vmem>>) target_semaphore(%arg14 : memref<!tpu.dma_semaphore, #tpu.memory_space<semaphore_mem>>)
    %broadcast_in_dim3A = arith.constant 0.000000e+00 : f32
    %broadcast_in_dim3A_16 = vector.broadcast %broadcast_in_dim3A : f32 to vector<16xf32>
    %scan3A = arith.constant 0 : i32
    %scan3A_17 = arith.constant 125 : i32
    %scan3A_18 = arith.addi %scan3A, %scan3A_17 : i32
    %scan3A_19 = arith.constant 1 : i32
    scf.for %scan3A_124 = %scan3A to %scan3A_18 step %scan3A_19  : i32 {
      %mul3A_125 = arith.constant 1 : i32
      %mul3A_126 = arith.muli %scan3A_124, %mul3A_125 : i32
      %add3A_127 = arith.constant 0 : i32
      %add3A_128 = arith.addi %add3A_127, %mul3A_126 : i32
      %swap3A = arith.index_cast %add3A_128 : i32 to index
      %swap3A_129 = arith.constant 0 : index
      %swap3A_130 = tpu.vector_load %arg8[%swap3A, %swap3A_129] {strides = array<i32>} : memref<125x64xf32, #tpu.memory_space<vmem>>, vector<1x16xf32>,
      %swap3A_131 = vector.shape_cast %swap3A_130 : vector<1x16xf32> to vector<16xf32>
      %swap3A_132 = vector.shape_cast %broadcast_in_dim3A_16 : vector<16xf32> to vector<1x16xf32>
      tpu.vector_store %arg8[%swap3A, %swap3A_129], %swap3A_132 {strides = array<i32>} : memref<125x64xf32, #tpu.memory_space<vmem>>, vector<1x16xf32>,
      %swap3A_133 = arith.index_cast %add3A_128 : i32 to index
      %swap3A_134 = arith.constant 16 : index
      %swap3A_135 = tpu.vector_load %arg8[%swap3A_133, %swap3A_134] {strides = array<i32>} : memref<125x64xf32, #tpu.memory_space<vmem>>, vector<1x16xf32>,
      %swap3A_136 = vector.shape_cast %swap3A_135 : vector<1x16xf32> to vector<16xf32>
      %swap3A_137 = vector.shape_cast %broadcast_in_dim3A_16 : vector<16xf32> to vector<1x16xf32>
      tpu.vector_store %arg8[%swap3A_133, %swap3A_134], %swap3A_137 {strides = array<i32>} : memref<125x64xf32, #tpu.memory_space<vmem>>, vector<1x16xf32>,
      %swap3A_138 = arith.index_cast %add3A_128 : i32 to index
      %swap3A_139 = arith.constant 32 : index
      %swap3A_140 = tpu.vector_load %arg8[%swap3A_138, %swap3A_139] {strides = array<i32>} : memref<125x64xf32, #tpu.memory_space<vmem>>, vector<1x16xf32>,
      %swap3A_141 = vector.shape_cast %swap3A_140 : vector<1x16xf32> to vector<16xf32>
      %swap3A_142 = vector.shape_cast %broadcast_in_dim3A_16 : vector<16xf32> to vector<1x16xf32>
      tpu.vector_store %arg8[%swap3A_138, %swap3A_139], %swap3A_142 {strides = array<i32>} : memref<125x64xf32, #tpu.memory_space<vmem>>, vector<1x16xf32>,
      %swap3A_143 = arith.index_cast %add3A_128 : i32 to index
      %swap3A_144 = arith.constant 48 : index
      %swap3A_145 = tpu.vector_load %arg8[%swap3A_143, %swap3A_144] {strides = array<i32>} : memref<125x64xf32, #tpu.memory_space<vmem>>, vector<1x16xf32>,
      %swap3A_146 = vector.shape_cast %swap3A_145 : vector<1x16xf32> to vector<16xf32>
      %swap3A_147 = vector.shape_cast %broadcast_in_dim3A_16 : vector<16xf32> to vector<1x16xf32>
      tpu.vector_store %arg8[%swap3A_143, %swap3A_144], %swap3A_147 {strides = array<i32>} : memref<125x64xf32, #tpu.memory_space<vmem>>, vector<1x16xf32>,
    }
    %scan3A_20 = arith.constant 125 : i32
    %mul3A_21 = arith.constant 625 : i32
    %mul3A_22 = arith.muli %arg1, %mul3A_21 : i32
    %add3A_23 = arith.constant 0 : i32
    %add3A_24 = arith.addi %mul3A_22, %add3A_23 : i32
    "tpu.region"() ({
      %run_scoped3A = tpu.sem_alloc : memref<!tpu.dma_semaphore, #tpu.memory_space<semaphore_mem>>
      %dma_start3A_124 = arith.constant 0 : i32
      %dma_start3A_125 = tpu.memref_slice %arg13[%add3A_24, %dma_start3A_124] : memref<10000x64xf32, #tpu.memory_space<vmem_shared>> -> memref<125x64xf32, #tpu.memory_space<vmem_shared>>
      %dma_start3A_126 = arith.constant 0 : i32
      %dma_start3A_127 = tpu.memref_slice %arg13[%add3A_24, %dma_start3A_126] : memref<10000x64xf32, #tpu.memory_space<vmem_shared>> -> memref<125x64xf32, #tpu.memory_space<vmem_shared>>
      tpu.enqueue_dma source(%arg8 : memref<125x64xf32, #tpu.memory_space<vmem>>) target(%dma_start3A_127 : memref<125x64xf32, #tpu.memory_space<vmem_shared>>) target_semaphore(%run_scoped3A : memref<!tpu.dma_semaphore, #tpu.memory_space<semaphore_mem>>)
      %dma_wait3A_128 = arith.constant 0 : i32
      %dma_wait3A_129 = tpu.memref_slice %arg13[%add3A_24, %dma_wait3A_128] : memref<10000x64xf32, #tpu.memory_space<vmem_shared>> -> memref<125x64xf32, #tpu.memory_space<vmem_shared>>
      %dma_wait3A_130 = arith.constant 0 : i32
      %dma_wait3A_131 = tpu.memref_slice %arg13[%add3A_24, %dma_wait3A_130] : memref<10000x64xf32, #tpu.memory_space<vmem_shared>> -> memref<125x64xf32, #tpu.memory_space<vmem_shared>>
      tpu.wait_dma2 semaphore(%run_scoped3A : memref<!tpu.dma_semaphore, #tpu.memory_space<semaphore_mem>>) src(%arg8 : memref<125x64xf32, #tpu.memory_space<vmem>>) dst(%dma_wait3A_131 : memref<125x64xf32, #tpu.memory_space<vmem_shared>>)
      tpu.yield
    }) : () -> ()
    %mul3A_25 = arith.constant 625 : i32
    %mul3A_26 = arith.muli %arg1, %mul3A_25 : i32
    %add3A_27 = arith.constant 125 : i32
    %add3A_28 = arith.addi %mul3A_26, %add3A_27 : i32
    "tpu.region"() ({
      %run_scoped3A = tpu.sem_alloc : memref<!tpu.dma_semaphore, #tpu.memory_space<semaphore_mem>>
      %dma_start3A_124 = arith.constant 0 : i32
      %dma_start3A_125 = tpu.memref_slice %arg13[%add3A_28, %dma_start3A_124] : memref<10000x64xf32, #tpu.memory_space<vmem_shared>> -> memref<125x64xf32, #tpu.memory_space<vmem_shared>>
      %dma_start3A_126 = arith.constant 0 : i32
      %dma_start3A_127 = tpu.memref_slice %arg13[%add3A_28, %dma_start3A_126] : memref<10000x64xf32, #tpu.memory_space<vmem_shared>> -> memref<125x64xf32, #tpu.memory_space<vmem_shared>>
      tpu.enqueue_dma source(%arg8 : memref<125x64xf32, #tpu.memory_space<vmem>>) target(%dma_start3A_127 : memref<125x64xf32, #tpu.memory_space<vmem_shared>>) target_semaphore(%run_scoped3A : memref<!tpu.dma_semaphore, #tpu.memory_space<semaphore_mem>>)
      %dma_wait3A_128 = arith.constant 0 : i32
      %dma_wait3A_129 = tpu.memref_slice %arg13[%add3A_28, %dma_wait3A_128] : memref<10000x64xf32, #tpu.memory_space<vmem_shared>> -> memref<125x64xf32, #tpu.memory_space<vmem_shared>>
      %dma_wait3A_130 = arith.constant 0 : i32
      %dma_wait3A_131 = tpu.memref_slice %arg13[%add3A_28, %dma_wait3A_130] : memref<10000x64xf32, #tpu.memory_space<vmem_shared>> -> memref<125x64xf32, #tpu.memory_space<vmem_shared>>
      tpu.wait_dma2 semaphore(%run_scoped3A : memref<!tpu.dma_semaphore, #tpu.memory_space<semaphore_mem>>) src(%arg8 : memref<125x64xf32, #tpu.memory_space<vmem>>) dst(%dma_wait3A_131 : memref<125x64xf32, #tpu.memory_space<vmem_shared>>)
      tpu.yield
    }) : () -> ()
    %mul3A_29 = arith.constant 625 : i32
    %mul3A_30 = arith.muli %arg1, %mul3A_29 : i32
    %add3A_31 = arith.constant 250 : i32
    %add3A_32 = arith.addi %mul3A_30, %add3A_31 : i32
    "tpu.region"() ({
      %run_scoped3A = tpu.sem_alloc : memref<!tpu.dma_semaphore, #tpu.memory_space<semaphore_mem>>
      %dma_start3A_124 = arith.constant 0 : i32
      %dma_start3A_125 = tpu.memref_slice %arg13[%add3A_32, %dma_start3A_124] : memref<10000x64xf32, #tpu.memory_space<vmem_shared>> -> memref<125x64xf32, #tpu.memory_space<vmem_shared>>
      %dma_start3A_126 = arith.constant 0 : i32
      %dma_start3A_127 = tpu.memref_slice %arg13[%add3A_32, %dma_start3A_126] : memref<10000x64xf32, #tpu.memory_space<vmem_shared>> -> memref<125x64xf32, #tpu.memory_space<vmem_shared>>
      tpu.enqueue_dma source(%arg8 : memref<125x64xf32, #tpu.memory_space<vmem>>) target(%dma_start3A_127 : memref<125x64xf32, #tpu.memory_space<vmem_shared>>) target_semaphore(%run_scoped3A : memref<!tpu.dma_semaphore, #tpu.memory_space<semaphore_mem>>)
      %dma_wait3A_128 = arith.constant 0 : i32
      %dma_wait3A_129 = tpu.memref_slice %arg13[%add3A_32, %dma_wait3A_128] : memref<10000x64xf32, #tpu.memory_space<vmem_shared>> -> memref<125x64xf32, #tpu.memory_space<vmem_shared>>
      %dma_wait3A_130 = arith.constant 0 : i32
      %dma_wait3A_131 = tpu.memref_slice %arg13[%add3A_32, %dma_wait3A_130] : memref<10000x64xf32, #tpu.memory_space<vmem_shared>> -> memref<125x64xf32, #tpu.memory_space<vmem_shared>>
      tpu.wait_dma2 semaphore(%run_scoped3A : memref<!tpu.dma_semaphore, #tpu.memory_space<semaphore_mem>>) src(%arg8 : memref<125x64xf32, #tpu.memory_space<vmem>>) dst(%dma_wait3A_131 : memref<125x64xf32, #tpu.memory_space<vmem_shared>>)
      tpu.yield
    }) : () -> ()
    %mul3A_33 = arith.constant 625 : i32
    %mul3A_34 = arith.muli %arg1, %mul3A_33 : i32
    %add3A_35 = arith.constant 375 : i32
    %add3A_36 = arith.addi %mul3A_34, %add3A_35 : i32
    "tpu.region"() ({
      %run_scoped3A = tpu.sem_alloc : memref<!tpu.dma_semaphore, #tpu.memory_space<semaphore_mem>>
      %dma_start3A_124 = arith.constant 0 : i32
      %dma_start3A_125 = tpu.memref_slice %arg13[%add3A_36, %dma_start3A_124] : memref<10000x64xf32, #tpu.memory_space<vmem_shared>> -> memref<125x64xf32, #tpu.memory_space<vmem_shared>>
      %dma_start3A_126 = arith.constant 0 : i32
      %dma_start3A_127 = tpu.memref_slice %arg13[%add3A_36, %dma_start3A_126] : memref<10000x64xf32, #tpu.memory_space<vmem_shared>> -> memref<125x64xf32, #tpu.memory_space<vmem_shared>>
      tpu.enqueue_dma source(%arg8 : memref<125x64xf32, #tpu.memory_space<vmem>>) target(%dma_start3A_127 : memref<125x64xf32, #tpu.memory_space<vmem_shared>>) target_semaphore(%run_scoped3A : memref<!tpu.dma_semaphore, #tpu.memory_space<semaphore_mem>>)
      %dma_wait3A_128 = arith.constant 0 : i32
      %dma_wait3A_129 = tpu.memref_slice %arg13[%add3A_36, %dma_wait3A_128] : memref<10000x64xf32, #tpu.memory_space<vmem_shared>> -> memref<125x64xf32, #tpu.memory_space<vmem_shared>>
      %dma_wait3A_130 = arith.constant 0 : i32
      %dma_wait3A_131 = tpu.memref_slice %arg13[%add3A_36, %dma_wait3A_130] : memref<10000x64xf32, #tpu.memory_space<vmem_shared>> -> memref<125x64xf32, #tpu.memory_space<vmem_shared>>
      tpu.wait_dma2 semaphore(%run_scoped3A : memref<!tpu.dma_semaphore, #tpu.memory_space<semaphore_mem>>) src(%arg8 : memref<125x64xf32, #tpu.memory_space<vmem>>) dst(%dma_wait3A_131 : memref<125x64xf32, #tpu.memory_space<vmem_shared>>)
      tpu.yield
    }) : () -> ()
    %mul3A_37 = arith.constant 625 : i32
    %mul3A_38 = arith.muli %arg1, %mul3A_37 : i32
    %add3A_39 = arith.constant 500 : i32
    %add3A_40 = arith.addi %mul3A_38, %add3A_39 : i32
    "tpu.region"() ({
      %run_scoped3A = tpu.sem_alloc : memref<!tpu.dma_semaphore, #tpu.memory_space<semaphore_mem>>
      %dma_start3A_124 = arith.constant 0 : i32
      %dma_start3A_125 = tpu.memref_slice %arg13[%add3A_40, %dma_start3A_124] : memref<10000x64xf32, #tpu.memory_space<vmem_shared>> -> memref<125x64xf32, #tpu.memory_space<vmem_shared>>
      %dma_start3A_126 = arith.constant 0 : i32
      %dma_start3A_127 = tpu.memref_slice %arg13[%add3A_40, %dma_start3A_126] : memref<10000x64xf32, #tpu.memory_space<vmem_shared>> -> memref<125x64xf32, #tpu.memory_space<vmem_shared>>
      tpu.enqueue_dma source(%arg8 : memref<125x64xf32, #tpu.memory_space<vmem>>) target(%dma_start3A_127 : memref<125x64xf32, #tpu.memory_space<vmem_shared>>) target_semaphore(%run_scoped3A : memref<!tpu.dma_semaphore, #tpu.memory_space<semaphore_mem>>)
      %dma_wait3A_128 = arith.constant 0 : i32
      %dma_wait3A_129 = tpu.memref_slice %arg13[%add3A_40, %dma_wait3A_128] : memref<10000x64xf32, #tpu.memory_space<vmem_shared>> -> memref<125x64xf32, #tpu.memory_space<vmem_shared>>
      %dma_wait3A_130 = arith.constant 0 : i32
      %dma_wait3A_131 = tpu.memref_slice %arg13[%add3A_40, %dma_wait3A_130] : memref<10000x64xf32, #tpu.memory_space<vmem_shared>> -> memref<125x64xf32, #tpu.memory_space<vmem_shared>>
      tpu.wait_dma2 semaphore(%run_scoped3A : memref<!tpu.dma_semaphore, #tpu.memory_space<semaphore_mem>>) src(%arg8 : memref<125x64xf32, #tpu.memory_space<vmem>>) dst(%dma_wait3A_131 : memref<125x64xf32, #tpu.memory_space<vmem_shared>>)
      tpu.yield
    }) : () -> ()
    %dma_wait3A = arith.constant 0 : i32
    %dma_wait3A_41 = arith.constant 0 : i32
    %dma_wait3A_42 = tpu.memref_slice %arg3[%add3A, %dma_wait3A, %dma_wait3A_41] : memref<32x80x125xi32, #tpu.memory_space<hbm>> -> memref<1x80x125xi32, #tpu.memory_space<hbm>>
    %dma_wait3A_43 = tpu.memref_squeeze %dma_wait3A_42 : memref<1x80x125xi32, #tpu.memory_space<hbm>> -> memref<80x125xi32, #tpu.memory_space<hbm>>
    %dma_wait3A_44 = arith.constant 0 : i32
    %dma_wait3A_45 = arith.constant 0 : i32
    %dma_wait3A_46 = tpu.memref_slice %arg3[%add3A, %dma_wait3A_44, %dma_wait3A_45] : memref<32x80x125xi32, #tpu.memory_space<hbm>> -> memref<1x80x125xi32, #tpu.memory_space<hbm>>
    %dma_wait3A_47 = tpu.memref_squeeze %dma_wait3A_46 : memref<1x80x125xi32, #tpu.memory_space<hbm>> -> memref<80x125xi32, #tpu.memory_space<hbm>>
    tpu.wait_dma2 semaphore(%arg14 : memref<!tpu.dma_semaphore, #tpu.memory_space<semaphore_mem>>) src(%dma_wait3A_47 : memref<80x125xi32, #tpu.memory_space<hbm>>) dst(%arg6 : memref<80x125xi32, #tpu.memory_space<vmem>>)
    %dma_wait3A_48 = arith.constant 0 : i32
    %dma_wait3A_49 = arith.constant 0 : i32
    %dma_wait3A_50 = tpu.memref_slice %arg4[%add3A, %dma_wait3A_48, %dma_wait3A_49] : memref<32x80x125xi32, #tpu.memory_space<hbm>> -> memref<1x80x125xi32, #tpu.memory_space<hbm>>
    %dma_wait3A_51 = tpu.memref_squeeze %dma_wait3A_50 : memref<1x80x125xi32, #tpu.memory_space<hbm>> -> memref<80x125xi32, #tpu.memory_space<hbm>>
    %dma_wait3A_52 = arith.constant 0 : i32
    %dma_wait3A_53 = arith.constant 0 : i32
    %dma_wait3A_54 = tpu.memref_slice %arg4[%add3A, %dma_wait3A_52, %dma_wait3A_53] : memref<32x80x125xi32, #tpu.memory_space<hbm>> -> memref<1x80x125xi32, #tpu.memory_space<hbm>>
    %dma_wait3A_55 = tpu.memref_squeeze %dma_wait3A_54 : memref<1x80x125xi32, #tpu.memory_space<hbm>> -> memref<80x125xi32, #tpu.memory_space<hbm>>
    tpu.wait_dma2 semaphore(%arg14 : memref<!tpu.dma_semaphore, #tpu.memory_space<semaphore_mem>>) src(%dma_wait3A_55 : memref<80x125xi32, #tpu.memory_space<hbm>>) dst(%arg7 : memref<80x125xi32, #tpu.memory_space<vmem>>)
    %barrier3A = arith.constant 0 : index
    tpu.barrier barrier_id(%barrier3A)
    %dma_start3A_56 = arith.constant 0 : i32
    %dma_start3A_57 = arith.constant 0 : i32
    %dma_start3A_58 = tpu.memref_slice %arg6[%dma_start3A_56, %dma_start3A_57] : memref<80x125xi32, #tpu.memory_space<vmem>> -> memref<1x125xi32, #tpu.memory_space<vmem>>
    %dma_start3A_59 = tpu.memref_squeeze %dma_start3A_58 : memref<1x125xi32, #tpu.memory_space<vmem>> -> memref<125xi32, #tpu.memory_space<vmem>>
    %dma_start3A_60 = arith.constant 0 : i32
    %dma_start3A_61 = arith.constant 0 : i32
    %dma_start3A_62 = tpu.memref_slice %arg2[%dma_start3A_60, %dma_start3A_61] : memref<10000x64xf32, #tpu.memory_space<hbm>> -> memref<10000x64xf32, #tpu.memory_space<hbm>>
    tpu.enqueue_indirect_dma source(%dma_start3A_62 : memref<10000x64xf32, #tpu.memory_space<hbm>>) target(%arg9 : memref<125x64xf32, #tpu.memory_space<vmem>>) offsets(%dma_start3A_59 : memref<125xi32, #tpu.memory_space<vmem>>) semaphore(%arg15 : memref<!tpu.dma_semaphore, #tpu.memory_space<semaphore_mem>>)
    %dma_start3A_63 = arith.constant 1 : i32
    %dma_start3A_64 = arith.constant 0 : i32
    %dma_start3A_65 = tpu.memref_slice %arg6[%dma_start3A_63, %dma_start3A_64] : memref<80x125xi32, #tpu.memory_space<vmem>> -> memref<1x125xi32, #tpu.memory_space<vmem>>
    %dma_start3A_66 = tpu.memref_squeeze %dma_start3A_65 : memref<1x125xi32, #tpu.memory_space<vmem>> -> memref<125xi32, #tpu.memory_space<vmem>>
    %dma_start3A_67 = arith.constant 0 : i32
    %dma_start3A_68 = arith.constant 0 : i32
    %dma_start3A_69 = tpu.memref_slice %arg2[%dma_start3A_67, %dma_start3A_68] : memref<10000x64xf32, #tpu.memory_space<hbm>> -> memref<10000x64xf32, #tpu.memory_space<hbm>>
    tpu.enqueue_indirect_dma source(%dma_start3A_69 : memref<10000x64xf32, #tpu.memory_space<hbm>>) target(%arg10 : memref<125x64xf32, #tpu.memory_space<vmem>>) offsets(%dma_start3A_66 : memref<125xi32, #tpu.memory_space<vmem>>) semaphore(%arg16 : memref<!tpu.dma_semaphore, #tpu.memory_space<semaphore_mem>>)
    %dma_start3A_70 = arith.constant 2 : i32
    %dma_start3A_71 = arith.constant 0 : i32
    %dma_start3A_72 = tpu.memref_slice %arg6[%dma_start3A_70, %dma_start3A_71] : memref<80x125xi32, #tpu.memory_space<vmem>> -> memref<1x125xi32, #tpu.memory_space<vmem>>
    %dma_start3A_73 = tpu.memref_squeeze %dma_start3A_72 : memref<1x125xi32, #tpu.memory_space<vmem>> -> memref<125xi32, #tpu.memory_space<vmem>>
    %dma_start3A_74 = arith.constant 0 : i32
    %dma_start3A_75 = arith.constant 0 : i32
    %dma_start3A_76 = tpu.memref_slice %arg2[%dma_start3A_74, %dma_start3A_75] : memref<10000x64xf32, #tpu.memory_space<hbm>> -> memref<10000x64xf32, #tpu.memory_space<hbm>>
    tpu.enqueue_indirect_dma source(%dma_start3A_76 : memref<10000x64xf32, #tpu.memory_space<hbm>>) target(%arg11 : memref<125x64xf32, #tpu.memory_space<vmem>>) offsets(%dma_start3A_73 : memref<125xi32, #tpu.memory_space<vmem>>) semaphore(%arg17 : memref<!tpu.dma_semaphore, #tpu.memory_space<semaphore_mem>>)
    %dma_start3A_77 = arith.constant 3 : i32
    %dma_start3A_78 = arith.constant 0 : i32
    %dma_start3A_79 = tpu.memref_slice %arg6[%dma_start3A_77, %dma_start3A_78] : memref<80x125xi32, #tpu.memory_space<vmem>> -> memref<1x125xi32, #tpu.memory_space<vmem>>
    %dma_start3A_80 = tpu.memref_squeeze %dma_start3A_79 : memref<1x125xi32, #tpu.memory_space<vmem>> -> memref<125xi32, #tpu.memory_space<vmem>>
    %dma_start3A_81 = arith.constant 0 : i32
    %dma_start3A_82 = arith.constant 0 : i32
    %dma_start3A_83 = tpu.memref_slice %arg2[%dma_start3A_81, %dma_start3A_82] : memref<10000x64xf32, #tpu.memory_space<hbm>> -> memref<10000x64xf32, #tpu.memory_space<hbm>>
    tpu.enqueue_indirect_dma source(%dma_start3A_83 : memref<10000x64xf32, #tpu.memory_space<hbm>>) target(%arg12 : memref<125x64xf32, #tpu.memory_space<vmem>>) offsets(%dma_start3A_80 : memref<125xi32, #tpu.memory_space<vmem>>) semaphore(%arg18 : memref<!tpu.dma_semaphore, #tpu.memory_space<semaphore_mem>>)
    %scan3A_84 = arith.constant 0 : i32
    %scan3A_85 = arith.constant 20 : i32
    %scan3A_86 = arith.addi %scan3A_84, %scan3A_85 : i32
    %scan3A_87 = arith.constant 1 : i32
    scf.for %scan3A_124 = %scan3A_84 to %scan3A_86 step %scan3A_87  : i32 {
      %mul3A_125 = arith.constant 4 : i32
      %mul3A_126 = arith.muli %scan3A_124, %mul3A_125 : i32
      %add3A_127 = arith.constant 0 : i32
      %add3A_128 = arith.addi %add3A_127, %mul3A_126 : i32
      %add3A_129 = arith.constant 0 : i32
      %add3A_130 = arith.addi %add3A_128, %add3A_129 : i32
      %dma_wait3A_131 = arith.constant 0 : i32
      %dma_wait3A_132 = tpu.memref_slice %arg6[%add3A_130, %dma_wait3A_131] : memref<80x125xi32, #tpu.memory_space<vmem>> -> memref<1x125xi32, #tpu.memory_space<vmem>>
      %dma_wait3A_133 = tpu.memref_squeeze %dma_wait3A_132 : memref<1x125xi32, #tpu.memory_space<vmem>> -> memref<125xi32, #tpu.memory_space<vmem>>
      %dma_wait3A_134 = arith.constant 0 : i32
      %dma_wait3A_135 = arith.constant 0 : i32
      %dma_wait3A_136 = tpu.memref_slice %arg2[%dma_wait3A_134, %dma_wait3A_135] : memref<10000x64xf32, #tpu.memory_space<hbm>> -> memref<10000x64xf32, #tpu.memory_space<hbm>>
      tpu.wait_indirect_dma semaphore(%arg15 : memref<!tpu.dma_semaphore, #tpu.memory_space<semaphore_mem>>) src(%dma_wait3A_136 : memref<10000x64xf32, #tpu.memory_space<hbm>>) dst(%arg9 : memref<125x64xf32, #tpu.memory_space<vmem>>)
      %dma_start3A_137 = arith.constant 0 : i32
      %dma_start3A_138 = tpu.memref_slice %arg7[%add3A_130, %dma_start3A_137] : memref<80x125xi32, #tpu.memory_space<vmem>> -> memref<1x125xi32, #tpu.memory_space<vmem>>
      %dma_start3A_139 = tpu.memref_squeeze %dma_start3A_138 : memref<1x125xi32, #tpu.memory_space<vmem>> -> memref<125xi32, #tpu.memory_space<vmem>>
      %dma_start3A_140 = arith.constant 0 : i32
      %dma_start3A_141 = arith.constant 0 : i32
      %dma_start3A_142 = tpu.memref_slice %arg13[%dma_start3A_140, %dma_start3A_141] : memref<10000x64xf32, #tpu.memory_space<vmem_shared>> -> memref<10000x64xf32, #tpu.memory_space<vmem_shared>>
      tpu.enqueue_indirect_dma source(%arg9 : memref<125x64xf32, #tpu.memory_space<vmem>>) target(%dma_start3A_142 : memref<10000x64xf32, #tpu.memory_space<vmem_shared>>) offsets(%dma_start3A_139 : memref<125xi32, #tpu.memory_space<vmem>>) semaphore(%arg19 : memref<!tpu.dma_semaphore, #tpu.memory_space<semaphore_mem>>) {add = true}
      %add3A_143 = arith.constant 4 : i32
      %add3A_144 = arith.addi %add3A_130, %add3A_143 : i32
      %lt3A = arith.constant 80 : i32
      %lt3A_145 = arith.cmpi slt, %add3A_144, %lt3A : i32
      %convert_element_type3A_146 = arith.extui %lt3A_145 : i1 to i32
      %cond3A_147 = arith.constant 0 : i32
      %cond3A_148 = arith.cmpi ne, %convert_element_type3A_146, %cond3A_147 : i32
      scf.if %cond3A_148 {
        %dma_wait3A_212 = arith.constant 0 : i32
        %dma_wait3A_213 = tpu.memref_slice %arg7[%add3A_130, %dma_wait3A_212] : memref<80x125xi32, #tpu.memory_space<vmem>> -> memref<1x125xi32, #tpu.memory_space<vmem>>
        %dma_wait3A_214 = tpu.memref_squeeze %dma_wait3A_213 : memref<1x125xi32, #tpu.memory_space<vmem>> -> memref<125xi32, #tpu.memory_space<vmem>>
        %dma_wait3A_215 = arith.constant 0 : i32
        %dma_wait3A_216 = arith.constant 0 : i32
        %dma_wait3A_217 = tpu.memref_slice %arg13[%dma_wait3A_215, %dma_wait3A_216] : memref<10000x64xf32, #tpu.memory_space<vmem_shared>> -> memref<10000x64xf32, #tpu.memory_space<vmem_shared>>
        tpu.wait_indirect_dma semaphore(%arg19 : memref<!tpu.dma_semaphore, #tpu.memory_space<semaphore_mem>>) src(%arg9 : memref<125x64xf32, #tpu.memory_space<vmem>>) dst(%dma_wait3A_217 : memref<10000x64xf32, #tpu.memory_space<vmem_shared>>)
        %add3A_218 = arith.constant 4 : i32
        %add3A_219 = arith.addi %add3A_130, %add3A_218 : i32
        %dma_start3A_220 = arith.constant 0 : i32
        %dma_start3A_221 = tpu.memref_slice %arg6[%add3A_219, %dma_start3A_220] : memref<80x125xi32, #tpu.memory_space<vmem>> -> memref<1x125xi32, #tpu.memory_space<vmem>>
        %dma_start3A_222 = tpu.memref_squeeze %dma_start3A_221 : memref<1x125xi32, #tpu.memory_space<vmem>> -> memref<125xi32, #tpu.memory_space<vmem>>
        %dma_start3A_223 = arith.constant 0 : i32
        %dma_start3A_224 = arith.constant 0 : i32
        %dma_start3A_225 = tpu.memref_slice %arg2[%dma_start3A_223, %dma_start3A_224] : memref<10000x64xf32, #tpu.memory_space<hbm>> -> memref<10000x64xf32, #tpu.memory_space<hbm>>
        tpu.enqueue_indirect_dma source(%dma_start3A_225 : memref<10000x64xf32, #tpu.memory_space<hbm>>) target(%arg9 : memref<125x64xf32, #tpu.memory_space<vmem>>) offsets(%dma_start3A_222 : memref<125xi32, #tpu.memory_space<vmem>>) semaphore(%arg15 : memref<!tpu.dma_semaphore, #tpu.memory_space<semaphore_mem>>)
      } else {
      }
      %add3A_149 = arith.constant 1 : i32
      %add3A_150 = arith.addi %add3A_128, %add3A_149 : i32
      %dma_wait3A_151 = arith.constant 0 : i32
      %dma_wait3A_152 = tpu.memref_slice %arg6[%add3A_150, %dma_wait3A_151] : memref<80x125xi32, #tpu.memory_space<vmem>> -> memref<1x125xi32, #tpu.memory_space<vmem>>
      %dma_wait3A_153 = tpu.memref_squeeze %dma_wait3A_152 : memref<1x125xi32, #tpu.memory_space<vmem>> -> memref<125xi32, #tpu.memory_space<vmem>>
      %dma_wait3A_154 = arith.constant 0 : i32
      %dma_wait3A_155 = arith.constant 0 : i32
      %dma_wait3A_156 = tpu.memref_slice %arg2[%dma_wait3A_154, %dma_wait3A_155] : memref<10000x64xf32, #tpu.memory_space<hbm>> -> memref<10000x64xf32, #tpu.memory_space<hbm>>
      tpu.wait_indirect_dma semaphore(%arg16 : memref<!tpu.dma_semaphore, #tpu.memory_space<semaphore_mem>>) src(%dma_wait3A_156 : memref<10000x64xf32, #tpu.memory_space<hbm>>) dst(%arg10 : memref<125x64xf32, #tpu.memory_space<vmem>>)
      %dma_start3A_157 = arith.constant 0 : i32
      %dma_start3A_158 = tpu.memref_slice %arg7[%add3A_150, %dma_start3A_157] : memref<80x125xi32, #tpu.memory_space<vmem>> -> memref<1x125xi32, #tpu.memory_space<vmem>>
      %dma_start3A_159 = tpu.memref_squeeze %dma_start3A_158 : memref<1x125xi32, #tpu.memory_space<vmem>> -> memref<125xi32, #tpu.memory_space<vmem>>
      %dma_start3A_160 = arith.constant 0 : i32
      %dma_start3A_161 = arith.constant 0 : i32
      %dma_start3A_162 = tpu.memref_slice %arg13[%dma_start3A_160, %dma_start3A_161] : memref<10000x64xf32, #tpu.memory_space<vmem_shared>> -> memref<10000x64xf32, #tpu.memory_space<vmem_shared>>
      tpu.enqueue_indirect_dma source(%arg10 : memref<125x64xf32, #tpu.memory_space<vmem>>) target(%dma_start3A_162 : memref<10000x64xf32, #tpu.memory_space<vmem_shared>>) offsets(%dma_start3A_159 : memref<125xi32, #tpu.memory_space<vmem>>) semaphore(%arg20 : memref<!tpu.dma_semaphore, #tpu.memory_space<semaphore_mem>>) {add = true}
      %add3A_163 = arith.constant 4 : i32
      %add3A_164 = arith.addi %add3A_150, %add3A_163 : i32
      %lt3A_165 = arith.constant 80 : i32
      %lt3A_166 = arith.cmpi slt, %add3A_164, %lt3A_165 : i32
      %convert_element_type3A_167 = arith.extui %lt3A_166 : i1 to i32
      %cond3A_168 = arith.constant 0 : i32
      %cond3A_169 = arith.cmpi ne, %convert_element_type3A_167, %cond3A_168 : i32
      scf.if %cond3A_169 {
        %dma_wait3A_212 = arith.constant 0 : i32
        %dma_wait3A_213 = tpu.memref_slice %arg7[%add3A_150, %dma_wait3A_212] : memref<80x125xi32, #tpu.memory_space<vmem>> -> memref<1x125xi32, #tpu.memory_space<vmem>>
        %dma_wait3A_214 = tpu.memref_squeeze %dma_wait3A_213 : memref<1x125xi32, #tpu.memory_space<vmem>> -> memref<125xi32, #tpu.memory_space<vmem>>
        %dma_wait3A_215 = arith.constant 0 : i32
        %dma_wait3A_216 = arith.constant 0 : i32
        %dma_wait3A_217 = tpu.memref_slice %arg13[%dma_wait3A_215, %dma_wait3A_216] : memref<10000x64xf32, #tpu.memory_space<vmem_shared>> -> memref<10000x64xf32, #tpu.memory_space<vmem_shared>>
        tpu.wait_indirect_dma semaphore(%arg20 : memref<!tpu.dma_semaphore, #tpu.memory_space<semaphore_mem>>) src(%arg10 : memref<125x64xf32, #tpu.memory_space<vmem>>) dst(%dma_wait3A_217 : memref<10000x64xf32, #tpu.memory_space<vmem_shared>>)
        %add3A_218 = arith.constant 4 : i32
        %add3A_219 = arith.addi %add3A_150, %add3A_218 : i32
        %dma_start3A_220 = arith.constant 0 : i32
        %dma_start3A_221 = tpu.memref_slice %arg6[%add3A_219, %dma_start3A_220] : memref<80x125xi32, #tpu.memory_space<vmem>> -> memref<1x125xi32, #tpu.memory_space<vmem>>
        %dma_start3A_222 = tpu.memref_squeeze %dma_start3A_221 : memref<1x125xi32, #tpu.memory_space<vmem>> -> memref<125xi32, #tpu.memory_space<vmem>>
        %dma_start3A_223 = arith.constant 0 : i32
        %dma_start3A_224 = arith.constant 0 : i32
        %dma_start3A_225 = tpu.memref_slice %arg2[%dma_start3A_223, %dma_start3A_224] : memref<10000x64xf32, #tpu.memory_space<hbm>> -> memref<10000x64xf32, #tpu.memory_space<hbm>>
        tpu.enqueue_indirect_dma source(%dma_start3A_225 : memref<10000x64xf32, #tpu.memory_space<hbm>>) target(%arg10 : memref<125x64xf32, #tpu.memory_space<vmem>>) offsets(%dma_start3A_222 : memref<125xi32, #tpu.memory_space<vmem>>) semaphore(%arg16 : memref<!tpu.dma_semaphore, #tpu.memory_space<semaphore_mem>>)
      } else {
      }
      %add3A_170 = arith.constant 2 : i32
      %add3A_171 = arith.addi %add3A_128, %add3A_170 : i32
      %dma_wait3A_172 = arith.constant 0 : i32
      %dma_wait3A_173 = tpu.memref_slice %arg6[%add3A_171, %dma_wait3A_172] : memref<80x125xi32, #tpu.memory_space<vmem>> -> memref<1x125xi32, #tpu.memory_space<vmem>>
      %dma_wait3A_174 = tpu.memref_squeeze %dma_wait3A_173 : memref<1x125xi32, #tpu.memory_space<vmem>> -> memref<125xi32, #tpu.memory_space<vmem>>
      %dma_wait3A_175 = arith.constant 0 : i32
      %dma_wait3A_176 = arith.constant 0 : i32
      %dma_wait3A_177 = tpu.memref_slice %arg2[%dma_wait3A_175, %dma_wait3A_176] : memref<10000x64xf32, #tpu.memory_space<hbm>> -> memref<10000x64xf32, #tpu.memory_space<hbm>>
      tpu.wait_indirect_dma semaphore(%arg17 : memref<!tpu.dma_semaphore, #tpu.memory_space<semaphore_mem>>) src(%dma_wait3A_177 : memref<10000x64xf32, #tpu.memory_space<hbm>>) dst(%arg11 : memref<125x64xf32, #tpu.memory_space<vmem>>)
      %dma_start3A_178 = arith.constant 0 : i32
      %dma_start3A_179 = tpu.memref_slice %arg7[%add3A_171, %dma_start3A_178] : memref<80x125xi32, #tpu.memory_space<vmem>> -> memref<1x125xi32, #tpu.memory_space<vmem>>
      %dma_start3A_180 = tpu.memref_squeeze %dma_start3A_179 : memref<1x125xi32, #tpu.memory_space<vmem>> -> memref<125xi32, #tpu.memory_space<vmem>>
      %dma_start3A_181 = arith.constant 0 : i32
      %dma_start3A_182 = arith.constant 0 : i32
      %dma_start3A_183 = tpu.memref_slice %arg13[%dma_start3A_181, %dma_start3A_182] : memref<10000x64xf32, #tpu.memory_space<vmem_shared>> -> memref<10000x64xf32, #tpu.memory_space<vmem_shared>>
      tpu.enqueue_indirect_dma source(%arg11 : memref<125x64xf32, #tpu.memory_space<vmem>>) target(%dma_start3A_183 : memref<10000x64xf32, #tpu.memory_space<vmem_shared>>) offsets(%dma_start3A_180 : memref<125xi32, #tpu.memory_space<vmem>>) semaphore(%arg21 : memref<!tpu.dma_semaphore, #tpu.memory_space<semaphore_mem>>) {add = true}
      %add3A_184 = arith.constant 4 : i32
      %add3A_185 = arith.addi %add3A_171, %add3A_184 : i32
      %lt3A_186 = arith.constant 80 : i32
      %lt3A_187 = arith.cmpi slt, %add3A_185, %lt3A_186 : i32
      %convert_element_type3A_188 = arith.extui %lt3A_187 : i1 to i32
      %cond3A_189 = arith.constant 0 : i32
      %cond3A_190 = arith.cmpi ne, %convert_element_type3A_188, %cond3A_189 : i32
      scf.if %cond3A_190 {
        %dma_wait3A_212 = arith.constant 0 : i32
        %dma_wait3A_213 = tpu.memref_slice %arg7[%add3A_171, %dma_wait3A_212] : memref<80x125xi32, #tpu.memory_space<vmem>> -> memref<1x125xi32, #tpu.memory_space<vmem>>
        %dma_wait3A_214 = tpu.memref_squeeze %dma_wait3A_213 : memref<1x125xi32, #tpu.memory_space<vmem>> -> memref<125xi32, #tpu.memory_space<vmem>>
        %dma_wait3A_215 = arith.constant 0 : i32
        %dma_wait3A_216 = arith.constant 0 : i32
        %dma_wait3A_217 = tpu.memref_slice %arg13[%dma_wait3A_215, %dma_wait3A_216] : memref<10000x64xf32, #tpu.memory_space<vmem_shared>> -> memref<10000x64xf32, #tpu.memory_space<vmem_shared>>
        tpu.wait_indirect_dma semaphore(%arg21 : memref<!tpu.dma_semaphore, #tpu.memory_space<semaphore_mem>>) src(%arg11 : memref<125x64xf32, #tpu.memory_space<vmem>>) dst(%dma_wait3A_217 : memref<10000x64xf32, #tpu.memory_space<vmem_shared>>)
        %add3A_218 = arith.constant 4 : i32
        %add3A_219 = arith.addi %add3A_171, %add3A_218 : i32
        %dma_start3A_220 = arith.constant 0 : i32
        %dma_start3A_221 = tpu.memref_slice %arg6[%add3A_219, %dma_start3A_220] : memref<80x125xi32, #tpu.memory_space<vmem>> -> memref<1x125xi32, #tpu.memory_space<vmem>>
        %dma_start3A_222 = tpu.memref_squeeze %dma_start3A_221 : memref<1x125xi32, #tpu.memory_space<vmem>> -> memref<125xi32, #tpu.memory_space<vmem>>
        %dma_start3A_223 = arith.constant 0 : i32
        %dma_start3A_224 = arith.constant 0 : i32
        %dma_start3A_225 = tpu.memref_slice %arg2[%dma_start3A_223, %dma_start3A_224] : memref<10000x64xf32, #tpu.memory_space<hbm>> -> memref<10000x64xf32, #tpu.memory_space<hbm>>
        tpu.enqueue_indirect_dma source(%dma_start3A_225 : memref<10000x64xf32, #tpu.memory_space<hbm>>) target(%arg11 : memref<125x64xf32, #tpu.memory_space<vmem>>) offsets(%dma_start3A_222 : memref<125xi32, #tpu.memory_space<vmem>>) semaphore(%arg17 : memref<!tpu.dma_semaphore, #tpu.memory_space<semaphore_mem>>)
      } else {
      }
      %add3A_191 = arith.constant 3 : i32
      %add3A_192 = arith.addi %add3A_128, %add3A_191 : i32
      %dma_wait3A_193 = arith.constant 0 : i32
      %dma_wait3A_194 = tpu.memref_slice %arg6[%add3A_192, %dma_wait3A_193] : memref<80x125xi32, #tpu.memory_space<vmem>> -> memref<1x125xi32, #tpu.memory_space<vmem>>
      %dma_wait3A_195 = tpu.memref_squeeze %dma_wait3A_194 : memref<1x125xi32, #tpu.memory_space<vmem>> -> memref<125xi32, #tpu.memory_space<vmem>>
      %dma_wait3A_196 = arith.constant 0 : i32
      %dma_wait3A_197 = arith.constant 0 : i32
      %dma_wait3A_198 = tpu.memref_slice %arg2[%dma_wait3A_196, %dma_wait3A_197] : memref<10000x64xf32, #tpu.memory_space<hbm>> -> memref<10000x64xf32, #tpu.memory_space<hbm>>
      tpu.wait_indirect_dma semaphore(%arg18 : memref<!tpu.dma_semaphore, #tpu.memory_space<semaphore_mem>>) src(%dma_wait3A_198 : memref<10000x64xf32, #tpu.memory_space<hbm>>) dst(%arg12 : memref<125x64xf32, #tpu.memory_space<vmem>>)
      %dma_start3A_199 = arith.constant 0 : i32
      %dma_start3A_200 = tpu.memref_slice %arg7[%add3A_192, %dma_start3A_199] : memref<80x125xi32, #tpu.memory_space<vmem>> -> memref<1x125xi32, #tpu.memory_space<vmem>>
      %dma_start3A_201 = tpu.memref_squeeze %dma_start3A_200 : memref<1x125xi32, #tpu.memory_space<vmem>> -> memref<125xi32, #tpu.memory_space<vmem>>
      %dma_start3A_202 = arith.constant 0 : i32
      %dma_start3A_203 = arith.constant 0 : i32
      %dma_start3A_204 = tpu.memref_slice %arg13[%dma_start3A_202, %dma_start3A_203] : memref<10000x64xf32, #tpu.memory_space<vmem_shared>> -> memref<10000x64xf32, #tpu.memory_space<vmem_shared>>
      tpu.enqueue_indirect_dma source(%arg12 : memref<125x64xf32, #tpu.memory_space<vmem>>) target(%dma_start3A_204 : memref<10000x64xf32, #tpu.memory_space<vmem_shared>>) offsets(%dma_start3A_201 : memref<125xi32, #tpu.memory_space<vmem>>) semaphore(%arg22 : memref<!tpu.dma_semaphore, #tpu.memory_space<semaphore_mem>>) {add = true}
      %add3A_205 = arith.constant 4 : i32
      %add3A_206 = arith.addi %add3A_192, %add3A_205 : i32
      %lt3A_207 = arith.constant 80 : i32
      %lt3A_208 = arith.cmpi slt, %add3A_206, %lt3A_207 : i32
      %convert_element_type3A_209 = arith.extui %lt3A_208 : i1 to i32
      %cond3A_210 = arith.constant 0 : i32
      %cond3A_211 = arith.cmpi ne, %convert_element_type3A_209, %cond3A_210 : i32
      scf.if %cond3A_211 {
        %dma_wait3A_212 = arith.constant 0 : i32
        %dma_wait3A_213 = tpu.memref_slice %arg7[%add3A_192, %dma_wait3A_212] : memref<80x125xi32, #tpu.memory_space<vmem>> -> memref<1x125xi32, #tpu.memory_space<vmem>>
        %dma_wait3A_214 = tpu.memref_squeeze %dma_wait3A_213 : memref<1x125xi32, #tpu.memory_space<vmem>> -> memref<125xi32, #tpu.memory_space<vmem>>
        %dma_wait3A_215 = arith.constant 0 : i32
        %dma_wait3A_216 = arith.constant 0 : i32
        %dma_wait3A_217 = tpu.memref_slice %arg13[%dma_wait3A_215, %dma_wait3A_216] : memref<10000x64xf32, #tpu.memory_space<vmem_shared>> -> memref<10000x64xf32, #tpu.memory_space<vmem_shared>>
        tpu.wait_indirect_dma semaphore(%arg22 : memref<!tpu.dma_semaphore, #tpu.memory_space<semaphore_mem>>) src(%arg12 : memref<125x64xf32, #tpu.memory_space<vmem>>) dst(%dma_wait3A_217 : memref<10000x64xf32, #tpu.memory_space<vmem_shared>>)
        %add3A_218 = arith.constant 4 : i32
        %add3A_219 = arith.addi %add3A_192, %add3A_218 : i32
        %dma_start3A_220 = arith.constant 0 : i32
        %dma_start3A_221 = tpu.memref_slice %arg6[%add3A_219, %dma_start3A_220] : memref<80x125xi32, #tpu.memory_space<vmem>> -> memref<1x125xi32, #tpu.memory_space<vmem>>
        %dma_start3A_222 = tpu.memref_squeeze %dma_start3A_221 : memref<1x125xi32, #tpu.memory_space<vmem>> -> memref<125xi32, #tpu.memory_space<vmem>>
        %dma_start3A_223 = arith.constant 0 : i32
        %dma_start3A_224 = arith.constant 0 : i32
        %dma_start3A_225 = tpu.memref_slice %arg2[%dma_start3A_223, %dma_start3A_224] : memref<10000x64xf32, #tpu.memory_space<hbm>> -> memref<10000x64xf32, #tpu.memory_space<hbm>>
        tpu.enqueue_indirect_dma source(%dma_start3A_225 : memref<10000x64xf32, #tpu.memory_space<hbm>>) target(%arg12 : memref<125x64xf32, #tpu.memory_space<vmem>>) offsets(%dma_start3A_222 : memref<125xi32, #tpu.memory_space<vmem>>) semaphore(%arg18 : memref<!tpu.dma_semaphore, #tpu.memory_space<semaphore_mem>>)
      } else {
      }
    }
    %scan3A_88 = arith.constant 20 : i32
    %dma_wait3A_89 = arith.constant 76 : i32
    %dma_wait3A_90 = arith.constant 0 : i32
    %dma_wait3A_91 = tpu.memref_slice %arg7[%dma_wait3A_89, %dma_wait3A_90] : memref<80x125xi32, #tpu.memory_space<vmem>> -> memref<1x125xi32, #tpu.memory_space<vmem>>
    %dma_wait3A_92 = tpu.memref_squeeze %dma_wait3A_91 : memref<1x125xi32, #tpu.memory_space<vmem>> -> memref<125xi32, #tpu.memory_space<vmem>>
    %dma_wait3A_93 = arith.constant 0 : i32
    %dma_wait3A_94 = arith.constant 0 : i32
    %dma_wait3A_95 = tpu.memref_slice %arg13[%dma_wait3A_93, %dma_wait3A_94] : memref<10000x64xf32, #tpu.memory_space<vmem_shared>> -> memref<10000x64xf32, #tpu.memory_space<vmem_shared>>
    tpu.wait_indirect_dma semaphore(%arg19 : memref<!tpu.dma_semaphore, #tpu.memory_space<semaphore_mem>>) src(%arg9 : memref<125x64xf32, #tpu.memory_space<vmem>>) dst(%dma_wait3A_95 : memref<10000x64xf32, #tpu.memory_space<vmem_shared>>)
    %dma_wait3A_96 = arith.constant 77 : i32
    %dma_wait3A_97 = arith.constant 0 : i32
    %dma_wait3A_98 = tpu.memref_slice %arg7[%dma_wait3A_96, %dma_wait3A_97] : memref<80x125xi32, #tpu.memory_space<vmem>> -> memref<1x125xi32, #tpu.memory_space<vmem>>
    %dma_wait3A_99 = tpu.memref_squeeze %dma_wait3A_98 : memref<1x125xi32, #tpu.memory_space<vmem>> -> memref<125xi32, #tpu.memory_space<vmem>>
    %dma_wait3A_100 = arith.constant 0 : i32
    %dma_wait3A_101 = arith.constant 0 : i32
    %dma_wait3A_102 = tpu.memref_slice %arg13[%dma_wait3A_100, %dma_wait3A_101] : memref<10000x64xf32, #tpu.memory_space<vmem_shared>> -> memref<10000x64xf32, #tpu.memory_space<vmem_shared>>
    tpu.wait_indirect_dma semaphore(%arg20 : memref<!tpu.dma_semaphore, #tpu.memory_space<semaphore_mem>>) src(%arg10 : memref<125x64xf32, #tpu.memory_space<vmem>>) dst(%dma_wait3A_102 : memref<10000x64xf32, #tpu.memory_space<vmem_shared>>)
    %dma_wait3A_103 = arith.constant 78 : i32
    %dma_wait3A_104 = arith.constant 0 : i32
    %dma_wait3A_105 = tpu.memref_slice %arg7[%dma_wait3A_103, %dma_wait3A_104] : memref<80x125xi32, #tpu.memory_space<vmem>> -> memref<1x125xi32, #tpu.memory_space<vmem>>
    %dma_wait3A_106 = tpu.memref_squeeze %dma_wait3A_105 : memref<1x125xi32, #tpu.memory_space<vmem>> -> memref<125xi32, #tpu.memory_space<vmem>>
    %dma_wait3A_107 = arith.constant 0 : i32
    %dma_wait3A_108 = arith.constant 0 : i32
    %dma_wait3A_109 = tpu.memref_slice %arg13[%dma_wait3A_107, %dma_wait3A_108] : memref<10000x64xf32, #tpu.memory_space<vmem_shared>> -> memref<10000x64xf32, #tpu.memory_space<vmem_shared>>
    tpu.wait_indirect_dma semaphore(%arg21 : memref<!tpu.dma_semaphore, #tpu.memory_space<semaphore_mem>>) src(%arg11 : memref<125x64xf32, #tpu.memory_space<vmem>>) dst(%dma_wait3A_109 : memref<10000x64xf32, #tpu.memory_space<vmem_shared>>)
    %dma_wait3A_110 = arith.constant 79 : i32
    %dma_wait3A_111 = arith.constant 0 : i32
    %dma_wait3A_112 = tpu.memref_slice %arg7[%dma_wait3A_110, %dma_wait3A_111] : memref<80x125xi32, #tpu.memory_space<vmem>> -> memref<1x125xi32, #tpu.memory_space<vmem>>
    %dma_wait3A_113 = tpu.memref_squeeze %dma_wait3A_112 : memref<1x125xi32, #tpu.memory_space<vmem>> -> memref<125xi32, #tpu.memory_space<vmem>>
    %dma_wait3A_114 = arith.constant 0 : i32
    %dma_wait3A_115 = arith.constant 0 : i32
    %dma_wait3A_116 = tpu.memref_slice %arg13[%dma_wait3A_114, %dma_wait3A_115] : memref<10000x64xf32, #tpu.memory_space<vmem_shared>> -> memref<10000x64xf32, #tpu.memory_space<vmem_shared>>
    tpu.wait_indirect_dma semaphore(%arg22 : memref<!tpu.dma_semaphore, #tpu.memory_space<semaphore_mem>>) src(%arg12 : memref<125x64xf32, #tpu.memory_space<vmem>>) dst(%dma_wait3A_116 : memref<10000x64xf32, #tpu.memory_space<vmem_shared>>)
    %barrier3A_117 = arith.constant 0 : index
    tpu.barrier barrier_id(%barrier3A_117)
    %mul3A_118 = arith.constant 624 : i32
    %mul3A_119 = arith.muli %arg1, %mul3A_118 : i32
    %mul3A_120 = arith.constant 624 : i32
    %mul3A_121 = arith.muli %arg1, %mul3A_120 : i32
    "tpu.region"() ({
      %run_scoped3A = tpu.sem_alloc : memref<!tpu.dma_semaphore, #tpu.memory_space<semaphore_mem>>
      %dma_start3A_124 = arith.constant 0 : i32
      %dma_start3A_125 = tpu.memref_slice %arg5[%arg0, %mul3A_121, %dma_start3A_124] : memref<2x10000x64xf32, #tpu.memory_space<hbm>> -> memref<1x624x64xf32, #tpu.memory_space<hbm>>
      %dma_start3A_126 = tpu.memref_squeeze %dma_start3A_125 : memref<1x624x64xf32, #tpu.memory_space<hbm>> -> memref<624x64xf32, #tpu.memory_space<hbm>>
      %dma_start3A_127 = arith.constant 0 : i32
      %dma_start3A_128 = tpu.memref_slice %arg13[%mul3A_119, %dma_start3A_127] : memref<10000x64xf32, #tpu.memory_space<vmem_shared>> -> memref<624x64xf32, #tpu.memory_space<vmem_shared>>
      tpu.enqueue_dma source(%dma_start3A_128 : memref<624x64xf32, #tpu.memory_space<vmem_shared>>) target(%dma_start3A_126 : memref<624x64xf32, #tpu.memory_space<hbm>>) target_semaphore(%run_scoped3A : memref<!tpu.dma_semaphore, #tpu.memory_space<semaphore_mem>>)
      %dma_wait3A_129 = arith.constant 0 : i32
      %dma_wait3A_130 = tpu.memref_slice %arg5[%arg0, %mul3A_121, %dma_wait3A_129] : memref<2x10000x64xf32, #tpu.memory_space<hbm>> -> memref<1x624x64xf32, #tpu.memory_space<hbm>>
      %dma_wait3A_131 = tpu.memref_squeeze %dma_wait3A_130 : memref<1x624x64xf32, #tpu.memory_space<hbm>> -> memref<624x64xf32, #tpu.memory_space<hbm>>
      %dma_wait3A_132 = arith.constant 0 : i32
      %dma_wait3A_133 = tpu.memref_slice %arg13[%mul3A_119, %dma_wait3A_132] : memref<10000x64xf32, #tpu.memory_space<vmem_shared>> -> memref<624x64xf32, #tpu.memory_space<vmem_shared>>
      tpu.wait_dma2 semaphore(%run_scoped3A : memref<!tpu.dma_semaphore, #tpu.memory_space<semaphore_mem>>) src(%dma_wait3A_133 : memref<624x64xf32, #tpu.memory_space<vmem_shared>>) dst(%dma_wait3A_131 : memref<624x64xf32, #tpu.memory_space<hbm>>)
      tpu.yield
    }) : () -> ()
    %eq3A = arith.constant 15 : i32
    %eq3A_122 = arith.cmpi eq, %arg1, %eq3A : i32
    %convert_element_type3A = arith.extui %eq3A_122 : i1 to i32
    %cond3A = arith.constant 0 : i32
    %cond3A_123 = arith.cmpi ne, %convert_element_type3A, %cond3A : i32
    scf.if %cond3A_123 {
      "tpu.region"() ({
        %run_scoped3A = tpu.sem_alloc : memref<!tpu.dma_semaphore, #tpu.memory_space<semaphore_mem>>
        %dma_start3A_124 = arith.constant 9984 : i32
        %dma_start3A_125 = arith.constant 0 : i32
        %dma_start3A_126 = tpu.memref_slice %arg5[%arg0, %dma_start3A_124, %dma_start3A_125] : memref<2x10000x64xf32, #tpu.memory_space<hbm>> -> memref<1x16x64xf32, #tpu.memory_space<hbm>>
        %dma_start3A_127 = tpu.memref_squeeze %dma_start3A_126 : memref<1x16x64xf32, #tpu.memory_space<hbm>> -> memref<16x64xf32, #tpu.memory_space<hbm>>
        %dma_start3A_128 = arith.constant 9984 : i32
        %dma_start3A_129 = arith.constant 0 : i32
        %dma_start3A_130 = tpu.memref_slice %arg13[%dma_start3A_128, %dma_start3A_129] : memref<10000x64xf32, #tpu.memory_space<vmem_shared>> -> memref<16x64xf32, #tpu.memory_space<vmem_shared>>
        tpu.enqueue_dma source(%dma_start3A_130 : memref<16x64xf32, #tpu.memory_space<vmem_shared>>) target(%dma_start3A_127 : memref<16x64xf32, #tpu.memory_space<hbm>>) target_semaphore(%run_scoped3A : memref<!tpu.dma_semaphore, #tpu.memory_space<semaphore_mem>>)
        %dma_wait3A_131 = arith.constant 9984 : i32
        %dma_wait3A_132 = arith.constant 0 : i32
        %dma_wait3A_133 = tpu.memref_slice %arg5[%arg0, %dma_wait3A_131, %dma_wait3A_132] : memref<2x10000x64xf32, #tpu.memory_space<hbm>> -> memref<1x16x64xf32, #tpu.memory_space<hbm>>
        %dma_wait3A_134 = tpu.memref_squeeze %dma_wait3A_133 : memref<1x16x64xf32, #tpu.memory_space<hbm>> -> memref<16x64xf32, #tpu.memory_space<hbm>>
        %dma_wait3A_135 = arith.constant 9984 : i32
        %dma_wait3A_136 = arith.constant 0 : i32
        %dma_wait3A_137 = tpu.memref_slice %arg13[%dma_wait3A_135, %dma_wait3A_136] : memref<10000x64xf32, #tpu.memory_space<vmem_shared>> -> memref<16x64xf32, #tpu.memory_space<vmem_shared>>
        tpu.wait_dma2 semaphore(%run_scoped3A : memref<!tpu.dma_semaphore, #tpu.memory_space<semaphore_mem>>) src(%dma_wait3A_137 : memref<16x64xf32, #tpu.memory_space<vmem_shared>>) dst(%dma_wait3A_134 : memref<16x64xf32, #tpu.memory_space<hbm>>)
        tpu.yield
      }) : () -> ()
    } else {
    }
    return
  }
}

#map = affine_map<(d0, d1) -> (0, 0)>
#map1 = affine_map<(d0, d1) -> (0, 0, 0)>
module attributes {stable_mosaic.version = 14 : i64} {
  func.func @body(%arg0: i32, %arg1: i32, %arg2: memref<10000x64xf32, #tpu.memory_space<hbm>>, %arg3: memref<32x80x125xi32, #tpu.memory_space<hbm>>, %arg4: memref<32x80x125xi32, #tpu.memory_space<hbm>>, %arg5: memref<2x10000x64xf32, #tpu.memory_space<hbm>>, %arg6: memref<80x125xi32, #tpu.memory_space<vmem>>, %arg7: memref<80x125xi32, #tpu.memory_space<vmem>>, %arg8: memref<125x64xf32, #tpu.memory_space<vmem>>, %arg9: memref<125x64xf32, #tpu.memory_space<vmem>>, %arg10: memref<125x64xf32, #tpu.memory_space<vmem>>, %arg11: memref<125x64xf32, #tpu.memory_space<vmem>>, %arg12: memref<125x64xf32, #tpu.memory_space<vmem>>, %arg13: memref<10000x64xf32, #tpu.memory_space<vmem_shared>>, %arg14: memref<!tpu.dma_semaphore, #tpu.memory_space<semaphore_mem>>, %arg15: memref<!tpu.dma_semaphore, #tpu.memory_space<semaphore_mem>>, %arg16: memref<!tpu.dma_semaphore, #tpu.memory_space<semaphore_mem>>, %arg17: memref<!tpu.dma_semaphore, #tpu.memory_space<semaphore_mem>>, %arg18: memref<!tpu.dma_semaphore, #tpu.memory_space<semaphore_mem>>, %arg19: memref<!tpu.dma_semaphore, #tpu.memory_space<semaphore_mem>>, %arg20: memref<!tpu.dma_semaphore, #tpu.memory_space<semaphore_mem>>, %arg21: memref<!tpu.dma_semaphore, #tpu.memory_space<semaphore_mem>>, %arg22: memref<!tpu.dma_semaphore, #tpu.memory_space<semaphore_mem>>) attributes {dimension_semantics = [#tpu.dimension_semantics<core_parallel>, #tpu.dimension_semantics<subcore_parallel>], iteration_bounds = array<i64: 2, 16>, scalar_prefetch = 0 : i64, scratch_operands = 17 : i64, tpu.core_type = #tpu.core_type<sc_vector_subcore>, window_params = [{transform_indices = #map}, {transform_indices = #map1}, {transform_indices = #map1}, {transform_indices = #map1}]} {
    %mul3A = arith.constant 2 : i32
    %mul3A_0 = arith.muli %arg1, %mul3A : i32
    %add3A = arith.addi %mul3A_0, %arg0 : i32
    %dma_start3A = arith.constant 0 : i32
    %dma_start3A_1 = arith.constant 0 : i32
    %dma_start3A_2 = tpu.memref_slice %arg3[%add3A, %dma_start3A, %dma_start3A_1] : memref<32x80x125xi32, #tpu.memory_space<hbm>> -> memref<1x80x125xi32, #tpu.memory_space<hbm>>
    %dma_start3A_3 = tpu.memref_squeeze %dma_start3A_2 : memref<1x80x125xi32, #tpu.memory_space<hbm>> -> memref<80x125xi32, #tpu.memory_space<hbm>>
    %dma_start3A_4 = arith.constant 0 : i32
    %dma_start3A_5 = arith.constant 0 : i32
    %dma_start3A_6 = tpu.memref_slice %arg3[%add3A, %dma_start3A_4, %dma_start3A_5] : memref<32x80x125xi32, #tpu.memory_space<hbm>> -> memref<1x80x125xi32, #tpu.memory_space<hbm>>
    %dma_start3A_7 = tpu.memref_squeeze %dma_start3A_6 : memref<1x80x125xi32, #tpu.memory_space<hbm>> -> memref<80x125xi32, #tpu.memory_space<hbm>>
    tpu.enqueue_dma source(%dma_start3A_7 : memref<80x125xi32, #tpu.memory_space<hbm>>) target(%arg6 : memref<80x125xi32, #tpu.memory_space<vmem>>) target_semaphore(%arg14 : memref<!tpu.dma_semaphore, #tpu.memory_space<semaphore_mem>>)
    %dma_start3A_8 = arith.constant 0 : i32
    %dma_start3A_9 = arith.constant 0 : i32
    %dma_start3A_10 = tpu.memref_slice %arg4[%add3A, %dma_start3A_8, %dma_start3A_9] : memref<32x80x125xi32, #tpu.memory_space<hbm>> -> memref<1x80x125xi32, #tpu.memory_space<hbm>>
    %dma_start3A_11 = tpu.memref_squeeze %dma_start3A_10 : memref<1x80x125xi32, #tpu.memory_space<hbm>> -> memref<80x125xi32, #tpu.memory_space<hbm>>
    %dma_start3A_12 = arith.constant 0 : i32
    %dma_start3A_13 = arith.constant 0 : i32
    %dma_start3A_14 = tpu.memref_slice %arg4[%add3A, %dma_start3A_12, %dma_start3A_13] : memref<32x80x125xi32, #tpu.memory_space<hbm>> -> memref<1x80x125xi32, #tpu.memory_space<hbm>>
    %dma_start3A_15 = tpu.memref_squeeze %dma_start3A_14 : memref<1x80x125xi32, #tpu.memory_space<hbm>> -> memref<80x125xi32, #tpu.memory_space<hbm>>
    tpu.enqueue_dma source(%dma_start3A_15 : memref<80x125xi32, #tpu.memory_space<hbm>>) target(%arg7 : memref<80x125xi32, #tpu.memory_space<vmem>>) target_semaphore(%arg14 : memref<!tpu.dma_semaphore, #tpu.memory_space<semaphore_mem>>)
    %broadcast_in_dim3A = arith.constant 0.000000e+00 : f32
    %broadcast_in_dim3A_16 = vector.broadcast %broadcast_in_dim3A : f32 to vector<16xf32>
    %scan3A = arith.constant 0 : i32
    %scan3A_17 = arith.constant 125 : i32
    %scan3A_18 = arith.addi %scan3A, %scan3A_17 : i32
    %scan3A_19 = arith.constant 1 : i32
    scf.for %scan3A_124 = %scan3A to %scan3A_18 step %scan3A_19  : i32 {
      %mul3A_125 = arith.constant 1 : i32
      %mul3A_126 = arith.muli %scan3A_124, %mul3A_125 : i32
      %add3A_127 = arith.constant 0 : i32
      %add3A_128 = arith.addi %add3A_127, %mul3A_126 : i32
      %swap3A = arith.index_cast %add3A_128 : i32 to index
      %swap3A_129 = arith.constant 0 : index
      %swap3A_130 = tpu.vector_load %arg8[%swap3A, %swap3A_129] {strides = array<i32>} : memref<125x64xf32, #tpu.memory_space<vmem>>, vector<1x16xf32>,
      %swap3A_131 = vector.shape_cast %swap3A_130 : vector<1x16xf32> to vector<16xf32>
      %swap3A_132 = vector.shape_cast %broadcast_in_dim3A_16 : vector<16xf32> to vector<1x16xf32>
      tpu.vector_store %arg8[%swap3A, %swap3A_129], %swap3A_132 {strides = array<i32>} : memref<125x64xf32, #tpu.memory_space<vmem>>, vector<1x16xf32>,
      %swap3A_133 = arith.index_cast %add3A_128 : i32 to index
      %swap3A_134 = arith.constant 16 : index
      %swap3A_135 = tpu.vector_load %arg8[%swap3A_133, %swap3A_134] {strides = array<i32>} : memref<125x64xf32, #tpu.memory_space<vmem>>, vector<1x16xf32>,
      %swap3A_136 = vector.shape_cast %swap3A_135 : vector<1x16xf32> to vector<16xf32>
      %swap3A_137 = vector.shape_cast %broadcast_in_dim3A_16 : vector<16xf32> to vector<1x16xf32>
      tpu.vector_store %arg8[%swap3A_133, %swap3A_134], %swap3A_137 {strides = array<i32>} : memref<125x64xf32, #tpu.memory_space<vmem>>, vector<1x16xf32>,
      %swap3A_138 = arith.index_cast %add3A_128 : i32 to index
      %swap3A_139 = arith.constant 32 : index
      %swap3A_140 = tpu.vector_load %arg8[%swap3A_138, %swap3A_139] {strides = array<i32>} : memref<125x64xf32, #tpu.memory_space<vmem>>, vector<1x16xf32>,
      %swap3A_141 = vector.shape_cast %swap3A_140 : vector<1x16xf32> to vector<16xf32>
      %swap3A_142 = vector.shape_cast %broadcast_in_dim3A_16 : vector<16xf32> to vector<1x16xf32>
      tpu.vector_store %arg8[%swap3A_138, %swap3A_139], %swap3A_142 {strides = array<i32>} : memref<125x64xf32, #tpu.memory_space<vmem>>, vector<1x16xf32>,
      %swap3A_143 = arith.index_cast %add3A_128 : i32 to index
      %swap3A_144 = arith.constant 48 : index
      %swap3A_145 = tpu.vector_load %arg8[%swap3A_143, %swap3A_144] {strides = array<i32>} : memref<125x64xf32, #tpu.memory_space<vmem>>, vector<1x16xf32>,
      %swap3A_146 = vector.shape_cast %swap3A_145 : vector<1x16xf32> to vector<16xf32>
      %swap3A_147 = vector.shape_cast %broadcast_in_dim3A_16 : vector<16xf32> to vector<1x16xf32>
      tpu.vector_store %arg8[%swap3A_143, %swap3A_144], %swap3A_147 {strides = array<i32>} : memref<125x64xf32, #tpu.memory_space<vmem>>, vector<1x16xf32>,
    }
    %scan3A_20 = arith.constant 125 : i32
    %mul3A_21 = arith.constant 625 : i32
    %mul3A_22 = arith.muli %arg1, %mul3A_21 : i32
    %add3A_23 = arith.constant 0 : i32
    %add3A_24 = arith.addi %mul3A_22, %add3A_23 : i32
    "tpu.region"() ({
      %run_scoped3A = tpu.sem_alloc : memref<!tpu.dma_semaphore, #tpu.memory_space<semaphore_mem>>
      %dma_start3A_124 = arith.constant 0 : i32
      %dma_start3A_125 = tpu.memref_slice %arg13[%add3A_24, %dma_start3A_124] : memref<10000x64xf32, #tpu.memory_space<vmem_shared>> -> memref<125x64xf32, #tpu.memory_space<vmem_shared>>
      %dma_start3A_126 = arith.constant 0 : i32
      %dma_start3A_127 = tpu.memref_slice %arg13[%add3A_24, %dma_start3A_126] : memref<10000x64xf32, #tpu.memory_space<vmem_shared>> -> memref<125x64xf32, #tpu.memory_space<vmem_shared>>
      tpu.enqueue_dma source(%arg8 : memref<125x64xf32, #tpu.memory_space<vmem>>) target(%dma_start3A_127 : memref<125x64xf32, #tpu.memory_space<vmem_shared>>) target_semaphore(%run_scoped3A : memref<!tpu.dma_semaphore, #tpu.memory_space<semaphore_mem>>)
      %dma_wait3A_128 = arith.constant 0 : i32
      %dma_wait3A_129 = tpu.memref_slice %arg13[%add3A_24, %dma_wait3A_128] : memref<10000x64xf32, #tpu.memory_space<vmem_shared>> -> memref<125x64xf32, #tpu.memory_space<vmem_shared>>
      %dma_wait3A_130 = arith.constant 0 : i32
      %dma_wait3A_131 = tpu.memref_slice %arg13[%add3A_24, %dma_wait3A_130] : memref<10000x64xf32, #tpu.memory_space<vmem_shared>> -> memref<125x64xf32, #tpu.memory_space<vmem_shared>>
      tpu.wait_dma2 semaphore(%run_scoped3A : memref<!tpu.dma_semaphore, #tpu.memory_space<semaphore_mem>>) src(%arg8 : memref<125x64xf32, #tpu.memory_space<vmem>>) dst(%dma_wait3A_131 : memref<125x64xf32, #tpu.memory_space<vmem_shared>>)
      tpu.yield
    }) : () -> ()
    %mul3A_25 = arith.constant 625 : i32
    %mul3A_26 = arith.muli %arg1, %mul3A_25 : i32
    %add3A_27 = arith.constant 125 : i32
    %add3A_28 = arith.addi %mul3A_26, %add3A_27 : i32
    "tpu.region"() ({
      %run_scoped3A = tpu.sem_alloc : memref<!tpu.dma_semaphore, #tpu.memory_space<semaphore_mem>>
      %dma_start3A_124 = arith.constant 0 : i32
      %dma_start3A_125 = tpu.memref_slice %arg13[%add3A_28, %dma_start3A_124] : memref<10000x64xf32, #tpu.memory_space<vmem_shared>> -> memref<125x64xf32, #tpu.memory_space<vmem_shared>>
      %dma_start3A_126 = arith.constant 0 : i32
      %dma_start3A_127 = tpu.memref_slice %arg13[%add3A_28, %dma_start3A_126] : memref<10000x64xf32, #tpu.memory_space<vmem_shared>> -> memref<125x64xf32, #tpu.memory_space<vmem_shared>>
      tpu.enqueue_dma source(%arg8 : memref<125x64xf32, #tpu.memory_space<vmem>>) target(%dma_start3A_127 : memref<125x64xf32, #tpu.memory_space<vmem_shared>>) target_semaphore(%run_scoped3A : memref<!tpu.dma_semaphore, #tpu.memory_space<semaphore_mem>>)
      %dma_wait3A_128 = arith.constant 0 : i32
      %dma_wait3A_129 = tpu.memref_slice %arg13[%add3A_28, %dma_wait3A_128] : memref<10000x64xf32, #tpu.memory_space<vmem_shared>> -> memref<125x64xf32, #tpu.memory_space<vmem_shared>>
      %dma_wait3A_130 = arith.constant 0 : i32
      %dma_wait3A_131 = tpu.memref_slice %arg13[%add3A_28, %dma_wait3A_130] : memref<10000x64xf32, #tpu.memory_space<vmem_shared>> -> memref<125x64xf32, #tpu.memory_space<vmem_shared>>
      tpu.wait_dma2 semaphore(%run_scoped3A : memref<!tpu.dma_semaphore, #tpu.memory_space<semaphore_mem>>) src(%arg8 : memref<125x64xf32, #tpu.memory_space<vmem>>) dst(%dma_wait3A_131 : memref<125x64xf32, #tpu.memory_space<vmem_shared>>)
      tpu.yield
    }) : () -> ()
    %mul3A_29 = arith.constant 625 : i32
    %mul3A_30 = arith.muli %arg1, %mul3A_29 : i32
    %add3A_31 = arith.constant 250 : i32
    %add3A_32 = arith.addi %mul3A_30, %add3A_31 : i32
    "tpu.region"() ({
      %run_scoped3A = tpu.sem_alloc : memref<!tpu.dma_semaphore, #tpu.memory_space<semaphore_mem>>
      %dma_start3A_124 = arith.constant 0 : i32
      %dma_start3A_125 = tpu.memref_slice %arg13[%add3A_32, %dma_start3A_124] : memref<10000x64xf32, #tpu.memory_space<vmem_shared>> -> memref<125x64xf32, #tpu.memory_space<vmem_shared>>
      %dma_start3A_126 = arith.constant 0 : i32
      %dma_start3A_127 = tpu.memref_slice %arg13[%add3A_32, %dma_start3A_126] : memref<10000x64xf32, #tpu.memory_space<vmem_shared>> -> memref<125x64xf32, #tpu.memory_space<vmem_shared>>
      tpu.enqueue_dma source(%arg8 : memref<125x64xf32, #tpu.memory_space<vmem>>) target(%dma_start3A_127 : memref<125x64xf32, #tpu.memory_space<vmem_shared>>) target_semaphore(%run_scoped3A : memref<!tpu.dma_semaphore, #tpu.memory_space<semaphore_mem>>)
      %dma_wait3A_128 = arith.constant 0 : i32
      %dma_wait3A_129 = tpu.memref_slice %arg13[%add3A_32, %dma_wait3A_128] : memref<10000x64xf32, #tpu.memory_space<vmem_shared>> -> memref<125x64xf32, #tpu.memory_space<vmem_shared>>
      %dma_wait3A_130 = arith.constant 0 : i32
      %dma_wait3A_131 = tpu.memref_slice %arg13[%add3A_32, %dma_wait3A_130] : memref<10000x64xf32, #tpu.memory_space<vmem_shared>> -> memref<125x64xf32, #tpu.memory_space<vmem_shared>>
      tpu.wait_dma2 semaphore(%run_scoped3A : memref<!tpu.dma_semaphore, #tpu.memory_space<semaphore_mem>>) src(%arg8 : memref<125x64xf32, #tpu.memory_space<vmem>>) dst(%dma_wait3A_131 : memref<125x64xf32, #tpu.memory_space<vmem_shared>>)
      tpu.yield
    }) : () -> ()
    %mul3A_33 = arith.constant 625 : i32
    %mul3A_34 = arith.muli %arg1, %mul3A_33 : i32
    %add3A_35 = arith.constant 375 : i32
    %add3A_36 = arith.addi %mul3A_34, %add3A_35 : i32
    "tpu.region"() ({
      %run_scoped3A = tpu.sem_alloc : memref<!tpu.dma_semaphore, #tpu.memory_space<semaphore_mem>>
      %dma_start3A_124 = arith.constant 0 : i32
      %dma_start3A_125 = tpu.memref_slice %arg13[%add3A_36, %dma_start3A_124] : memref<10000x64xf32, #tpu.memory_space<vmem_shared>> -> memref<125x64xf32, #tpu.memory_space<vmem_shared>>
      %dma_start3A_126 = arith.constant 0 : i32
      %dma_start3A_127 = tpu.memref_slice %arg13[%add3A_36, %dma_start3A_126] : memref<10000x64xf32, #tpu.memory_space<vmem_shared>> -> memref<125x64xf32, #tpu.memory_space<vmem_shared>>
      tpu.enqueue_dma source(%arg8 : memref<125x64xf32, #tpu.memory_space<vmem>>) target(%dma_start3A_127 : memref<125x64xf32, #tpu.memory_space<vmem_shared>>) target_semaphore(%run_scoped3A : memref<!tpu.dma_semaphore, #tpu.memory_space<semaphore_mem>>)
      %dma_wait3A_128 = arith.constant 0 : i32
      %dma_wait3A_129 = tpu.memref_slice %arg13[%add3A_36, %dma_wait3A_128] : memref<10000x64xf32, #tpu.memory_space<vmem_shared>> -> memref<125x64xf32, #tpu.memory_space<vmem_shared>>
      %dma_wait3A_130 = arith.constant 0 : i32
      %dma_wait3A_131 = tpu.memref_slice %arg13[%add3A_36, %dma_wait3A_130] : memref<10000x64xf32, #tpu.memory_space<vmem_shared>> -> memref<125x64xf32, #tpu.memory_space<vmem_shared>>
      tpu.wait_dma2 semaphore(%run_scoped3A : memref<!tpu.dma_semaphore, #tpu.memory_space<semaphore_mem>>) src(%arg8 : memref<125x64xf32, #tpu.memory_space<vmem>>) dst(%dma_wait3A_131 : memref<125x64xf32, #tpu.memory_space<vmem_shared>>)
      tpu.yield
    }) : () -> ()
    %mul3A_37 = arith.constant 625 : i32
    %mul3A_38 = arith.muli %arg1, %mul3A_37 : i32
    %add3A_39 = arith.constant 500 : i32
    %add3A_40 = arith.addi %mul3A_38, %add3A_39 : i32
    "tpu.region"() ({
      %run_scoped3A = tpu.sem_alloc : memref<!tpu.dma_semaphore, #tpu.memory_space<semaphore_mem>>
      %dma_start3A_124 = arith.constant 0 : i32
      %dma_start3A_125 = tpu.memref_slice %arg13[%add3A_40, %dma_start3A_124] : memref<10000x64xf32, #tpu.memory_space<vmem_shared>> -> memref<125x64xf32, #tpu.memory_space<vmem_shared>>
      %dma_start3A_126 = arith.constant 0 : i32
      %dma_start3A_127 = tpu.memref_slice %arg13[%add3A_40, %dma_start3A_126] : memref<10000x64xf32, #tpu.memory_space<vmem_shared>> -> memref<125x64xf32, #tpu.memory_space<vmem_shared>>
      tpu.enqueue_dma source(%arg8 : memref<125x64xf32, #tpu.memory_space<vmem>>) target(%dma_start3A_127 : memref<125x64xf32, #tpu.memory_space<vmem_shared>>) target_semaphore(%run_scoped3A : memref<!tpu.dma_semaphore, #tpu.memory_space<semaphore_mem>>)
      %dma_wait3A_128 = arith.constant 0 : i32
      %dma_wait3A_129 = tpu.memref_slice %arg13[%add3A_40, %dma_wait3A_128] : memref<10000x64xf32, #tpu.memory_space<vmem_shared>> -> memref<125x64xf32, #tpu.memory_space<vmem_shared>>
      %dma_wait3A_130 = arith.constant 0 : i32
      %dma_wait3A_131 = tpu.memref_slice %arg13[%add3A_40, %dma_wait3A_130] : memref<10000x64xf32, #tpu.memory_space<vmem_shared>> -> memref<125x64xf32, #tpu.memory_space<vmem_shared>>
      tpu.wait_dma2 semaphore(%run_scoped3A : memref<!tpu.dma_semaphore, #tpu.memory_space<semaphore_mem>>) src(%arg8 : memref<125x64xf32, #tpu.memory_space<vmem>>) dst(%dma_wait3A_131 : memref<125x64xf32, #tpu.memory_space<vmem_shared>>)
      tpu.yield
    }) : () -> ()
    %dma_wait3A = arith.constant 0 : i32
    %dma_wait3A_41 = arith.constant 0 : i32
    %dma_wait3A_42 = tpu.memref_slice %arg3[%add3A, %dma_wait3A, %dma_wait3A_41] : memref<32x80x125xi32, #tpu.memory_space<hbm>> -> memref<1x80x125xi32, #tpu.memory_space<hbm>>
    %dma_wait3A_43 = tpu.memref_squeeze %dma_wait3A_42 : memref<1x80x125xi32, #tpu.memory_space<hbm>> -> memref<80x125xi32, #tpu.memory_space<hbm>>
    %dma_wait3A_44 = arith.constant 0 : i32
    %dma_wait3A_45 = arith.constant 0 : i32
    %dma_wait3A_46 = tpu.memref_slice %arg3[%add3A, %dma_wait3A_44, %dma_wait3A_45] : memref<32x80x125xi32, #tpu.memory_space<hbm>> -> memref<1x80x125xi32, #tpu.memory_space<hbm>>
    %dma_wait3A_47 = tpu.memref_squeeze %dma_wait3A_46 : memref<1x80x125xi32, #tpu.memory_space<hbm>> -> memref<80x125xi32, #tpu.memory_space<hbm>>
    tpu.wait_dma2 semaphore(%arg14 : memref<!tpu.dma_semaphore, #tpu.memory_space<semaphore_mem>>) src(%dma_wait3A_47 : memref<80x125xi32, #tpu.memory_space<hbm>>) dst(%arg6 : memref<80x125xi32, #tpu.memory_space<vmem>>)
    %dma_wait3A_48 = arith.constant 0 : i32
    %dma_wait3A_49 = arith.constant 0 : i32
    %dma_wait3A_50 = tpu.memref_slice %arg4[%add3A, %dma_wait3A_48, %dma_wait3A_49] : memref<32x80x125xi32, #tpu.memory_space<hbm>> -> memref<1x80x125xi32, #tpu.memory_space<hbm>>
    %dma_wait3A_51 = tpu.memref_squeeze %dma_wait3A_50 : memref<1x80x125xi32, #tpu.memory_space<hbm>> -> memref<80x125xi32, #tpu.memory_space<hbm>>
    %dma_wait3A_52 = arith.constant 0 : i32
    %dma_wait3A_53 = arith.constant 0 : i32
    %dma_wait3A_54 = tpu.memref_slice %arg4[%add3A, %dma_wait3A_52, %dma_wait3A_53] : memref<32x80x125xi32, #tpu.memory_space<hbm>> -> memref<1x80x125xi32, #tpu.memory_space<hbm>>
    %dma_wait3A_55 = tpu.memref_squeeze %dma_wait3A_54 : memref<1x80x125xi32, #tpu.memory_space<hbm>> -> memref<80x125xi32, #tpu.memory_space<hbm>>
    tpu.wait_dma2 semaphore(%arg14 : memref<!tpu.dma_semaphore, #tpu.memory_space<semaphore_mem>>) src(%dma_wait3A_55 : memref<80x125xi32, #tpu.memory_space<hbm>>) dst(%arg7 : memref<80x125xi32, #tpu.memory_space<vmem>>)
    %barrier3A = arith.constant 0 : index
    tpu.barrier barrier_id(%barrier3A)
    %dma_start3A_56 = arith.constant 0 : i32
    %dma_start3A_57 = arith.constant 0 : i32
    %dma_start3A_58 = tpu.memref_slice %arg6[%dma_start3A_56, %dma_start3A_57] : memref<80x125xi32, #tpu.memory_space<vmem>> -> memref<1x125xi32, #tpu.memory_space<vmem>>
    %dma_start3A_59 = tpu.memref_squeeze %dma_start3A_58 : memref<1x125xi32, #tpu.memory_space<vmem>> -> memref<125xi32, #tpu.memory_space<vmem>>
    %dma_start3A_60 = arith.constant 0 : i32
    %dma_start3A_61 = arith.constant 0 : i32
    %dma_start3A_62 = tpu.memref_slice %arg2[%dma_start3A_60, %dma_start3A_61] : memref<10000x64xf32, #tpu.memory_space<hbm>> -> memref<10000x64xf32, #tpu.memory_space<hbm>>
    tpu.enqueue_indirect_dma source(%dma_start3A_62 : memref<10000x64xf32, #tpu.memory_space<hbm>>) target(%arg9 : memref<125x64xf32, #tpu.memory_space<vmem>>) offsets(%dma_start3A_59 : memref<125xi32, #tpu.memory_space<vmem>>) semaphore(%arg15 : memref<!tpu.dma_semaphore, #tpu.memory_space<semaphore_mem>>)
    %dma_start3A_63 = arith.constant 1 : i32
    %dma_start3A_64 = arith.constant 0 : i32
    %dma_start3A_65 = tpu.memref_slice %arg6[%dma_start3A_63, %dma_start3A_64] : memref<80x125xi32, #tpu.memory_space<vmem>> -> memref<1x125xi32, #tpu.memory_space<vmem>>
    %dma_start3A_66 = tpu.memref_squeeze %dma_start3A_65 : memref<1x125xi32, #tpu.memory_space<vmem>> -> memref<125xi32, #tpu.memory_space<vmem>>
    %dma_start3A_67 = arith.constant 0 : i32
    %dma_start3A_68 = arith.constant 0 : i32
    %dma_start3A_69 = tpu.memref_slice %arg2[%dma_start3A_67, %dma_start3A_68] : memref<10000x64xf32, #tpu.memory_space<hbm>> -> memref<10000x64xf32, #tpu.memory_space<hbm>>
    tpu.enqueue_indirect_dma source(%dma_start3A_69 : memref<10000x64xf32, #tpu.memory_space<hbm>>) target(%arg10 : memref<125x64xf32, #tpu.memory_space<vmem>>) offsets(%dma_start3A_66 : memref<125xi32, #tpu.memory_space<vmem>>) semaphore(%arg16 : memref<!tpu.dma_semaphore, #tpu.memory_space<semaphore_mem>>)
    %dma_start3A_70 = arith.constant 2 : i32
    %dma_start3A_71 = arith.constant 0 : i32
    %dma_start3A_72 = tpu.memref_slice %arg6[%dma_start3A_70, %dma_start3A_71] : memref<80x125xi32, #tpu.memory_space<vmem>> -> memref<1x125xi32, #tpu.memory_space<vmem>>
    %dma_start3A_73 = tpu.memref_squeeze %dma_start3A_72 : memref<1x125xi32, #tpu.memory_space<vmem>> -> memref<125xi32, #tpu.memory_space<vmem>>
    %dma_start3A_74 = arith.constant 0 : i32
    %dma_start3A_75 = arith.constant 0 : i32
    %dma_start3A_76 = tpu.memref_slice %arg2[%dma_start3A_74, %dma_start3A_75] : memref<10000x64xf32, #tpu.memory_space<hbm>> -> memref<10000x64xf32, #tpu.memory_space<hbm>>
    tpu.enqueue_indirect_dma source(%dma_start3A_76 : memref<10000x64xf32, #tpu.memory_space<hbm>>) target(%arg11 : memref<125x64xf32, #tpu.memory_space<vmem>>) offsets(%dma_start3A_73 : memref<125xi32, #tpu.memory_space<vmem>>) semaphore(%arg17 : memref<!tpu.dma_semaphore, #tpu.memory_space<semaphore_mem>>)
    %dma_start3A_77 = arith.constant 3 : i32
    %dma_start3A_78 = arith.constant 0 : i32
    %dma_start3A_79 = tpu.memref_slice %arg6[%dma_start3A_77, %dma_start3A_78] : memref<80x125xi32, #tpu.memory_space<vmem>> -> memref<1x125xi32, #tpu.memory_space<vmem>>
    %dma_start3A_80 = tpu.memref_squeeze %dma_start3A_79 : memref<1x125xi32, #tpu.memory_space<vmem>> -> memref<125xi32, #tpu.memory_space<vmem>>
    %dma_start3A_81 = arith.constant 0 : i32
    %dma_start3A_82 = arith.constant 0 : i32
    %dma_start3A_83 = tpu.memref_slice %arg2[%dma_start3A_81, %dma_start3A_82] : memref<10000x64xf32, #tpu.memory_space<hbm>> -> memref<10000x64xf32, #tpu.memory_space<hbm>>
    tpu.enqueue_indirect_dma source(%dma_start3A_83 : memref<10000x64xf32, #tpu.memory_space<hbm>>) target(%arg12 : memref<125x64xf32, #tpu.memory_space<vmem>>) offsets(%dma_start3A_80 : memref<125xi32, #tpu.memory_space<vmem>>) semaphore(%arg18 : memref<!tpu.dma_semaphore, #tpu.memory_space<semaphore_mem>>)
    %scan3A_84 = arith.constant 0 : i32
    %scan3A_85 = arith.constant 20 : i32
    %scan3A_86 = arith.addi %scan3A_84, %scan3A_85 : i32
    %scan3A_87 = arith.constant 1 : i32
    scf.for %scan3A_124 = %scan3A_84 to %scan3A_86 step %scan3A_87  : i32 {
      %mul3A_125 = arith.constant 4 : i32
      %mul3A_126 = arith.muli %scan3A_124, %mul3A_125 : i32
      %add3A_127 = arith.constant 0 : i32
      %add3A_128 = arith.addi %add3A_127, %mul3A_126 : i32
      %add3A_129 = arith.constant 0 : i32
      %add3A_130 = arith.addi %add3A_128, %add3A_129 : i32
      %dma_wait3A_131 = arith.constant 0 : i32
      %dma_wait3A_132 = tpu.memref_slice %arg6[%add3A_130, %dma_wait3A_131] : memref<80x125xi32, #tpu.memory_space<vmem>> -> memref<1x125xi32, #tpu.memory_space<vmem>>
      %dma_wait3A_133 = tpu.memref_squeeze %dma_wait3A_132 : memref<1x125xi32, #tpu.memory_space<vmem>> -> memref<125xi32, #tpu.memory_space<vmem>>
      %dma_wait3A_134 = arith.constant 0 : i32
      %dma_wait3A_135 = arith.constant 0 : i32
      %dma_wait3A_136 = tpu.memref_slice %arg2[%dma_wait3A_134, %dma_wait3A_135] : memref<10000x64xf32, #tpu.memory_space<hbm>> -> memref<10000x64xf32, #tpu.memory_space<hbm>>
      tpu.wait_indirect_dma semaphore(%arg15 : memref<!tpu.dma_semaphore, #tpu.memory_space<semaphore_mem>>) src(%dma_wait3A_136 : memref<10000x64xf32, #tpu.memory_space<hbm>>) dst(%arg9 : memref<125x64xf32, #tpu.memory_space<vmem>>)
      %dma_start3A_137 = arith.constant 0 : i32
      %dma_start3A_138 = tpu.memref_slice %arg7[%add3A_130, %dma_start3A_137] : memref<80x125xi32, #tpu.memory_space<vmem>> -> memref<1x125xi32, #tpu.memory_space<vmem>>
      %dma_start3A_139 = tpu.memref_squeeze %dma_start3A_138 : memref<1x125xi32, #tpu.memory_space<vmem>> -> memref<125xi32, #tpu.memory_space<vmem>>
      %dma_start3A_140 = arith.constant 0 : i32
      %dma_start3A_141 = arith.constant 0 : i32
      %dma_start3A_142 = tpu.memref_slice %arg13[%dma_start3A_140, %dma_start3A_141] : memref<10000x64xf32, #tpu.memory_space<vmem_shared>> -> memref<10000x64xf32, #tpu.memory_space<vmem_shared>>
      tpu.enqueue_indirect_dma source(%arg9 : memref<125x64xf32, #tpu.memory_space<vmem>>) target(%dma_start3A_142 : memref<10000x64xf32, #tpu.memory_space<vmem_shared>>) offsets(%dma_start3A_139 : memref<125xi32, #tpu.memory_space<vmem>>) semaphore(%arg19 : memref<!tpu.dma_semaphore, #tpu.memory_space<semaphore_mem>>) {add = true}
      %add3A_143 = arith.constant 4 : i32
      %add3A_144 = arith.addi %add3A_130, %add3A_143 : i32
      %lt3A = arith.constant 80 : i32
      %lt3A_145 = arith.cmpi slt, %add3A_144, %lt3A : i32
      %convert_element_type3A_146 = arith.extui %lt3A_145 : i1 to i32
      %cond3A_147 = arith.constant 0 : i32
      %cond3A_148 = arith.cmpi ne, %convert_element_type3A_146, %cond3A_147 : i32
      scf.if %cond3A_148 {
        %dma_wait3A_212 = arith.constant 0 : i32
        %dma_wait3A_213 = tpu.memref_slice %arg7[%add3A_130, %dma_wait3A_212] : memref<80x125xi32, #tpu.memory_space<vmem>> -> memref<1x125xi32, #tpu.memory_space<vmem>>
        %dma_wait3A_214 = tpu.memref_squeeze %dma_wait3A_213 : memref<1x125xi32, #tpu.memory_space<vmem>> -> memref<125xi32, #tpu.memory_space<vmem>>
        %dma_wait3A_215 = arith.constant 0 : i32
        %dma_wait3A_216 = arith.constant 0 : i32
        %dma_wait3A_217 = tpu.memref_slice %arg13[%dma_wait3A_215, %dma_wait3A_216] : memref<10000x64xf32, #tpu.memory_space<vmem_shared>> -> memref<10000x64xf32, #tpu.memory_space<vmem_shared>>
        tpu.wait_indirect_dma semaphore(%arg19 : memref<!tpu.dma_semaphore, #tpu.memory_space<semaphore_mem>>) src(%arg9 : memref<125x64xf32, #tpu.memory_space<vmem>>) dst(%dma_wait3A_217 : memref<10000x64xf32, #tpu.memory_space<vmem_shared>>)
        %add3A_218 = arith.constant 4 : i32
        %add3A_219 = arith.addi %add3A_130, %add3A_218 : i32
        %dma_start3A_220 = arith.constant 0 : i32
        %dma_start3A_221 = tpu.memref_slice %arg6[%add3A_219, %dma_start3A_220] : memref<80x125xi32, #tpu.memory_space<vmem>> -> memref<1x125xi32, #tpu.memory_space<vmem>>
        %dma_start3A_222 = tpu.memref_squeeze %dma_start3A_221 : memref<1x125xi32, #tpu.memory_space<vmem>> -> memref<125xi32, #tpu.memory_space<vmem>>
        %dma_start3A_223 = arith.constant 0 : i32
        %dma_start3A_224 = arith.constant 0 : i32
        %dma_start3A_225 = tpu.memref_slice %arg2[%dma_start3A_223, %dma_start3A_224] : memref<10000x64xf32, #tpu.memory_space<hbm>> -> memref<10000x64xf32, #tpu.memory_space<hbm>>
        tpu.enqueue_indirect_dma source(%dma_start3A_225 : memref<10000x64xf32, #tpu.memory_space<hbm>>) target(%arg9 : memref<125x64xf32, #tpu.memory_space<vmem>>) offsets(%dma_start3A_222 : memref<125xi32, #tpu.memory_space<vmem>>) semaphore(%arg15 : memref<!tpu.dma_semaphore, #tpu.memory_space<semaphore_mem>>)
      } else {
      }
      %add3A_149 = arith.constant 1 : i32
      %add3A_150 = arith.addi %add3A_128, %add3A_149 : i32
      %dma_wait3A_151 = arith.constant 0 : i32
      %dma_wait3A_152 = tpu.memref_slice %arg6[%add3A_150, %dma_wait3A_151] : memref<80x125xi32, #tpu.memory_space<vmem>> -> memref<1x125xi32, #tpu.memory_space<vmem>>
      %dma_wait3A_153 = tpu.memref_squeeze %dma_wait3A_152 : memref<1x125xi32, #tpu.memory_space<vmem>> -> memref<125xi32, #tpu.memory_space<vmem>>
      %dma_wait3A_154 = arith.constant 0 : i32
      %dma_wait3A_155 = arith.constant 0 : i32
      %dma_wait3A_156 = tpu.memref_slice %arg2[%dma_wait3A_154, %dma_wait3A_155] : memref<10000x64xf32, #tpu.memory_space<hbm>> -> memref<10000x64xf32, #tpu.memory_space<hbm>>
      tpu.wait_indirect_dma semaphore(%arg16 : memref<!tpu.dma_semaphore, #tpu.memory_space<semaphore_mem>>) src(%dma_wait3A_156 : memref<10000x64xf32, #tpu.memory_space<hbm>>) dst(%arg10 : memref<125x64xf32, #tpu.memory_space<vmem>>)
      %dma_start3A_157 = arith.constant 0 : i32
      %dma_start3A_158 = tpu.memref_slice %arg7[%add3A_150, %dma_start3A_157] : memref<80x125xi32, #tpu.memory_space<vmem>> -> memref<1x125xi32, #tpu.memory_space<vmem>>
      %dma_start3A_159 = tpu.memref_squeeze %dma_start3A_158 : memref<1x125xi32, #tpu.memory_space<vmem>> -> memref<125xi32, #tpu.memory_space<vmem>>
      %dma_start3A_160 = arith.constant 0 : i32
      %dma_start3A_161 = arith.constant 0 : i32
      %dma_start3A_162 = tpu.memref_slice %arg13[%dma_start3A_160, %dma_start3A_161] : memref<10000x64xf32, #tpu.memory_space<vmem_shared>> -> memref<10000x64xf32, #tpu.memory_space<vmem_shared>>
      tpu.enqueue_indirect_dma source(%arg10 : memref<125x64xf32, #tpu.memory_space<vmem>>) target(%dma_start3A_162 : memref<10000x64xf32, #tpu.memory_space<vmem_shared>>) offsets(%dma_start3A_159 : memref<125xi32, #tpu.memory_space<vmem>>) semaphore(%arg20 : memref<!tpu.dma_semaphore, #tpu.memory_space<semaphore_mem>>) {add = true}
      %add3A_163 = arith.constant 4 : i32
      %add3A_164 = arith.addi %add3A_150, %add3A_163 : i32
      %lt3A_165 = arith.constant 80 : i32
      %lt3A_166 = arith.cmpi slt, %add3A_164, %lt3A_165 : i32
      %convert_element_type3A_167 = arith.extui %lt3A_166 : i1 to i32
      %cond3A_168 = arith.constant 0 : i32
      %cond3A_169 = arith.cmpi ne, %convert_element_type3A_167, %cond3A_168 : i32
      scf.if %cond3A_169 {
        %dma_wait3A_212 = arith.constant 0 : i32
        %dma_wait3A_213 = tpu.memref_slice %arg7[%add3A_150, %dma_wait3A_212] : memref<80x125xi32, #tpu.memory_space<vmem>> -> memref<1x125xi32, #tpu.memory_space<vmem>>
        %dma_wait3A_214 = tpu.memref_squeeze %dma_wait3A_213 : memref<1x125xi32, #tpu.memory_space<vmem>> -> memref<125xi32, #tpu.memory_space<vmem>>
        %dma_wait3A_215 = arith.constant 0 : i32
        %dma_wait3A_216 = arith.constant 0 : i32
        %dma_wait3A_217 = tpu.memref_slice %arg13[%dma_wait3A_215, %dma_wait3A_216] : memref<10000x64xf32, #tpu.memory_space<vmem_shared>> -> memref<10000x64xf32, #tpu.memory_space<vmem_shared>>
        tpu.wait_indirect_dma semaphore(%arg20 : memref<!tpu.dma_semaphore, #tpu.memory_space<semaphore_mem>>) src(%arg10 : memref<125x64xf32, #tpu.memory_space<vmem>>) dst(%dma_wait3A_217 : memref<10000x64xf32, #tpu.memory_space<vmem_shared>>)
        %add3A_218 = arith.constant 4 : i32
        %add3A_219 = arith.addi %add3A_150, %add3A_218 : i32
        %dma_start3A_220 = arith.constant 0 : i32
        %dma_start3A_221 = tpu.memref_slice %arg6[%add3A_219, %dma_start3A_220] : memref<80x125xi32, #tpu.memory_space<vmem>> -> memref<1x125xi32, #tpu.memory_space<vmem>>
        %dma_start3A_222 = tpu.memref_squeeze %dma_start3A_221 : memref<1x125xi32, #tpu.memory_space<vmem>> -> memref<125xi32, #tpu.memory_space<vmem>>
        %dma_start3A_223 = arith.constant 0 : i32
        %dma_start3A_224 = arith.constant 0 : i32
        %dma_start3A_225 = tpu.memref_slice %arg2[%dma_start3A_223, %dma_start3A_224] : memref<10000x64xf32, #tpu.memory_space<hbm>> -> memref<10000x64xf32, #tpu.memory_space<hbm>>
        tpu.enqueue_indirect_dma source(%dma_start3A_225 : memref<10000x64xf32, #tpu.memory_space<hbm>>) target(%arg10 : memref<125x64xf32, #tpu.memory_space<vmem>>) offsets(%dma_start3A_222 : memref<125xi32, #tpu.memory_space<vmem>>) semaphore(%arg16 : memref<!tpu.dma_semaphore, #tpu.memory_space<semaphore_mem>>)
      } else {
      }
      %add3A_170 = arith.constant 2 : i32
      %add3A_171 = arith.addi %add3A_128, %add3A_170 : i32
      %dma_wait3A_172 = arith.constant 0 : i32
      %dma_wait3A_173 = tpu.memref_slice %arg6[%add3A_171, %dma_wait3A_172] : memref<80x125xi32, #tpu.memory_space<vmem>> -> memref<1x125xi32, #tpu.memory_space<vmem>>
      %dma_wait3A_174 = tpu.memref_squeeze %dma_wait3A_173 : memref<1x125xi32, #tpu.memory_space<vmem>> -> memref<125xi32, #tpu.memory_space<vmem>>
      %dma_wait3A_175 = arith.constant 0 : i32
      %dma_wait3A_176 = arith.constant 0 : i32
      %dma_wait3A_177 = tpu.memref_slice %arg2[%dma_wait3A_175, %dma_wait3A_176] : memref<10000x64xf32, #tpu.memory_space<hbm>> -> memref<10000x64xf32, #tpu.memory_space<hbm>>
      tpu.wait_indirect_dma semaphore(%arg17 : memref<!tpu.dma_semaphore, #tpu.memory_space<semaphore_mem>>) src(%dma_wait3A_177 : memref<10000x64xf32, #tpu.memory_space<hbm>>) dst(%arg11 : memref<125x64xf32, #tpu.memory_space<vmem>>)
      %dma_start3A_178 = arith.constant 0 : i32
      %dma_start3A_179 = tpu.memref_slice %arg7[%add3A_171, %dma_start3A_178] : memref<80x125xi32, #tpu.memory_space<vmem>> -> memref<1x125xi32, #tpu.memory_space<vmem>>
      %dma_start3A_180 = tpu.memref_squeeze %dma_start3A_179 : memref<1x125xi32, #tpu.memory_space<vmem>> -> memref<125xi32, #tpu.memory_space<vmem>>
      %dma_start3A_181 = arith.constant 0 : i32
      %dma_start3A_182 = arith.constant 0 : i32
      %dma_start3A_183 = tpu.memref_slice %arg13[%dma_start3A_181, %dma_start3A_182] : memref<10000x64xf32, #tpu.memory_space<vmem_shared>> -> memref<10000x64xf32, #tpu.memory_space<vmem_shared>>
      tpu.enqueue_indirect_dma source(%arg11 : memref<125x64xf32, #tpu.memory_space<vmem>>) target(%dma_start3A_183 : memref<10000x64xf32, #tpu.memory_space<vmem_shared>>) offsets(%dma_start3A_180 : memref<125xi32, #tpu.memory_space<vmem>>) semaphore(%arg21 : memref<!tpu.dma_semaphore, #tpu.memory_space<semaphore_mem>>) {add = true}
      %add3A_184 = arith.constant 4 : i32
      %add3A_185 = arith.addi %add3A_171, %add3A_184 : i32
      %lt3A_186 = arith.constant 80 : i32
      %lt3A_187 = arith.cmpi slt, %add3A_185, %lt3A_186 : i32
      %convert_element_type3A_188 = arith.extui %lt3A_187 : i1 to i32
      %cond3A_189 = arith.constant 0 : i32
      %cond3A_190 = arith.cmpi ne, %convert_element_type3A_188, %cond3A_189 : i32
      scf.if %cond3A_190 {
        %dma_wait3A_212 = arith.constant 0 : i32
        %dma_wait3A_213 = tpu.memref_slice %arg7[%add3A_171, %dma_wait3A_212] : memref<80x125xi32, #tpu.memory_space<vmem>> -> memref<1x125xi32, #tpu.memory_space<vmem>>
        %dma_wait3A_214 = tpu.memref_squeeze %dma_wait3A_213 : memref<1x125xi32, #tpu.memory_space<vmem>> -> memref<125xi32, #tpu.memory_space<vmem>>
        %dma_wait3A_215 = arith.constant 0 : i32
        %dma_wait3A_216 = arith.constant 0 : i32
        %dma_wait3A_217 = tpu.memref_slice %arg13[%dma_wait3A_215, %dma_wait3A_216] : memref<10000x64xf32, #tpu.memory_space<vmem_shared>> -> memref<10000x64xf32, #tpu.memory_space<vmem_shared>>
        tpu.wait_indirect_dma semaphore(%arg21 : memref<!tpu.dma_semaphore, #tpu.memory_space<semaphore_mem>>) src(%arg11 : memref<125x64xf32, #tpu.memory_space<vmem>>) dst(%dma_wait3A_217 : memref<10000x64xf32, #tpu.memory_space<vmem_shared>>)
        %add3A_218 = arith.constant 4 : i32
        %add3A_219 = arith.addi %add3A_171, %add3A_218 : i32
        %dma_start3A_220 = arith.constant 0 : i32
        %dma_start3A_221 = tpu.memref_slice %arg6[%add3A_219, %dma_start3A_220] : memref<80x125xi32, #tpu.memory_space<vmem>> -> memref<1x125xi32, #tpu.memory_space<vmem>>
        %dma_start3A_222 = tpu.memref_squeeze %dma_start3A_221 : memref<1x125xi32, #tpu.memory_space<vmem>> -> memref<125xi32, #tpu.memory_space<vmem>>
        %dma_start3A_223 = arith.constant 0 : i32
        %dma_start3A_224 = arith.constant 0 : i32
        %dma_start3A_225 = tpu.memref_slice %arg2[%dma_start3A_223, %dma_start3A_224] : memref<10000x64xf32, #tpu.memory_space<hbm>> -> memref<10000x64xf32, #tpu.memory_space<hbm>>
        tpu.enqueue_indirect_dma source(%dma_start3A_225 : memref<10000x64xf32, #tpu.memory_space<hbm>>) target(%arg11 : memref<125x64xf32, #tpu.memory_space<vmem>>) offsets(%dma_start3A_222 : memref<125xi32, #tpu.memory_space<vmem>>) semaphore(%arg17 : memref<!tpu.dma_semaphore, #tpu.memory_space<semaphore_mem>>)
      } else {
      }
      %add3A_191 = arith.constant 3 : i32
      %add3A_192 = arith.addi %add3A_128, %add3A_191 : i32
      %dma_wait3A_193 = arith.constant 0 : i32
      %dma_wait3A_194 = tpu.memref_slice %arg6[%add3A_192, %dma_wait3A_193] : memref<80x125xi32, #tpu.memory_space<vmem>> -> memref<1x125xi32, #tpu.memory_space<vmem>>
      %dma_wait3A_195 = tpu.memref_squeeze %dma_wait3A_194 : memref<1x125xi32, #tpu.memory_space<vmem>> -> memref<125xi32, #tpu.memory_space<vmem>>
      %dma_wait3A_196 = arith.constant 0 : i32
      %dma_wait3A_197 = arith.constant 0 : i32
      %dma_wait3A_198 = tpu.memref_slice %arg2[%dma_wait3A_196, %dma_wait3A_197] : memref<10000x64xf32, #tpu.memory_space<hbm>> -> memref<10000x64xf32, #tpu.memory_space<hbm>>
      tpu.wait_indirect_dma semaphore(%arg18 : memref<!tpu.dma_semaphore, #tpu.memory_space<semaphore_mem>>) src(%dma_wait3A_198 : memref<10000x64xf32, #tpu.memory_space<hbm>>) dst(%arg12 : memref<125x64xf32, #tpu.memory_space<vmem>>)
      %dma_start3A_199 = arith.constant 0 : i32
      %dma_start3A_200 = tpu.memref_slice %arg7[%add3A_192, %dma_start3A_199] : memref<80x125xi32, #tpu.memory_space<vmem>> -> memref<1x125xi32, #tpu.memory_space<vmem>>
      %dma_start3A_201 = tpu.memref_squeeze %dma_start3A_200 : memref<1x125xi32, #tpu.memory_space<vmem>> -> memref<125xi32, #tpu.memory_space<vmem>>
      %dma_start3A_202 = arith.constant 0 : i32
      %dma_start3A_203 = arith.constant 0 : i32
      %dma_start3A_204 = tpu.memref_slice %arg13[%dma_start3A_202, %dma_start3A_203] : memref<10000x64xf32, #tpu.memory_space<vmem_shared>> -> memref<10000x64xf32, #tpu.memory_space<vmem_shared>>
      tpu.enqueue_indirect_dma source(%arg12 : memref<125x64xf32, #tpu.memory_space<vmem>>) target(%dma_start3A_204 : memref<10000x64xf32, #tpu.memory_space<vmem_shared>>) offsets(%dma_start3A_201 : memref<125xi32, #tpu.memory_space<vmem>>) semaphore(%arg22 : memref<!tpu.dma_semaphore, #tpu.memory_space<semaphore_mem>>) {add = true}
      %add3A_205 = arith.constant 4 : i32
      %add3A_206 = arith.addi %add3A_192, %add3A_205 : i32
      %lt3A_207 = arith.constant 80 : i32
      %lt3A_208 = arith.cmpi slt, %add3A_206, %lt3A_207 : i32
      %convert_element_type3A_209 = arith.extui %lt3A_208 : i1 to i32
      %cond3A_210 = arith.constant 0 : i32
      %cond3A_211 = arith.cmpi ne, %convert_element_type3A_209, %cond3A_210 : i32
      scf.if %cond3A_211 {
        %dma_wait3A_212 = arith.constant 0 : i32
        %dma_wait3A_213 = tpu.memref_slice %arg7[%add3A_192, %dma_wait3A_212] : memref<80x125xi32, #tpu.memory_space<vmem>> -> memref<1x125xi32, #tpu.memory_space<vmem>>
        %dma_wait3A_214 = tpu.memref_squeeze %dma_wait3A_213 : memref<1x125xi32, #tpu.memory_space<vmem>> -> memref<125xi32, #tpu.memory_space<vmem>>
        %dma_wait3A_215 = arith.constant 0 : i32
        %dma_wait3A_216 = arith.constant 0 : i32
        %dma_wait3A_217 = tpu.memref_slice %arg13[%dma_wait3A_215, %dma_wait3A_216] : memref<10000x64xf32, #tpu.memory_space<vmem_shared>> -> memref<10000x64xf32, #tpu.memory_space<vmem_shared>>
        tpu.wait_indirect_dma semaphore(%arg22 : memref<!tpu.dma_semaphore, #tpu.memory_space<semaphore_mem>>) src(%arg12 : memref<125x64xf32, #tpu.memory_space<vmem>>) dst(%dma_wait3A_217 : memref<10000x64xf32, #tpu.memory_space<vmem_shared>>)
        %add3A_218 = arith.constant 4 : i32
        %add3A_219 = arith.addi %add3A_192, %add3A_218 : i32
        %dma_start3A_220 = arith.constant 0 : i32
        %dma_start3A_221 = tpu.memref_slice %arg6[%add3A_219, %dma_start3A_220] : memref<80x125xi32, #tpu.memory_space<vmem>> -> memref<1x125xi32, #tpu.memory_space<vmem>>
        %dma_start3A_222 = tpu.memref_squeeze %dma_start3A_221 : memref<1x125xi32, #tpu.memory_space<vmem>> -> memref<125xi32, #tpu.memory_space<vmem>>
        %dma_start3A_223 = arith.constant 0 : i32
        %dma_start3A_224 = arith.constant 0 : i32
        %dma_start3A_225 = tpu.memref_slice %arg2[%dma_start3A_223, %dma_start3A_224] : memref<10000x64xf32, #tpu.memory_space<hbm>> -> memref<10000x64xf32, #tpu.memory_space<hbm>>
        tpu.enqueue_indirect_dma source(%dma_start3A_225 : memref<10000x64xf32, #tpu.memory_space<hbm>>) target(%arg12 : memref<125x64xf32, #tpu.memory_space<vmem>>) offsets(%dma_start3A_222 : memref<125xi32, #tpu.memory_space<vmem>>) semaphore(%arg18 : memref<!tpu.dma_semaphore, #tpu.memory_space<semaphore_mem>>)
      } else {
      }
    }
    %scan3A_88 = arith.constant 20 : i32
    %dma_wait3A_89 = arith.constant 76 : i32
    %dma_wait3A_90 = arith.constant 0 : i32
    %dma_wait3A_91 = tpu.memref_slice %arg7[%dma_wait3A_89, %dma_wait3A_90] : memref<80x125xi32, #tpu.memory_space<vmem>> -> memref<1x125xi32, #tpu.memory_space<vmem>>
    %dma_wait3A_92 = tpu.memref_squeeze %dma_wait3A_91 : memref<1x125xi32, #tpu.memory_space<vmem>> -> memref<125xi32, #tpu.memory_space<vmem>>
    %dma_wait3A_93 = arith.constant 0 : i32
    %dma_wait3A_94 = arith.constant 0 : i32
    %dma_wait3A_95 = tpu.memref_slice %arg13[%dma_wait3A_93, %dma_wait3A_94] : memref<10000x64xf32, #tpu.memory_space<vmem_shared>> -> memref<10000x64xf32, #tpu.memory_space<vmem_shared>>
    tpu.wait_indirect_dma semaphore(%arg19 : memref<!tpu.dma_semaphore, #tpu.memory_space<semaphore_mem>>) src(%arg9 : memref<125x64xf32, #tpu.memory_space<vmem>>) dst(%dma_wait3A_95 : memref<10000x64xf32, #tpu.memory_space<vmem_shared>>)
    %dma_wait3A_96 = arith.constant 77 : i32
    %dma_wait3A_97 = arith.constant 0 : i32
    %dma_wait3A_98 = tpu.memref_slice %arg7[%dma_wait3A_96, %dma_wait3A_97] : memref<80x125xi32, #tpu.memory_space<vmem>> -> memref<1x125xi32, #tpu.memory_space<vmem>>
    %dma_wait3A_99 = tpu.memref_squeeze %dma_wait3A_98 : memref<1x125xi32, #tpu.memory_space<vmem>> -> memref<125xi32, #tpu.memory_space<vmem>>
    %dma_wait3A_100 = arith.constant 0 : i32
    %dma_wait3A_101 = arith.constant 0 : i32
    %dma_wait3A_102 = tpu.memref_slice %arg13[%dma_wait3A_100, %dma_wait3A_101] : memref<10000x64xf32, #tpu.memory_space<vmem_shared>> -> memref<10000x64xf32, #tpu.memory_space<vmem_shared>>
    tpu.wait_indirect_dma semaphore(%arg20 : memref<!tpu.dma_semaphore, #tpu.memory_space<semaphore_mem>>) src(%arg10 : memref<125x64xf32, #tpu.memory_space<vmem>>) dst(%dma_wait3A_102 : memref<10000x64xf32, #tpu.memory_space<vmem_shared>>)
    %dma_wait3A_103 = arith.constant 78 : i32
    %dma_wait3A_104 = arith.constant 0 : i32
    %dma_wait3A_105 = tpu.memref_slice %arg7[%dma_wait3A_103, %dma_wait3A_104] : memref<80x125xi32, #tpu.memory_space<vmem>> -> memref<1x125xi32, #tpu.memory_space<vmem>>
    %dma_wait3A_106 = tpu.memref_squeeze %dma_wait3A_105 : memref<1x125xi32, #tpu.memory_space<vmem>> -> memref<125xi32, #tpu.memory_space<vmem>>
    %dma_wait3A_107 = arith.constant 0 : i32
    %dma_wait3A_108 = arith.constant 0 : i32
    %dma_wait3A_109 = tpu.memref_slice %arg13[%dma_wait3A_107, %dma_wait3A_108] : memref<10000x64xf32, #tpu.memory_space<vmem_shared>> -> memref<10000x64xf32, #tpu.memory_space<vmem_shared>>
    tpu.wait_indirect_dma semaphore(%arg21 : memref<!tpu.dma_semaphore, #tpu.memory_space<semaphore_mem>>) src(%arg11 : memref<125x64xf32, #tpu.memory_space<vmem>>) dst(%dma_wait3A_109 : memref<10000x64xf32, #tpu.memory_space<vmem_shared>>)
    %dma_wait3A_110 = arith.constant 79 : i32
    %dma_wait3A_111 = arith.constant 0 : i32
    %dma_wait3A_112 = tpu.memref_slice %arg7[%dma_wait3A_110, %dma_wait3A_111] : memref<80x125xi32, #tpu.memory_space<vmem>> -> memref<1x125xi32, #tpu.memory_space<vmem>>
    %dma_wait3A_113 = tpu.memref_squeeze %dma_wait3A_112 : memref<1x125xi32, #tpu.memory_space<vmem>> -> memref<125xi32, #tpu.memory_space<vmem>>
    %dma_wait3A_114 = arith.constant 0 : i32
    %dma_wait3A_115 = arith.constant 0 : i32
    %dma_wait3A_116 = tpu.memref_slice %arg13[%dma_wait3A_114, %dma_wait3A_115] : memref<10000x64xf32, #tpu.memory_space<vmem_shared>> -> memref<10000x64xf32, #tpu.memory_space<vmem_shared>>
    tpu.wait_indirect_dma semaphore(%arg22 : memref<!tpu.dma_semaphore, #tpu.memory_space<semaphore_mem>>) src(%arg12 : memref<125x64xf32, #tpu.memory_space<vmem>>) dst(%dma_wait3A_116 : memref<10000x64xf32, #tpu.memory_space<vmem_shared>>)
    %barrier3A_117 = arith.constant 0 : index
    tpu.barrier barrier_id(%barrier3A_117)
    %mul3A_118 = arith.constant 624 : i32
    %mul3A_119 = arith.muli %arg1, %mul3A_118 : i32
    %mul3A_120 = arith.constant 624 : i32
    %mul3A_121 = arith.muli %arg1, %mul3A_120 : i32
    "tpu.region"() ({
      %run_scoped3A = tpu.sem_alloc : memref<!tpu.dma_semaphore, #tpu.memory_space<semaphore_mem>>
      %dma_start3A_124 = arith.constant 0 : i32
      %dma_start3A_125 = tpu.memref_slice %arg5[%arg0, %mul3A_121, %dma_start3A_124] : memref<2x10000x64xf32, #tpu.memory_space<hbm>> -> memref<1x624x64xf32, #tpu.memory_space<hbm>>
      %dma_start3A_126 = tpu.memref_squeeze %dma_start3A_125 : memref<1x624x64xf32, #tpu.memory_space<hbm>> -> memref<624x64xf32, #tpu.memory_space<hbm>>
      %dma_start3A_127 = arith.constant 0 : i32
      %dma_start3A_128 = tpu.memref_slice %arg13[%mul3A_119, %dma_start3A_127] : memref<10000x64xf32, #tpu.memory_space<vmem_shared>> -> memref<624x64xf32, #tpu.memory_space<vmem_shared>>
      tpu.enqueue_dma source(%dma_start3A_128 : memref<624x64xf32, #tpu.memory_space<vmem_shared>>) target(%dma_start3A_126 : memref<624x64xf32, #tpu.memory_space<hbm>>) target_semaphore(%run_scoped3A : memref<!tpu.dma_semaphore, #tpu.memory_space<semaphore_mem>>)
      %dma_wait3A_129 = arith.constant 0 : i32
      %dma_wait3A_130 = tpu.memref_slice %arg5[%arg0, %mul3A_121, %dma_wait3A_129] : memref<2x10000x64xf32, #tpu.memory_space<hbm>> -> memref<1x624x64xf32, #tpu.memory_space<hbm>>
      %dma_wait3A_131 = tpu.memref_squeeze %dma_wait3A_130 : memref<1x624x64xf32, #tpu.memory_space<hbm>> -> memref<624x64xf32, #tpu.memory_space<hbm>>
      %dma_wait3A_132 = arith.constant 0 : i32
      %dma_wait3A_133 = tpu.memref_slice %arg13[%mul3A_119, %dma_wait3A_132] : memref<10000x64xf32, #tpu.memory_space<vmem_shared>> -> memref<624x64xf32, #tpu.memory_space<vmem_shared>>
      tpu.wait_dma2 semaphore(%run_scoped3A : memref<!tpu.dma_semaphore, #tpu.memory_space<semaphore_mem>>) src(%dma_wait3A_133 : memref<624x64xf32, #tpu.memory_space<vmem_shared>>) dst(%dma_wait3A_131 : memref<624x64xf32, #tpu.memory_space<hbm>>)
      tpu.yield
    }) : () -> ()
    %eq3A = arith.constant 15 : i32
    %eq3A_122 = arith.cmpi eq, %arg1, %eq3A : i32
    %convert_element_type3A = arith.extui %eq3A_122 : i1 to i32
    %cond3A = arith.constant 0 : i32
    %cond3A_123 = arith.cmpi ne, %convert_element_type3A, %cond3A : i32
    scf.if %cond3A_123 {
      "tpu.region"() ({
        %run_scoped3A = tpu.sem_alloc : memref<!tpu.dma_semaphore, #tpu.memory_space<semaphore_mem>>
        %dma_start3A_124 = arith.constant 9984 : i32
        %dma_start3A_125 = arith.constant 0 : i32
        %dma_start3A_126 = tpu.memref_slice %arg5[%arg0, %dma_start3A_124, %dma_start3A_125] : memref<2x10000x64xf32, #tpu.memory_space<hbm>> -> memref<1x16x64xf32, #tpu.memory_space<hbm>>
        %dma_start3A_127 = tpu.memref_squeeze %dma_start3A_126 : memref<1x16x64xf32, #tpu.memory_space<hbm>> -> memref<16x64xf32, #tpu.memory_space<hbm>>
        %dma_start3A_128 = arith.constant 9984 : i32
        %dma_start3A_129 = arith.constant 0 : i32
        %dma_start3A_130 = tpu.memref_slice %arg13[%dma_start3A_128, %dma_start3A_129] : memref<10000x64xf32, #tpu.memory_space<vmem_shared>> -> memref<16x64xf32, #tpu.memory_space<vmem_shared>>
        tpu.enqueue_dma source(%dma_start3A_130 : memref<16x64xf32, #tpu.memory_space<vmem_shared>>) target(%dma_start3A_127 : memref<16x64xf32, #tpu.memory_space<hbm>>) target_semaphore(%run_scoped3A : memref<!tpu.dma_semaphore, #tpu.memory_space<semaphore_mem>>)
        %dma_wait3A_131 = arith.constant 9984 : i32
        %dma_wait3A_132 = arith.constant 0 : i32
        %dma_wait3A_133 = tpu.memref_slice %arg5[%arg0, %dma_wait3A_131, %dma_wait3A_132] : memref<2x10000x64xf32, #tpu.memory_space<hbm>> -> memref<1x16x64xf32, #tpu.memory_space<hbm>>
        %dma_wait3A_134 = tpu.memref_squeeze %dma_wait3A_133 : memref<1x16x64xf32, #tpu.memory_space<hbm>> -> memref<16x64xf32, #tpu.memory_space<hbm>>
        %dma_wait3A_135 = arith.constant 9984 : i32
        %dma_wait3A_136 = arith.constant 0 : i32
        %dma_wait3A_137 = tpu.memref_slice %arg13[%dma_wait3A_135, %dma_wait3A_136] : memref<10000x64xf32, #tpu.memory_space<vmem_shared>> -> memref<16x64xf32, #tpu.memory_space<vmem_shared>>
        tpu.wait_dma2 semaphore(%run_scoped3A : memref<!tpu.dma_semaphore, #tpu.memory_space<semaphore_mem>>) src(%dma_wait3A_137 : memref<16x64xf32, #tpu.memory_space<vmem_shared>>) dst(%dma_wait3A_134 : memref<16x64xf32, #tpu.memory_space<hbm>>)
        tpu.yield
      }) : () -> ()
    } else {
    }
    return
  }
}

#map = affine_map<(d0, d1) -> (0, 0)>
#map1 = affine_map<(d0, d1) -> (0, 0, 0)>
module attributes {stable_mosaic.version = 14 : i64} {
  func.func @body(%arg0: i32, %arg1: i32, %arg2: memref<10000x64xf32, #tpu.memory_space<hbm>>, %arg3: memref<32x80x125xi32, #tpu.memory_space<hbm>>, %arg4: memref<32x80x125xi32, #tpu.memory_space<hbm>>, %arg5: memref<2x10000x64xf32, #tpu.memory_space<hbm>>, %arg6: memref<80x125xi32, #tpu.memory_space<vmem>>, %arg7: memref<80x125xi32, #tpu.memory_space<vmem>>, %arg8: memref<125x64xf32, #tpu.memory_space<vmem>>, %arg9: memref<125x64xf32, #tpu.memory_space<vmem>>, %arg10: memref<125x64xf32, #tpu.memory_space<vmem>>, %arg11: memref<125x64xf32, #tpu.memory_space<vmem>>, %arg12: memref<125x64xf32, #tpu.memory_space<vmem>>, %arg13: memref<10000x64xf32, #tpu.memory_space<vmem_shared>>, %arg14: memref<!tpu.dma_semaphore, #tpu.memory_space<semaphore_mem>>, %arg15: memref<!tpu.dma_semaphore, #tpu.memory_space<semaphore_mem>>, %arg16: memref<!tpu.dma_semaphore, #tpu.memory_space<semaphore_mem>>, %arg17: memref<!tpu.dma_semaphore, #tpu.memory_space<semaphore_mem>>, %arg18: memref<!tpu.dma_semaphore, #tpu.memory_space<semaphore_mem>>, %arg19: memref<!tpu.dma_semaphore, #tpu.memory_space<semaphore_mem>>, %arg20: memref<!tpu.dma_semaphore, #tpu.memory_space<semaphore_mem>>, %arg21: memref<!tpu.dma_semaphore, #tpu.memory_space<semaphore_mem>>, %arg22: memref<!tpu.dma_semaphore, #tpu.memory_space<semaphore_mem>>) attributes {dimension_semantics = [#tpu.dimension_semantics<core_parallel>, #tpu.dimension_semantics<subcore_parallel>], iteration_bounds = array<i64: 2, 16>, scalar_prefetch = 0 : i64, scratch_operands = 17 : i64, tpu.core_type = #tpu.core_type<sc_vector_subcore>, window_params = [{transform_indices = #map}, {transform_indices = #map1}, {transform_indices = #map1}, {transform_indices = #map1}]} {
    %mul3A = arith.constant 2 : i32
    %mul3A_0 = arith.muli %arg1, %mul3A : i32
    %add3A = arith.addi %mul3A_0, %arg0 : i32
    %dma_start3A = arith.constant 0 : i32
    %dma_start3A_1 = arith.constant 0 : i32
    %dma_start3A_2 = tpu.memref_slice %arg3[%add3A, %dma_start3A, %dma_start3A_1] : memref<32x80x125xi32, #tpu.memory_space<hbm>> -> memref<1x80x125xi32, #tpu.memory_space<hbm>>
    %dma_start3A_3 = tpu.memref_squeeze %dma_start3A_2 : memref<1x80x125xi32, #tpu.memory_space<hbm>> -> memref<80x125xi32, #tpu.memory_space<hbm>>
    %dma_start3A_4 = arith.constant 0 : i32
    %dma_start3A_5 = arith.constant 0 : i32
    %dma_start3A_6 = tpu.memref_slice %arg3[%add3A, %dma_start3A_4, %dma_start3A_5] : memref<32x80x125xi32, #tpu.memory_space<hbm>> -> memref<1x80x125xi32, #tpu.memory_space<hbm>>
    %dma_start3A_7 = tpu.memref_squeeze %dma_start3A_6 : memref<1x80x125xi32, #tpu.memory_space<hbm>> -> memref<80x125xi32, #tpu.memory_space<hbm>>
    tpu.enqueue_dma source(%dma_start3A_7 : memref<80x125xi32, #tpu.memory_space<hbm>>) target(%arg6 : memref<80x125xi32, #tpu.memory_space<vmem>>) target_semaphore(%arg14 : memref<!tpu.dma_semaphore, #tpu.memory_space<semaphore_mem>>)
    %dma_start3A_8 = arith.constant 0 : i32
    %dma_start3A_9 = arith.constant 0 : i32
    %dma_start3A_10 = tpu.memref_slice %arg4[%add3A, %dma_start3A_8, %dma_start3A_9] : memref<32x80x125xi32, #tpu.memory_space<hbm>> -> memref<1x80x125xi32, #tpu.memory_space<hbm>>
    %dma_start3A_11 = tpu.memref_squeeze %dma_start3A_10 : memref<1x80x125xi32, #tpu.memory_space<hbm>> -> memref<80x125xi32, #tpu.memory_space<hbm>>
    %dma_start3A_12 = arith.constant 0 : i32
    %dma_start3A_13 = arith.constant 0 : i32
    %dma_start3A_14 = tpu.memref_slice %arg4[%add3A, %dma_start3A_12, %dma_start3A_13] : memref<32x80x125xi32, #tpu.memory_space<hbm>> -> memref<1x80x125xi32, #tpu.memory_space<hbm>>
    %dma_start3A_15 = tpu.memref_squeeze %dma_start3A_14 : memref<1x80x125xi32, #tpu.memory_space<hbm>> -> memref<80x125xi32, #tpu.memory_space<hbm>>
    tpu.enqueue_dma source(%dma_start3A_15 : memref<80x125xi32, #tpu.memory_space<hbm>>) target(%arg7 : memref<80x125xi32, #tpu.memory_space<vmem>>) target_semaphore(%arg14 : memref<!tpu.dma_semaphore, #tpu.memory_space<semaphore_mem>>)
    %broadcast_in_dim3A = arith.constant 0.000000e+00 : f32
    %broadcast_in_dim3A_16 = vector.broadcast %broadcast_in_dim3A : f32 to vector<16xf32>
    %scan3A = arith.constant 0 : i32
    %scan3A_17 = arith.constant 125 : i32
    %scan3A_18 = arith.addi %scan3A, %scan3A_17 : i32
    %scan3A_19 = arith.constant 1 : i32
    scf.for %scan3A_124 = %scan3A to %scan3A_18 step %scan3A_19  : i32 {
      %mul3A_125 = arith.constant 1 : i32
      %mul3A_126 = arith.muli %scan3A_124, %mul3A_125 : i32
      %add3A_127 = arith.constant 0 : i32
      %add3A_128 = arith.addi %add3A_127, %mul3A_126 : i32
      %swap3A = arith.index_cast %add3A_128 : i32 to index
      %swap3A_129 = arith.constant 0 : index
      %swap3A_130 = tpu.vector_load %arg8[%swap3A, %swap3A_129] {strides = array<i32>} : memref<125x64xf32, #tpu.memory_space<vmem>>, vector<1x16xf32>,
      %swap3A_131 = vector.shape_cast %swap3A_130 : vector<1x16xf32> to vector<16xf32>
      %swap3A_132 = vector.shape_cast %broadcast_in_dim3A_16 : vector<16xf32> to vector<1x16xf32>
      tpu.vector_store %arg8[%swap3A, %swap3A_129], %swap3A_132 {strides = array<i32>} : memref<125x64xf32, #tpu.memory_space<vmem>>, vector<1x16xf32>,
      %swap3A_133 = arith.index_cast %add3A_128 : i32 to index
      %swap3A_134 = arith.constant 16 : index
      %swap3A_135 = tpu.vector_load %arg8[%swap3A_133, %swap3A_134] {strides = array<i32>} : memref<125x64xf32, #tpu.memory_space<vmem>>, vector<1x16xf32>,
      %swap3A_136 = vector.shape_cast %swap3A_135 : vector<1x16xf32> to vector<16xf32>
      %swap3A_137 = vector.shape_cast %broadcast_in_dim3A_16 : vector<16xf32> to vector<1x16xf32>
      tpu.vector_store %arg8[%swap3A_133, %swap3A_134], %swap3A_137 {strides = array<i32>} : memref<125x64xf32, #tpu.memory_space<vmem>>, vector<1x16xf32>,
      %swap3A_138 = arith.index_cast %add3A_128 : i32 to index
      %swap3A_139 = arith.constant 32 : index
      %swap3A_140 = tpu.vector_load %arg8[%swap3A_138, %swap3A_139] {strides = array<i32>} : memref<125x64xf32, #tpu.memory_space<vmem>>, vector<1x16xf32>,
      %swap3A_141 = vector.shape_cast %swap3A_140 : vector<1x16xf32> to vector<16xf32>
      %swap3A_142 = vector.shape_cast %broadcast_in_dim3A_16 : vector<16xf32> to vector<1x16xf32>
      tpu.vector_store %arg8[%swap3A_138, %swap3A_139], %swap3A_142 {strides = array<i32>} : memref<125x64xf32, #tpu.memory_space<vmem>>, vector<1x16xf32>,
      %swap3A_143 = arith.index_cast %add3A_128 : i32 to index
      %swap3A_144 = arith.constant 48 : index
      %swap3A_145 = tpu.vector_load %arg8[%swap3A_143, %swap3A_144] {strides = array<i32>} : memref<125x64xf32, #tpu.memory_space<vmem>>, vector<1x16xf32>,
      %swap3A_146 = vector.shape_cast %swap3A_145 : vector<1x16xf32> to vector<16xf32>
      %swap3A_147 = vector.shape_cast %broadcast_in_dim3A_16 : vector<16xf32> to vector<1x16xf32>
      tpu.vector_store %arg8[%swap3A_143, %swap3A_144], %swap3A_147 {strides = array<i32>} : memref<125x64xf32, #tpu.memory_space<vmem>>, vector<1x16xf32>,
    }
    %scan3A_20 = arith.constant 125 : i32
    %mul3A_21 = arith.constant 625 : i32
    %mul3A_22 = arith.muli %arg1, %mul3A_21 : i32
    %add3A_23 = arith.constant 0 : i32
    %add3A_24 = arith.addi %mul3A_22, %add3A_23 : i32
    "tpu.region"() ({
      %run_scoped3A = tpu.sem_alloc : memref<!tpu.dma_semaphore, #tpu.memory_space<semaphore_mem>>
      %dma_start3A_124 = arith.constant 0 : i32
      %dma_start3A_125 = tpu.memref_slice %arg13[%add3A_24, %dma_start3A_124] : memref<10000x64xf32, #tpu.memory_space<vmem_shared>> -> memref<125x64xf32, #tpu.memory_space<vmem_shared>>
      %dma_start3A_126 = arith.constant 0 : i32
      %dma_start3A_127 = tpu.memref_slice %arg13[%add3A_24, %dma_start3A_126] : memref<10000x64xf32, #tpu.memory_space<vmem_shared>> -> memref<125x64xf32, #tpu.memory_space<vmem_shared>>
      tpu.enqueue_dma source(%arg8 : memref<125x64xf32, #tpu.memory_space<vmem>>) target(%dma_start3A_127 : memref<125x64xf32, #tpu.memory_space<vmem_shared>>) target_semaphore(%run_scoped3A : memref<!tpu.dma_semaphore, #tpu.memory_space<semaphore_mem>>)
      %dma_wait3A_128 = arith.constant 0 : i32
      %dma_wait3A_129 = tpu.memref_slice %arg13[%add3A_24, %dma_wait3A_128] : memref<10000x64xf32, #tpu.memory_space<vmem_shared>> -> memref<125x64xf32, #tpu.memory_space<vmem_shared>>
      %dma_wait3A_130 = arith.constant 0 : i32
      %dma_wait3A_131 = tpu.memref_slice %arg13[%add3A_24, %dma_wait3A_130] : memref<10000x64xf32, #tpu.memory_space<vmem_shared>> -> memref<125x64xf32, #tpu.memory_space<vmem_shared>>
      tpu.wait_dma2 semaphore(%run_scoped3A : memref<!tpu.dma_semaphore, #tpu.memory_space<semaphore_mem>>) src(%arg8 : memref<125x64xf32, #tpu.memory_space<vmem>>) dst(%dma_wait3A_131 : memref<125x64xf32, #tpu.memory_space<vmem_shared>>)
      tpu.yield
    }) : () -> ()
    %mul3A_25 = arith.constant 625 : i32
    %mul3A_26 = arith.muli %arg1, %mul3A_25 : i32
    %add3A_27 = arith.constant 125 : i32
    %add3A_28 = arith.addi %mul3A_26, %add3A_27 : i32
    "tpu.region"() ({
      %run_scoped3A = tpu.sem_alloc : memref<!tpu.dma_semaphore, #tpu.memory_space<semaphore_mem>>
      %dma_start3A_124 = arith.constant 0 : i32
      %dma_start3A_125 = tpu.memref_slice %arg13[%add3A_28, %dma_start3A_124] : memref<10000x64xf32, #tpu.memory_space<vmem_shared>> -> memref<125x64xf32, #tpu.memory_space<vmem_shared>>
      %dma_start3A_126 = arith.constant 0 : i32
      %dma_start3A_127 = tpu.memref_slice %arg13[%add3A_28, %dma_start3A_126] : memref<10000x64xf32, #tpu.memory_space<vmem_shared>> -> memref<125x64xf32, #tpu.memory_space<vmem_shared>>
      tpu.enqueue_dma source(%arg8 : memref<125x64xf32, #tpu.memory_space<vmem>>) target(%dma_start3A_127 : memref<125x64xf32, #tpu.memory_space<vmem_shared>>) target_semaphore(%run_scoped3A : memref<!tpu.dma_semaphore, #tpu.memory_space<semaphore_mem>>)
      %dma_wait3A_128 = arith.constant 0 : i32
      %dma_wait3A_129 = tpu.memref_slice %arg13[%add3A_28, %dma_wait3A_128] : memref<10000x64xf32, #tpu.memory_space<vmem_shared>> -> memref<125x64xf32, #tpu.memory_space<vmem_shared>>
      %dma_wait3A_130 = arith.constant 0 : i32
      %dma_wait3A_131 = tpu.memref_slice %arg13[%add3A_28, %dma_wait3A_130] : memref<10000x64xf32, #tpu.memory_space<vmem_shared>> -> memref<125x64xf32, #tpu.memory_space<vmem_shared>>
      tpu.wait_dma2 semaphore(%run_scoped3A : memref<!tpu.dma_semaphore, #tpu.memory_space<semaphore_mem>>) src(%arg8 : memref<125x64xf32, #tpu.memory_space<vmem>>) dst(%dma_wait3A_131 : memref<125x64xf32, #tpu.memory_space<vmem_shared>>)
      tpu.yield
    }) : () -> ()
    %mul3A_29 = arith.constant 625 : i32
    %mul3A_30 = arith.muli %arg1, %mul3A_29 : i32
    %add3A_31 = arith.constant 250 : i32
    %add3A_32 = arith.addi %mul3A_30, %add3A_31 : i32
    "tpu.region"() ({
      %run_scoped3A = tpu.sem_alloc : memref<!tpu.dma_semaphore, #tpu.memory_space<semaphore_mem>>
      %dma_start3A_124 = arith.constant 0 : i32
      %dma_start3A_125 = tpu.memref_slice %arg13[%add3A_32, %dma_start3A_124] : memref<10000x64xf32, #tpu.memory_space<vmem_shared>> -> memref<125x64xf32, #tpu.memory_space<vmem_shared>>
      %dma_start3A_126 = arith.constant 0 : i32
      %dma_start3A_127 = tpu.memref_slice %arg13[%add3A_32, %dma_start3A_126] : memref<10000x64xf32, #tpu.memory_space<vmem_shared>> -> memref<125x64xf32, #tpu.memory_space<vmem_shared>>
      tpu.enqueue_dma source(%arg8 : memref<125x64xf32, #tpu.memory_space<vmem>>) target(%dma_start3A_127 : memref<125x64xf32, #tpu.memory_space<vmem_shared>>) target_semaphore(%run_scoped3A : memref<!tpu.dma_semaphore, #tpu.memory_space<semaphore_mem>>)
      %dma_wait3A_128 = arith.constant 0 : i32
      %dma_wait3A_129 = tpu.memref_slice %arg13[%add3A_32, %dma_wait3A_128] : memref<10000x64xf32, #tpu.memory_space<vmem_shared>> -> memref<125x64xf32, #tpu.memory_space<vmem_shared>>
      %dma_wait3A_130 = arith.constant 0 : i32
      %dma_wait3A_131 = tpu.memref_slice %arg13[%add3A_32, %dma_wait3A_130] : memref<10000x64xf32, #tpu.memory_space<vmem_shared>> -> memref<125x64xf32, #tpu.memory_space<vmem_shared>>
      tpu.wait_dma2 semaphore(%run_scoped3A : memref<!tpu.dma_semaphore, #tpu.memory_space<semaphore_mem>>) src(%arg8 : memref<125x64xf32, #tpu.memory_space<vmem>>) dst(%dma_wait3A_131 : memref<125x64xf32, #tpu.memory_space<vmem_shared>>)
      tpu.yield
    }) : () -> ()
    %mul3A_33 = arith.constant 625 : i32
    %mul3A_34 = arith.muli %arg1, %mul3A_33 : i32
    %add3A_35 = arith.constant 375 : i32
    %add3A_36 = arith.addi %mul3A_34, %add3A_35 : i32
    "tpu.region"() ({
      %run_scoped3A = tpu.sem_alloc : memref<!tpu.dma_semaphore, #tpu.memory_space<semaphore_mem>>
      %dma_start3A_124 = arith.constant 0 : i32
      %dma_start3A_125 = tpu.memref_slice %arg13[%add3A_36, %dma_start3A_124] : memref<10000x64xf32, #tpu.memory_space<vmem_shared>> -> memref<125x64xf32, #tpu.memory_space<vmem_shared>>
      %dma_start3A_126 = arith.constant 0 : i32
      %dma_start3A_127 = tpu.memref_slice %arg13[%add3A_36, %dma_start3A_126] : memref<10000x64xf32, #tpu.memory_space<vmem_shared>> -> memref<125x64xf32, #tpu.memory_space<vmem_shared>>
      tpu.enqueue_dma source(%arg8 : memref<125x64xf32, #tpu.memory_space<vmem>>) target(%dma_start3A_127 : memref<125x64xf32, #tpu.memory_space<vmem_shared>>) target_semaphore(%run_scoped3A : memref<!tpu.dma_semaphore, #tpu.memory_space<semaphore_mem>>)
      %dma_wait3A_128 = arith.constant 0 : i32
      %dma_wait3A_129 = tpu.memref_slice %arg13[%add3A_36, %dma_wait3A_128] : memref<10000x64xf32, #tpu.memory_space<vmem_shared>> -> memref<125x64xf32, #tpu.memory_space<vmem_shared>>
      %dma_wait3A_130 = arith.constant 0 : i32
      %dma_wait3A_131 = tpu.memref_slice %arg13[%add3A_36, %dma_wait3A_130] : memref<10000x64xf32, #tpu.memory_space<vmem_shared>> -> memref<125x64xf32, #tpu.memory_space<vmem_shared>>
      tpu.wait_dma2 semaphore(%run_scoped3A : memref<!tpu.dma_semaphore, #tpu.memory_space<semaphore_mem>>) src(%arg8 : memref<125x64xf32, #tpu.memory_space<vmem>>) dst(%dma_wait3A_131 : memref<125x64xf32, #tpu.memory_space<vmem_shared>>)
      tpu.yield
    }) : () -> ()
    %mul3A_37 = arith.constant 625 : i32
    %mul3A_38 = arith.muli %arg1, %mul3A_37 : i32
    %add3A_39 = arith.constant 500 : i32
    %add3A_40 = arith.addi %mul3A_38, %add3A_39 : i32
    "tpu.region"() ({
      %run_scoped3A = tpu.sem_alloc : memref<!tpu.dma_semaphore, #tpu.memory_space<semaphore_mem>>
      %dma_start3A_124 = arith.constant 0 : i32
      %dma_start3A_125 = tpu.memref_slice %arg13[%add3A_40, %dma_start3A_124] : memref<10000x64xf32, #tpu.memory_space<vmem_shared>> -> memref<125x64xf32, #tpu.memory_space<vmem_shared>>
      %dma_start3A_126 = arith.constant 0 : i32
      %dma_start3A_127 = tpu.memref_slice %arg13[%add3A_40, %dma_start3A_126] : memref<10000x64xf32, #tpu.memory_space<vmem_shared>> -> memref<125x64xf32, #tpu.memory_space<vmem_shared>>
      tpu.enqueue_dma source(%arg8 : memref<125x64xf32, #tpu.memory_space<vmem>>) target(%dma_start3A_127 : memref<125x64xf32, #tpu.memory_space<vmem_shared>>) target_semaphore(%run_scoped3A : memref<!tpu.dma_semaphore, #tpu.memory_space<semaphore_mem>>)
      %dma_wait3A_128 = arith.constant 0 : i32
      %dma_wait3A_129 = tpu.memref_slice %arg13[%add3A_40, %dma_wait3A_128] : memref<10000x64xf32, #tpu.memory_space<vmem_shared>> -> memref<125x64xf32, #tpu.memory_space<vmem_shared>>
      %dma_wait3A_130 = arith.constant 0 : i32
      %dma_wait3A_131 = tpu.memref_slice %arg13[%add3A_40, %dma_wait3A_130] : memref<10000x64xf32, #tpu.memory_space<vmem_shared>> -> memref<125x64xf32, #tpu.memory_space<vmem_shared>>
      tpu.wait_dma2 semaphore(%run_scoped3A : memref<!tpu.dma_semaphore, #tpu.memory_space<semaphore_mem>>) src(%arg8 : memref<125x64xf32, #tpu.memory_space<vmem>>) dst(%dma_wait3A_131 : memref<125x64xf32, #tpu.memory_space<vmem_shared>>)
      tpu.yield
    }) : () -> ()
    %dma_wait3A = arith.constant 0 : i32
    %dma_wait3A_41 = arith.constant 0 : i32
    %dma_wait3A_42 = tpu.memref_slice %arg3[%add3A, %dma_wait3A, %dma_wait3A_41] : memref<32x80x125xi32, #tpu.memory_space<hbm>> -> memref<1x80x125xi32, #tpu.memory_space<hbm>>
    %dma_wait3A_43 = tpu.memref_squeeze %dma_wait3A_42 : memref<1x80x125xi32, #tpu.memory_space<hbm>> -> memref<80x125xi32, #tpu.memory_space<hbm>>
    %dma_wait3A_44 = arith.constant 0 : i32
    %dma_wait3A_45 = arith.constant 0 : i32
    %dma_wait3A_46 = tpu.memref_slice %arg3[%add3A, %dma_wait3A_44, %dma_wait3A_45] : memref<32x80x125xi32, #tpu.memory_space<hbm>> -> memref<1x80x125xi32, #tpu.memory_space<hbm>>
    %dma_wait3A_47 = tpu.memref_squeeze %dma_wait3A_46 : memref<1x80x125xi32, #tpu.memory_space<hbm>> -> memref<80x125xi32, #tpu.memory_space<hbm>>
    tpu.wait_dma2 semaphore(%arg14 : memref<!tpu.dma_semaphore, #tpu.memory_space<semaphore_mem>>) src(%dma_wait3A_47 : memref<80x125xi32, #tpu.memory_space<hbm>>) dst(%arg6 : memref<80x125xi32, #tpu.memory_space<vmem>>)
    %dma_wait3A_48 = arith.constant 0 : i32
    %dma_wait3A_49 = arith.constant 0 : i32
    %dma_wait3A_50 = tpu.memref_slice %arg4[%add3A, %dma_wait3A_48, %dma_wait3A_49] : memref<32x80x125xi32, #tpu.memory_space<hbm>> -> memref<1x80x125xi32, #tpu.memory_space<hbm>>
    %dma_wait3A_51 = tpu.memref_squeeze %dma_wait3A_50 : memref<1x80x125xi32, #tpu.memory_space<hbm>> -> memref<80x125xi32, #tpu.memory_space<hbm>>
    %dma_wait3A_52 = arith.constant 0 : i32
    %dma_wait3A_53 = arith.constant 0 : i32
    %dma_wait3A_54 = tpu.memref_slice %arg4[%add3A, %dma_wait3A_52, %dma_wait3A_53] : memref<32x80x125xi32, #tpu.memory_space<hbm>> -> memref<1x80x125xi32, #tpu.memory_space<hbm>>
    %dma_wait3A_55 = tpu.memref_squeeze %dma_wait3A_54 : memref<1x80x125xi32, #tpu.memory_space<hbm>> -> memref<80x125xi32, #tpu.memory_space<hbm>>
    tpu.wait_dma2 semaphore(%arg14 : memref<!tpu.dma_semaphore, #tpu.memory_space<semaphore_mem>>) src(%dma_wait3A_55 : memref<80x125xi32, #tpu.memory_space<hbm>>) dst(%arg7 : memref<80x125xi32, #tpu.memory_space<vmem>>)
    %barrier3A = arith.constant 0 : index
    tpu.barrier barrier_id(%barrier3A)
    %dma_start3A_56 = arith.constant 0 : i32
    %dma_start3A_57 = arith.constant 0 : i32
    %dma_start3A_58 = tpu.memref_slice %arg6[%dma_start3A_56, %dma_start3A_57] : memref<80x125xi32, #tpu.memory_space<vmem>> -> memref<1x125xi32, #tpu.memory_space<vmem>>
    %dma_start3A_59 = tpu.memref_squeeze %dma_start3A_58 : memref<1x125xi32, #tpu.memory_space<vmem>> -> memref<125xi32, #tpu.memory_space<vmem>>
    %dma_start3A_60 = arith.constant 0 : i32
    %dma_start3A_61 = arith.constant 0 : i32
    %dma_start3A_62 = tpu.memref_slice %arg2[%dma_start3A_60, %dma_start3A_61] : memref<10000x64xf32, #tpu.memory_space<hbm>> -> memref<10000x64xf32, #tpu.memory_space<hbm>>
    tpu.enqueue_indirect_dma source(%dma_start3A_62 : memref<10000x64xf32, #tpu.memory_space<hbm>>) target(%arg9 : memref<125x64xf32, #tpu.memory_space<vmem>>) offsets(%dma_start3A_59 : memref<125xi32, #tpu.memory_space<vmem>>) semaphore(%arg15 : memref<!tpu.dma_semaphore, #tpu.memory_space<semaphore_mem>>)
    %dma_start3A_63 = arith.constant 1 : i32
    %dma_start3A_64 = arith.constant 0 : i32
    %dma_start3A_65 = tpu.memref_slice %arg6[%dma_start3A_63, %dma_start3A_64] : memref<80x125xi32, #tpu.memory_space<vmem>> -> memref<1x125xi32, #tpu.memory_space<vmem>>
    %dma_start3A_66 = tpu.memref_squeeze %dma_start3A_65 : memref<1x125xi32, #tpu.memory_space<vmem>> -> memref<125xi32, #tpu.memory_space<vmem>>
    %dma_start3A_67 = arith.constant 0 : i32
    %dma_start3A_68 = arith.constant 0 : i32
    %dma_start3A_69 = tpu.memref_slice %arg2[%dma_start3A_67, %dma_start3A_68] : memref<10000x64xf32, #tpu.memory_space<hbm>> -> memref<10000x64xf32, #tpu.memory_space<hbm>>
    tpu.enqueue_indirect_dma source(%dma_start3A_69 : memref<10000x64xf32, #tpu.memory_space<hbm>>) target(%arg10 : memref<125x64xf32, #tpu.memory_space<vmem>>) offsets(%dma_start3A_66 : memref<125xi32, #tpu.memory_space<vmem>>) semaphore(%arg16 : memref<!tpu.dma_semaphore, #tpu.memory_space<semaphore_mem>>)
    %dma_start3A_70 = arith.constant 2 : i32
    %dma_start3A_71 = arith.constant 0 : i32
    %dma_start3A_72 = tpu.memref_slice %arg6[%dma_start3A_70, %dma_start3A_71] : memref<80x125xi32, #tpu.memory_space<vmem>> -> memref<1x125xi32, #tpu.memory_space<vmem>>
    %dma_start3A_73 = tpu.memref_squeeze %dma_start3A_72 : memref<1x125xi32, #tpu.memory_space<vmem>> -> memref<125xi32, #tpu.memory_space<vmem>>
    %dma_start3A_74 = arith.constant 0 : i32
    %dma_start3A_75 = arith.constant 0 : i32
    %dma_start3A_76 = tpu.memref_slice %arg2[%dma_start3A_74, %dma_start3A_75] : memref<10000x64xf32, #tpu.memory_space<hbm>> -> memref<10000x64xf32, #tpu.memory_space<hbm>>
    tpu.enqueue_indirect_dma source(%dma_start3A_76 : memref<10000x64xf32, #tpu.memory_space<hbm>>) target(%arg11 : memref<125x64xf32, #tpu.memory_space<vmem>>) offsets(%dma_start3A_73 : memref<125xi32, #tpu.memory_space<vmem>>) semaphore(%arg17 : memref<!tpu.dma_semaphore, #tpu.memory_space<semaphore_mem>>)
    %dma_start3A_77 = arith.constant 3 : i32
    %dma_start3A_78 = arith.constant 0 : i32
    %dma_start3A_79 = tpu.memref_slice %arg6[%dma_start3A_77, %dma_start3A_78] : memref<80x125xi32, #tpu.memory_space<vmem>> -> memref<1x125xi32, #tpu.memory_space<vmem>>
    %dma_start3A_80 = tpu.memref_squeeze %dma_start3A_79 : memref<1x125xi32, #tpu.memory_space<vmem>> -> memref<125xi32, #tpu.memory_space<vmem>>
    %dma_start3A_81 = arith.constant 0 : i32
    %dma_start3A_82 = arith.constant 0 : i32
    %dma_start3A_83 = tpu.memref_slice %arg2[%dma_start3A_81, %dma_start3A_82] : memref<10000x64xf32, #tpu.memory_space<hbm>> -> memref<10000x64xf32, #tpu.memory_space<hbm>>
    tpu.enqueue_indirect_dma source(%dma_start3A_83 : memref<10000x64xf32, #tpu.memory_space<hbm>>) target(%arg12 : memref<125x64xf32, #tpu.memory_space<vmem>>) offsets(%dma_start3A_80 : memref<125xi32, #tpu.memory_space<vmem>>) semaphore(%arg18 : memref<!tpu.dma_semaphore, #tpu.memory_space<semaphore_mem>>)
    %scan3A_84 = arith.constant 0 : i32
    %scan3A_85 = arith.constant 20 : i32
    %scan3A_86 = arith.addi %scan3A_84, %scan3A_85 : i32
    %scan3A_87 = arith.constant 1 : i32
    scf.for %scan3A_124 = %scan3A_84 to %scan3A_86 step %scan3A_87  : i32 {
      %mul3A_125 = arith.constant 4 : i32
      %mul3A_126 = arith.muli %scan3A_124, %mul3A_125 : i32
      %add3A_127 = arith.constant 0 : i32
      %add3A_128 = arith.addi %add3A_127, %mul3A_126 : i32
      %add3A_129 = arith.constant 0 : i32
      %add3A_130 = arith.addi %add3A_128, %add3A_129 : i32
      %dma_wait3A_131 = arith.constant 0 : i32
      %dma_wait3A_132 = tpu.memref_slice %arg6[%add3A_130, %dma_wait3A_131] : memref<80x125xi32, #tpu.memory_space<vmem>> -> memref<1x125xi32, #tpu.memory_space<vmem>>
      %dma_wait3A_133 = tpu.memref_squeeze %dma_wait3A_132 : memref<1x125xi32, #tpu.memory_space<vmem>> -> memref<125xi32, #tpu.memory_space<vmem>>
      %dma_wait3A_134 = arith.constant 0 : i32
      %dma_wait3A_135 = arith.constant 0 : i32
      %dma_wait3A_136 = tpu.memref_slice %arg2[%dma_wait3A_134, %dma_wait3A_135] : memref<10000x64xf32, #tpu.memory_space<hbm>> -> memref<10000x64xf32, #tpu.memory_space<hbm>>
      tpu.wait_indirect_dma semaphore(%arg15 : memref<!tpu.dma_semaphore, #tpu.memory_space<semaphore_mem>>) src(%dma_wait3A_136 : memref<10000x64xf32, #tpu.memory_space<hbm>>) dst(%arg9 : memref<125x64xf32, #tpu.memory_space<vmem>>)
      %dma_start3A_137 = arith.constant 0 : i32
      %dma_start3A_138 = tpu.memref_slice %arg7[%add3A_130, %dma_start3A_137] : memref<80x125xi32, #tpu.memory_space<vmem>> -> memref<1x125xi32, #tpu.memory_space<vmem>>
      %dma_start3A_139 = tpu.memref_squeeze %dma_start3A_138 : memref<1x125xi32, #tpu.memory_space<vmem>> -> memref<125xi32, #tpu.memory_space<vmem>>
      %dma_start3A_140 = arith.constant 0 : i32
      %dma_start3A_141 = arith.constant 0 : i32
      %dma_start3A_142 = tpu.memref_slice %arg13[%dma_start3A_140, %dma_start3A_141] : memref<10000x64xf32, #tpu.memory_space<vmem_shared>> -> memref<10000x64xf32, #tpu.memory_space<vmem_shared>>
      tpu.enqueue_indirect_dma source(%arg9 : memref<125x64xf32, #tpu.memory_space<vmem>>) target(%dma_start3A_142 : memref<10000x64xf32, #tpu.memory_space<vmem_shared>>) offsets(%dma_start3A_139 : memref<125xi32, #tpu.memory_space<vmem>>) semaphore(%arg19 : memref<!tpu.dma_semaphore, #tpu.memory_space<semaphore_mem>>) {add = true}
      %add3A_143 = arith.constant 4 : i32
      %add3A_144 = arith.addi %add3A_130, %add3A_143 : i32
      %lt3A = arith.constant 80 : i32
      %lt3A_145 = arith.cmpi slt, %add3A_144, %lt3A : i32
      %convert_element_type3A_146 = arith.extui %lt3A_145 : i1 to i32
      %cond3A_147 = arith.constant 0 : i32
      %cond3A_148 = arith.cmpi ne, %convert_element_type3A_146, %cond3A_147 : i32
      scf.if %cond3A_148 {
        %dma_wait3A_212 = arith.constant 0 : i32
        %dma_wait3A_213 = tpu.memref_slice %arg7[%add3A_130, %dma_wait3A_212] : memref<80x125xi32, #tpu.memory_space<vmem>> -> memref<1x125xi32, #tpu.memory_space<vmem>>
        %dma_wait3A_214 = tpu.memref_squeeze %dma_wait3A_213 : memref<1x125xi32, #tpu.memory_space<vmem>> -> memref<125xi32, #tpu.memory_space<vmem>>
        %dma_wait3A_215 = arith.constant 0 : i32
        %dma_wait3A_216 = arith.constant 0 : i32
        %dma_wait3A_217 = tpu.memref_slice %arg13[%dma_wait3A_215, %dma_wait3A_216] : memref<10000x64xf32, #tpu.memory_space<vmem_shared>> -> memref<10000x64xf32, #tpu.memory_space<vmem_shared>>
        tpu.wait_indirect_dma semaphore(%arg19 : memref<!tpu.dma_semaphore, #tpu.memory_space<semaphore_mem>>) src(%arg9 : memref<125x64xf32, #tpu.memory_space<vmem>>) dst(%dma_wait3A_217 : memref<10000x64xf32, #tpu.memory_space<vmem_shared>>)
        %add3A_218 = arith.constant 4 : i32
        %add3A_219 = arith.addi %add3A_130, %add3A_218 : i32
        %dma_start3A_220 = arith.constant 0 : i32
        %dma_start3A_221 = tpu.memref_slice %arg6[%add3A_219, %dma_start3A_220] : memref<80x125xi32, #tpu.memory_space<vmem>> -> memref<1x125xi32, #tpu.memory_space<vmem>>
        %dma_start3A_222 = tpu.memref_squeeze %dma_start3A_221 : memref<1x125xi32, #tpu.memory_space<vmem>> -> memref<125xi32, #tpu.memory_space<vmem>>
        %dma_start3A_223 = arith.constant 0 : i32
        %dma_start3A_224 = arith.constant 0 : i32
        %dma_start3A_225 = tpu.memref_slice %arg2[%dma_start3A_223, %dma_start3A_224] : memref<10000x64xf32, #tpu.memory_space<hbm>> -> memref<10000x64xf32, #tpu.memory_space<hbm>>
        tpu.enqueue_indirect_dma source(%dma_start3A_225 : memref<10000x64xf32, #tpu.memory_space<hbm>>) target(%arg9 : memref<125x64xf32, #tpu.memory_space<vmem>>) offsets(%dma_start3A_222 : memref<125xi32, #tpu.memory_space<vmem>>) semaphore(%arg15 : memref<!tpu.dma_semaphore, #tpu.memory_space<semaphore_mem>>)
      } else {
      }
      %add3A_149 = arith.constant 1 : i32
      %add3A_150 = arith.addi %add3A_128, %add3A_149 : i32
      %dma_wait3A_151 = arith.constant 0 : i32
      %dma_wait3A_152 = tpu.memref_slice %arg6[%add3A_150, %dma_wait3A_151] : memref<80x125xi32, #tpu.memory_space<vmem>> -> memref<1x125xi32, #tpu.memory_space<vmem>>
      %dma_wait3A_153 = tpu.memref_squeeze %dma_wait3A_152 : memref<1x125xi32, #tpu.memory_space<vmem>> -> memref<125xi32, #tpu.memory_space<vmem>>
      %dma_wait3A_154 = arith.constant 0 : i32
      %dma_wait3A_155 = arith.constant 0 : i32
      %dma_wait3A_156 = tpu.memref_slice %arg2[%dma_wait3A_154, %dma_wait3A_155] : memref<10000x64xf32, #tpu.memory_space<hbm>> -> memref<10000x64xf32, #tpu.memory_space<hbm>>
      tpu.wait_indirect_dma semaphore(%arg16 : memref<!tpu.dma_semaphore, #tpu.memory_space<semaphore_mem>>) src(%dma_wait3A_156 : memref<10000x64xf32, #tpu.memory_space<hbm>>) dst(%arg10 : memref<125x64xf32, #tpu.memory_space<vmem>>)
      %dma_start3A_157 = arith.constant 0 : i32
      %dma_start3A_158 = tpu.memref_slice %arg7[%add3A_150, %dma_start3A_157] : memref<80x125xi32, #tpu.memory_space<vmem>> -> memref<1x125xi32, #tpu.memory_space<vmem>>
      %dma_start3A_159 = tpu.memref_squeeze %dma_start3A_158 : memref<1x125xi32, #tpu.memory_space<vmem>> -> memref<125xi32, #tpu.memory_space<vmem>>
      %dma_start3A_160 = arith.constant 0 : i32
      %dma_start3A_161 = arith.constant 0 : i32
      %dma_start3A_162 = tpu.memref_slice %arg13[%dma_start3A_160, %dma_start3A_161] : memref<10000x64xf32, #tpu.memory_space<vmem_shared>> -> memref<10000x64xf32, #tpu.memory_space<vmem_shared>>
      tpu.enqueue_indirect_dma source(%arg10 : memref<125x64xf32, #tpu.memory_space<vmem>>) target(%dma_start3A_162 : memref<10000x64xf32, #tpu.memory_space<vmem_shared>>) offsets(%dma_start3A_159 : memref<125xi32, #tpu.memory_space<vmem>>) semaphore(%arg20 : memref<!tpu.dma_semaphore, #tpu.memory_space<semaphore_mem>>) {add = true}
      %add3A_163 = arith.constant 4 : i32
      %add3A_164 = arith.addi %add3A_150, %add3A_163 : i32
      %lt3A_165 = arith.constant 80 : i32
      %lt3A_166 = arith.cmpi slt, %add3A_164, %lt3A_165 : i32
      %convert_element_type3A_167 = arith.extui %lt3A_166 : i1 to i32
      %cond3A_168 = arith.constant 0 : i32
      %cond3A_169 = arith.cmpi ne, %convert_element_type3A_167, %cond3A_168 : i32
      scf.if %cond3A_169 {
        %dma_wait3A_212 = arith.constant 0 : i32
        %dma_wait3A_213 = tpu.memref_slice %arg7[%add3A_150, %dma_wait3A_212] : memref<80x125xi32, #tpu.memory_space<vmem>> -> memref<1x125xi32, #tpu.memory_space<vmem>>
        %dma_wait3A_214 = tpu.memref_squeeze %dma_wait3A_213 : memref<1x125xi32, #tpu.memory_space<vmem>> -> memref<125xi32, #tpu.memory_space<vmem>>
        %dma_wait3A_215 = arith.constant 0 : i32
        %dma_wait3A_216 = arith.constant 0 : i32
        %dma_wait3A_217 = tpu.memref_slice %arg13[%dma_wait3A_215, %dma_wait3A_216] : memref<10000x64xf32, #tpu.memory_space<vmem_shared>> -> memref<10000x64xf32, #tpu.memory_space<vmem_shared>>
        tpu.wait_indirect_dma semaphore(%arg20 : memref<!tpu.dma_semaphore, #tpu.memory_space<semaphore_mem>>) src(%arg10 : memref<125x64xf32, #tpu.memory_space<vmem>>) dst(%dma_wait3A_217 : memref<10000x64xf32, #tpu.memory_space<vmem_shared>>)
        %add3A_218 = arith.constant 4 : i32
        %add3A_219 = arith.addi %add3A_150, %add3A_218 : i32
        %dma_start3A_220 = arith.constant 0 : i32
        %dma_start3A_221 = tpu.memref_slice %arg6[%add3A_219, %dma_start3A_220] : memref<80x125xi32, #tpu.memory_space<vmem>> -> memref<1x125xi32, #tpu.memory_space<vmem>>
        %dma_start3A_222 = tpu.memref_squeeze %dma_start3A_221 : memref<1x125xi32, #tpu.memory_space<vmem>> -> memref<125xi32, #tpu.memory_space<vmem>>
        %dma_start3A_223 = arith.constant 0 : i32
        %dma_start3A_224 = arith.constant 0 : i32
        %dma_start3A_225 = tpu.memref_slice %arg2[%dma_start3A_223, %dma_start3A_224] : memref<10000x64xf32, #tpu.memory_space<hbm>> -> memref<10000x64xf32, #tpu.memory_space<hbm>>
        tpu.enqueue_indirect_dma source(%dma_start3A_225 : memref<10000x64xf32, #tpu.memory_space<hbm>>) target(%arg10 : memref<125x64xf32, #tpu.memory_space<vmem>>) offsets(%dma_start3A_222 : memref<125xi32, #tpu.memory_space<vmem>>) semaphore(%arg16 : memref<!tpu.dma_semaphore, #tpu.memory_space<semaphore_mem>>)
      } else {
      }
      %add3A_170 = arith.constant 2 : i32
      %add3A_171 = arith.addi %add3A_128, %add3A_170 : i32
      %dma_wait3A_172 = arith.constant 0 : i32
      %dma_wait3A_173 = tpu.memref_slice %arg6[%add3A_171, %dma_wait3A_172] : memref<80x125xi32, #tpu.memory_space<vmem>> -> memref<1x125xi32, #tpu.memory_space<vmem>>
      %dma_wait3A_174 = tpu.memref_squeeze %dma_wait3A_173 : memref<1x125xi32, #tpu.memory_space<vmem>> -> memref<125xi32, #tpu.memory_space<vmem>>
      %dma_wait3A_175 = arith.constant 0 : i32
      %dma_wait3A_176 = arith.constant 0 : i32
      %dma_wait3A_177 = tpu.memref_slice %arg2[%dma_wait3A_175, %dma_wait3A_176] : memref<10000x64xf32, #tpu.memory_space<hbm>> -> memref<10000x64xf32, #tpu.memory_space<hbm>>
      tpu.wait_indirect_dma semaphore(%arg17 : memref<!tpu.dma_semaphore, #tpu.memory_space<semaphore_mem>>) src(%dma_wait3A_177 : memref<10000x64xf32, #tpu.memory_space<hbm>>) dst(%arg11 : memref<125x64xf32, #tpu.memory_space<vmem>>)
      %dma_start3A_178 = arith.constant 0 : i32
      %dma_start3A_179 = tpu.memref_slice %arg7[%add3A_171, %dma_start3A_178] : memref<80x125xi32, #tpu.memory_space<vmem>> -> memref<1x125xi32, #tpu.memory_space<vmem>>
      %dma_start3A_180 = tpu.memref_squeeze %dma_start3A_179 : memref<1x125xi32, #tpu.memory_space<vmem>> -> memref<125xi32, #tpu.memory_space<vmem>>
      %dma_start3A_181 = arith.constant 0 : i32
      %dma_start3A_182 = arith.constant 0 : i32
      %dma_start3A_183 = tpu.memref_slice %arg13[%dma_start3A_181, %dma_start3A_182] : memref<10000x64xf32, #tpu.memory_space<vmem_shared>> -> memref<10000x64xf32, #tpu.memory_space<vmem_shared>>
      tpu.enqueue_indirect_dma source(%arg11 : memref<125x64xf32, #tpu.memory_space<vmem>>) target(%dma_start3A_183 : memref<10000x64xf32, #tpu.memory_space<vmem_shared>>) offsets(%dma_start3A_180 : memref<125xi32, #tpu.memory_space<vmem>>) semaphore(%arg21 : memref<!tpu.dma_semaphore, #tpu.memory_space<semaphore_mem>>) {add = true}
      %add3A_184 = arith.constant 4 : i32
      %add3A_185 = arith.addi %add3A_171, %add3A_184 : i32
      %lt3A_186 = arith.constant 80 : i32
      %lt3A_187 = arith.cmpi slt, %add3A_185, %lt3A_186 : i32
      %convert_element_type3A_188 = arith.extui %lt3A_187 : i1 to i32
      %cond3A_189 = arith.constant 0 : i32
      %cond3A_190 = arith.cmpi ne, %convert_element_type3A_188, %cond3A_189 : i32
      scf.if %cond3A_190 {
        %dma_wait3A_212 = arith.constant 0 : i32
        %dma_wait3A_213 = tpu.memref_slice %arg7[%add3A_171, %dma_wait3A_212] : memref<80x125xi32, #tpu.memory_space<vmem>> -> memref<1x125xi32, #tpu.memory_space<vmem>>
        %dma_wait3A_214 = tpu.memref_squeeze %dma_wait3A_213 : memref<1x125xi32, #tpu.memory_space<vmem>> -> memref<125xi32, #tpu.memory_space<vmem>>
        %dma_wait3A_215 = arith.constant 0 : i32
        %dma_wait3A_216 = arith.constant 0 : i32
        %dma_wait3A_217 = tpu.memref_slice %arg13[%dma_wait3A_215, %dma_wait3A_216] : memref<10000x64xf32, #tpu.memory_space<vmem_shared>> -> memref<10000x64xf32, #tpu.memory_space<vmem_shared>>
        tpu.wait_indirect_dma semaphore(%arg21 : memref<!tpu.dma_semaphore, #tpu.memory_space<semaphore_mem>>) src(%arg11 : memref<125x64xf32, #tpu.memory_space<vmem>>) dst(%dma_wait3A_217 : memref<10000x64xf32, #tpu.memory_space<vmem_shared>>)
        %add3A_218 = arith.constant 4 : i32
        %add3A_219 = arith.addi %add3A_171, %add3A_218 : i32
        %dma_start3A_220 = arith.constant 0 : i32
        %dma_start3A_221 = tpu.memref_slice %arg6[%add3A_219, %dma_start3A_220] : memref<80x125xi32, #tpu.memory_space<vmem>> -> memref<1x125xi32, #tpu.memory_space<vmem>>
        %dma_start3A_222 = tpu.memref_squeeze %dma_start3A_221 : memref<1x125xi32, #tpu.memory_space<vmem>> -> memref<125xi32, #tpu.memory_space<vmem>>
        %dma_start3A_223 = arith.constant 0 : i32
        %dma_start3A_224 = arith.constant 0 : i32
        %dma_start3A_225 = tpu.memref_slice %arg2[%dma_start3A_223, %dma_start3A_224] : memref<10000x64xf32, #tpu.memory_space<hbm>> -> memref<10000x64xf32, #tpu.memory_space<hbm>>
        tpu.enqueue_indirect_dma source(%dma_start3A_225 : memref<10000x64xf32, #tpu.memory_space<hbm>>) target(%arg11 : memref<125x64xf32, #tpu.memory_space<vmem>>) offsets(%dma_start3A_222 : memref<125xi32, #tpu.memory_space<vmem>>) semaphore(%arg17 : memref<!tpu.dma_semaphore, #tpu.memory_space<semaphore_mem>>)
      } else {
      }
      %add3A_191 = arith.constant 3 : i32
      %add3A_192 = arith.addi %add3A_128, %add3A_191 : i32
      %dma_wait3A_193 = arith.constant 0 : i32
      %dma_wait3A_194 = tpu.memref_slice %arg6[%add3A_192, %dma_wait3A_193] : memref<80x125xi32, #tpu.memory_space<vmem>> -> memref<1x125xi32, #tpu.memory_space<vmem>>
      %dma_wait3A_195 = tpu.memref_squeeze %dma_wait3A_194 : memref<1x125xi32, #tpu.memory_space<vmem>> -> memref<125xi32, #tpu.memory_space<vmem>>
      %dma_wait3A_196 = arith.constant 0 : i32
      %dma_wait3A_197 = arith.constant 0 : i32
      %dma_wait3A_198 = tpu.memref_slice %arg2[%dma_wait3A_196, %dma_wait3A_197] : memref<10000x64xf32, #tpu.memory_space<hbm>> -> memref<10000x64xf32, #tpu.memory_space<hbm>>
      tpu.wait_indirect_dma semaphore(%arg18 : memref<!tpu.dma_semaphore, #tpu.memory_space<semaphore_mem>>) src(%dma_wait3A_198 : memref<10000x64xf32, #tpu.memory_space<hbm>>) dst(%arg12 : memref<125x64xf32, #tpu.memory_space<vmem>>)
      %dma_start3A_199 = arith.constant 0 : i32
      %dma_start3A_200 = tpu.memref_slice %arg7[%add3A_192, %dma_start3A_199] : memref<80x125xi32, #tpu.memory_space<vmem>> -> memref<1x125xi32, #tpu.memory_space<vmem>>
      %dma_start3A_201 = tpu.memref_squeeze %dma_start3A_200 : memref<1x125xi32, #tpu.memory_space<vmem>> -> memref<125xi32, #tpu.memory_space<vmem>>
      %dma_start3A_202 = arith.constant 0 : i32
      %dma_start3A_203 = arith.constant 0 : i32
      %dma_start3A_204 = tpu.memref_slice %arg13[%dma_start3A_202, %dma_start3A_203] : memref<10000x64xf32, #tpu.memory_space<vmem_shared>> -> memref<10000x64xf32, #tpu.memory_space<vmem_shared>>
      tpu.enqueue_indirect_dma source(%arg12 : memref<125x64xf32, #tpu.memory_space<vmem>>) target(%dma_start3A_204 : memref<10000x64xf32, #tpu.memory_space<vmem_shared>>) offsets(%dma_start3A_201 : memref<125xi32, #tpu.memory_space<vmem>>) semaphore(%arg22 : memref<!tpu.dma_semaphore, #tpu.memory_space<semaphore_mem>>) {add = true}
      %add3A_205 = arith.constant 4 : i32
      %add3A_206 = arith.addi %add3A_192, %add3A_205 : i32
      %lt3A_207 = arith.constant 80 : i32
      %lt3A_208 = arith.cmpi slt, %add3A_206, %lt3A_207 : i32
      %convert_element_type3A_209 = arith.extui %lt3A_208 : i1 to i32
      %cond3A_210 = arith.constant 0 : i32
      %cond3A_211 = arith.cmpi ne, %convert_element_type3A_209, %cond3A_210 : i32
      scf.if %cond3A_211 {
        %dma_wait3A_212 = arith.constant 0 : i32
        %dma_wait3A_213 = tpu.memref_slice %arg7[%add3A_192, %dma_wait3A_212] : memref<80x125xi32, #tpu.memory_space<vmem>> -> memref<1x125xi32, #tpu.memory_space<vmem>>
        %dma_wait3A_214 = tpu.memref_squeeze %dma_wait3A_213 : memref<1x125xi32, #tpu.memory_space<vmem>> -> memref<125xi32, #tpu.memory_space<vmem>>
        %dma_wait3A_215 = arith.constant 0 : i32
        %dma_wait3A_216 = arith.constant 0 : i32
        %dma_wait3A_217 = tpu.memref_slice %arg13[%dma_wait3A_215, %dma_wait3A_216] : memref<10000x64xf32, #tpu.memory_space<vmem_shared>> -> memref<10000x64xf32, #tpu.memory_space<vmem_shared>>
        tpu.wait_indirect_dma semaphore(%arg22 : memref<!tpu.dma_semaphore, #tpu.memory_space<semaphore_mem>>) src(%arg12 : memref<125x64xf32, #tpu.memory_space<vmem>>) dst(%dma_wait3A_217 : memref<10000x64xf32, #tpu.memory_space<vmem_shared>>)
        %add3A_218 = arith.constant 4 : i32
        %add3A_219 = arith.addi %add3A_192, %add3A_218 : i32
        %dma_start3A_220 = arith.constant 0 : i32
        %dma_start3A_221 = tpu.memref_slice %arg6[%add3A_219, %dma_start3A_220] : memref<80x125xi32, #tpu.memory_space<vmem>> -> memref<1x125xi32, #tpu.memory_space<vmem>>
        %dma_start3A_222 = tpu.memref_squeeze %dma_start3A_221 : memref<1x125xi32, #tpu.memory_space<vmem>> -> memref<125xi32, #tpu.memory_space<vmem>>
        %dma_start3A_223 = arith.constant 0 : i32
        %dma_start3A_224 = arith.constant 0 : i32
        %dma_start3A_225 = tpu.memref_slice %arg2[%dma_start3A_223, %dma_start3A_224] : memref<10000x64xf32, #tpu.memory_space<hbm>> -> memref<10000x64xf32, #tpu.memory_space<hbm>>
        tpu.enqueue_indirect_dma source(%dma_start3A_225 : memref<10000x64xf32, #tpu.memory_space<hbm>>) target(%arg12 : memref<125x64xf32, #tpu.memory_space<vmem>>) offsets(%dma_start3A_222 : memref<125xi32, #tpu.memory_space<vmem>>) semaphore(%arg18 : memref<!tpu.dma_semaphore, #tpu.memory_space<semaphore_mem>>)
      } else {
      }
    }
    %scan3A_88 = arith.constant 20 : i32
    %dma_wait3A_89 = arith.constant 76 : i32
    %dma_wait3A_90 = arith.constant 0 : i32
    %dma_wait3A_91 = tpu.memref_slice %arg7[%dma_wait3A_89, %dma_wait3A_90] : memref<80x125xi32, #tpu.memory_space<vmem>> -> memref<1x125xi32, #tpu.memory_space<vmem>>
    %dma_wait3A_92 = tpu.memref_squeeze %dma_wait3A_91 : memref<1x125xi32, #tpu.memory_space<vmem>> -> memref<125xi32, #tpu.memory_space<vmem>>
    %dma_wait3A_93 = arith.constant 0 : i32
    %dma_wait3A_94 = arith.constant 0 : i32
    %dma_wait3A_95 = tpu.memref_slice %arg13[%dma_wait3A_93, %dma_wait3A_94] : memref<10000x64xf32, #tpu.memory_space<vmem_shared>> -> memref<10000x64xf32, #tpu.memory_space<vmem_shared>>
    tpu.wait_indirect_dma semaphore(%arg19 : memref<!tpu.dma_semaphore, #tpu.memory_space<semaphore_mem>>) src(%arg9 : memref<125x64xf32, #tpu.memory_space<vmem>>) dst(%dma_wait3A_95 : memref<10000x64xf32, #tpu.memory_space<vmem_shared>>)
    %dma_wait3A_96 = arith.constant 77 : i32
    %dma_wait3A_97 = arith.constant 0 : i32
    %dma_wait3A_98 = tpu.memref_slice %arg7[%dma_wait3A_96, %dma_wait3A_97] : memref<80x125xi32, #tpu.memory_space<vmem>> -> memref<1x125xi32, #tpu.memory_space<vmem>>
    %dma_wait3A_99 = tpu.memref_squeeze %dma_wait3A_98 : memref<1x125xi32, #tpu.memory_space<vmem>> -> memref<125xi32, #tpu.memory_space<vmem>>
    %dma_wait3A_100 = arith.constant 0 : i32
    %dma_wait3A_101 = arith.constant 0 : i32
    %dma_wait3A_102 = tpu.memref_slice %arg13[%dma_wait3A_100, %dma_wait3A_101] : memref<10000x64xf32, #tpu.memory_space<vmem_shared>> -> memref<10000x64xf32, #tpu.memory_space<vmem_shared>>
    tpu.wait_indirect_dma semaphore(%arg20 : memref<!tpu.dma_semaphore, #tpu.memory_space<semaphore_mem>>) src(%arg10 : memref<125x64xf32, #tpu.memory_space<vmem>>) dst(%dma_wait3A_102 : memref<10000x64xf32, #tpu.memory_space<vmem_shared>>)
    %dma_wait3A_103 = arith.constant 78 : i32
    %dma_wait3A_104 = arith.constant 0 : i32
    %dma_wait3A_105 = tpu.memref_slice %arg7[%dma_wait3A_103, %dma_wait3A_104] : memref<80x125xi32, #tpu.memory_space<vmem>> -> memref<1x125xi32, #tpu.memory_space<vmem>>
    %dma_wait3A_106 = tpu.memref_squeeze %dma_wait3A_105 : memref<1x125xi32, #tpu.memory_space<vmem>> -> memref<125xi32, #tpu.memory_space<vmem>>
    %dma_wait3A_107 = arith.constant 0 : i32
    %dma_wait3A_108 = arith.constant 0 : i32
    %dma_wait3A_109 = tpu.memref_slice %arg13[%dma_wait3A_107, %dma_wait3A_108] : memref<10000x64xf32, #tpu.memory_space<vmem_shared>> -> memref<10000x64xf32, #tpu.memory_space<vmem_shared>>
    tpu.wait_indirect_dma semaphore(%arg21 : memref<!tpu.dma_semaphore, #tpu.memory_space<semaphore_mem>>) src(%arg11 : memref<125x64xf32, #tpu.memory_space<vmem>>) dst(%dma_wait3A_109 : memref<10000x64xf32, #tpu.memory_space<vmem_shared>>)
    %dma_wait3A_110 = arith.constant 79 : i32
    %dma_wait3A_111 = arith.constant 0 : i32
    %dma_wait3A_112 = tpu.memref_slice %arg7[%dma_wait3A_110, %dma_wait3A_111] : memref<80x125xi32, #tpu.memory_space<vmem>> -> memref<1x125xi32, #tpu.memory_space<vmem>>
    %dma_wait3A_113 = tpu.memref_squeeze %dma_wait3A_112 : memref<1x125xi32, #tpu.memory_space<vmem>> -> memref<125xi32, #tpu.memory_space<vmem>>
    %dma_wait3A_114 = arith.constant 0 : i32
    %dma_wait3A_115 = arith.constant 0 : i32
    %dma_wait3A_116 = tpu.memref_slice %arg13[%dma_wait3A_114, %dma_wait3A_115] : memref<10000x64xf32, #tpu.memory_space<vmem_shared>> -> memref<10000x64xf32, #tpu.memory_space<vmem_shared>>
    tpu.wait_indirect_dma semaphore(%arg22 : memref<!tpu.dma_semaphore, #tpu.memory_space<semaphore_mem>>) src(%arg12 : memref<125x64xf32, #tpu.memory_space<vmem>>) dst(%dma_wait3A_116 : memref<10000x64xf32, #tpu.memory_space<vmem_shared>>)
    %barrier3A_117 = arith.constant 0 : index
    tpu.barrier barrier_id(%barrier3A_117)
    %mul3A_118 = arith.constant 624 : i32
    %mul3A_119 = arith.muli %arg1, %mul3A_118 : i32
    %mul3A_120 = arith.constant 624 : i32
    %mul3A_121 = arith.muli %arg1, %mul3A_120 : i32
    "tpu.region"() ({
      %run_scoped3A = tpu.sem_alloc : memref<!tpu.dma_semaphore, #tpu.memory_space<semaphore_mem>>
      %dma_start3A_124 = arith.constant 0 : i32
      %dma_start3A_125 = tpu.memref_slice %arg5[%arg0, %mul3A_121, %dma_start3A_124] : memref<2x10000x64xf32, #tpu.memory_space<hbm>> -> memref<1x624x64xf32, #tpu.memory_space<hbm>>
      %dma_start3A_126 = tpu.memref_squeeze %dma_start3A_125 : memref<1x624x64xf32, #tpu.memory_space<hbm>> -> memref<624x64xf32, #tpu.memory_space<hbm>>
      %dma_start3A_127 = arith.constant 0 : i32
      %dma_start3A_128 = tpu.memref_slice %arg13[%mul3A_119, %dma_start3A_127] : memref<10000x64xf32, #tpu.memory_space<vmem_shared>> -> memref<624x64xf32, #tpu.memory_space<vmem_shared>>
      tpu.enqueue_dma source(%dma_start3A_128 : memref<624x64xf32, #tpu.memory_space<vmem_shared>>) target(%dma_start3A_126 : memref<624x64xf32, #tpu.memory_space<hbm>>) target_semaphore(%run_scoped3A : memref<!tpu.dma_semaphore, #tpu.memory_space<semaphore_mem>>)
      %dma_wait3A_129 = arith.constant 0 : i32
      %dma_wait3A_130 = tpu.memref_slice %arg5[%arg0, %mul3A_121, %dma_wait3A_129] : memref<2x10000x64xf32, #tpu.memory_space<hbm>> -> memref<1x624x64xf32, #tpu.memory_space<hbm>>
      %dma_wait3A_131 = tpu.memref_squeeze %dma_wait3A_130 : memref<1x624x64xf32, #tpu.memory_space<hbm>> -> memref<624x64xf32, #tpu.memory_space<hbm>>
      %dma_wait3A_132 = arith.constant 0 : i32
      %dma_wait3A_133 = tpu.memref_slice %arg13[%mul3A_119, %dma_wait3A_132] : memref<10000x64xf32, #tpu.memory_space<vmem_shared>> -> memref<624x64xf32, #tpu.memory_space<vmem_shared>>
      tpu.wait_dma2 semaphore(%run_scoped3A : memref<!tpu.dma_semaphore, #tpu.memory_space<semaphore_mem>>) src(%dma_wait3A_133 : memref<624x64xf32, #tpu.memory_space<vmem_shared>>) dst(%dma_wait3A_131 : memref<624x64xf32, #tpu.memory_space<hbm>>)
      tpu.yield
    }) : () -> ()
    %eq3A = arith.constant 15 : i32
    %eq3A_122 = arith.cmpi eq, %arg1, %eq3A : i32
    %convert_element_type3A = arith.extui %eq3A_122 : i1 to i32
    %cond3A = arith.constant 0 : i32
    %cond3A_123 = arith.cmpi ne, %convert_element_type3A, %cond3A : i32
    scf.if %cond3A_123 {
      "tpu.region"() ({
        %run_scoped3A = tpu.sem_alloc : memref<!tpu.dma_semaphore, #tpu.memory_space<semaphore_mem>>
        %dma_start3A_124 = arith.constant 9984 : i32
        %dma_start3A_125 = arith.constant 0 : i32
        %dma_start3A_126 = tpu.memref_slice %arg5[%arg0, %dma_start3A_124, %dma_start3A_125] : memref<2x10000x64xf32, #tpu.memory_space<hbm>> -> memref<1x16x64xf32, #tpu.memory_space<hbm>>
        %dma_start3A_127 = tpu.memref_squeeze %dma_start3A_126 : memref<1x16x64xf32, #tpu.memory_space<hbm>> -> memref<16x64xf32, #tpu.memory_space<hbm>>
        %dma_start3A_128 = arith.constant 9984 : i32
        %dma_start3A_129 = arith.constant 0 : i32
        %dma_start3A_130 = tpu.memref_slice %arg13[%dma_start3A_128, %dma_start3A_129] : memref<10000x64xf32, #tpu.memory_space<vmem_shared>> -> memref<16x64xf32, #tpu.memory_space<vmem_shared>>
        tpu.enqueue_dma source(%dma_start3A_130 : memref<16x64xf32, #tpu.memory_space<vmem_shared>>) target(%dma_start3A_127 : memref<16x64xf32, #tpu.memory_space<hbm>>) target_semaphore(%run_scoped3A : memref<!tpu.dma_semaphore, #tpu.memory_space<semaphore_mem>>)
        %dma_wait3A_131 = arith.constant 9984 : i32
        %dma_wait3A_132 = arith.constant 0 : i32
        %dma_wait3A_133 = tpu.memref_slice %arg5[%arg0, %dma_wait3A_131, %dma_wait3A_132] : memref<2x10000x64xf32, #tpu.memory_space<hbm>> -> memref<1x16x64xf32, #tpu.memory_space<hbm>>
        %dma_wait3A_134 = tpu.memref_squeeze %dma_wait3A_133 : memref<1x16x64xf32, #tpu.memory_space<hbm>> -> memref<16x64xf32, #tpu.memory_space<hbm>>
        %dma_wait3A_135 = arith.constant 9984 : i32
        %dma_wait3A_136 = arith.constant 0 : i32
        %dma_wait3A_137 = tpu.memref_slice %arg13[%dma_wait3A_135, %dma_wait3A_136] : memref<10000x64xf32, #tpu.memory_space<vmem_shared>> -> memref<16x64xf32, #tpu.memory_space<vmem_shared>>
        tpu.wait_dma2 semaphore(%run_scoped3A : memref<!tpu.dma_semaphore, #tpu.memory_space<semaphore_mem>>) src(%dma_wait3A_137 : memref<16x64xf32, #tpu.memory_space<vmem_shared>>) dst(%dma_wait3A_134 : memref<16x64xf32, #tpu.memory_space<hbm>>)
        tpu.yield
      }) : () -> ()
    } else {
    }
    return
  }
}

module attributes {stable_mosaic.version = 14 : i64} {
  func.func @_mm_first(%arg0: memref<10000x128xf32, #tpu.memory_space<vmem>>, %arg1: memref<128x64xf32, #tpu.memory_space<vmem>>, %arg2: memref<64xf32, #tpu.memory_space<vmem>>, %arg3: memref<10000x64xf32, #tpu.memory_space<vmem>>) attributes {dimension_semantics = [], scalar_prefetch = 0 : i64, scratch_operands = 0 : i64, tpu.core_type = #tpu.core_type<tc>} {
    %get3A = arith.constant 0 : index
    %get3A_0 = arith.constant 0 : index
    %get3A_1 = vector.load %arg0[%get3A, %get3A_0] : memref<10000x128xf32, #tpu.memory_space<vmem>>, vector<10000x128xf32>
    %get3A_2 = arith.constant 0 : index
    %get3A_3 = arith.constant 0 : index
    %get3A_4 = vector.load %arg1[%get3A_2, %get3A_3] : memref<128x64xf32, #tpu.memory_space<vmem>>, vector<128x64xf32>
    %dot_general3A = arith.constant dense<0.000000e+00> : vector<10000x64xf32>
    %dot_general3A_5 = tpu.matmul %get3A_1, %get3A_4, %dot_general3A {dimension_numbers = #tpu.dot_dimension_numbers<[1], [0], [0], [1], [0, 0, 1, 1], [], []>, precision = #tpu.contract_precision<fp32>, transpose_lhs_hint = false} : vector<10000x128xf32>, vector<128x64xf32>, vector<10000x64xf32> -> vector<10000x64xf32>
    %get3A_6 = arith.constant 0 : index
    %get3A_7 = vector.load %arg2[%get3A_6] : memref<64xf32, #tpu.memory_space<vmem>>, vector<64xf32>
    %broadcast_in_dim3A = vector.shape_cast %get3A_7 : vector<64xf32> to vector<1x64xf32>
    %add3A = vector.broadcast %broadcast_in_dim3A : vector<1x64xf32> to vector<10000x64xf32>
    %add3A_8 = arith.addf %dot_general3A_5, %add3A : vector<10000x64xf32>
    %swap3A = arith.constant 0 : index
    %swap3A_9 = arith.constant 0 : index
    %swap3A_10 = vector.load %arg3[%swap3A, %swap3A_9] : memref<10000x64xf32, #tpu.memory_space<vmem>>, vector<10000x64xf32>
    tpu.vector_store %arg3[%swap3A, %swap3A_9], %add3A_8 {strides = array<i32>} : memref<10000x64xf32, #tpu.memory_space<vmem>>, vector<10000x64xf32>,
    return
  }
}

module attributes {stable_mosaic.version = 14 : i64} {
  func.func @_mm_combine(%arg0: memref<2x10000x64xf32, #tpu.memory_space<vmem>>, %arg1: memref<64x64xf32, #tpu.memory_space<vmem>>, %arg2: memref<64xf32, #tpu.memory_space<vmem>>, %arg3: memref<10000x64xf32, #tpu.memory_space<vmem>>) attributes {dimension_semantics = [], scalar_prefetch = 0 : i64, scratch_operands = 0 : i64, tpu.core_type = #tpu.core_type<tc>} {
    %get3A = arith.constant 0 : index
    %get3A_0 = arith.constant 0 : index
    %get3A_1 = arith.constant 0 : index
    %get3A_2 = vector.load %arg0[%get3A, %get3A_0, %get3A_1] : memref<2x10000x64xf32, #tpu.memory_space<vmem>>, vector<1x10000x64xf32>
    %get3A_3 = vector.shape_cast %get3A_2 : vector<1x10000x64xf32> to vector<10000x64xf32>
    %get3A_4 = arith.constant 1 : index
    %get3A_5 = arith.constant 0 : index
    %get3A_6 = arith.constant 0 : index
    %get3A_7 = vector.load %arg0[%get3A_4, %get3A_5, %get3A_6] : memref<2x10000x64xf32, #tpu.memory_space<vmem>>, vector<1x10000x64xf32>
    %get3A_8 = vector.shape_cast %get3A_7 : vector<1x10000x64xf32> to vector<10000x64xf32>
    %add3A = arith.addf %get3A_3, %get3A_8 : vector<10000x64xf32>
    %max3A = arith.constant 0.000000e+00 : f32
    %max3A_9 = vector.broadcast %max3A : f32 to vector<10000x64xf32>
    %max3A_10 = arith.maximumf %add3A, %max3A_9 : vector<10000x64xf32>
    %get3A_11 = arith.constant 0 : index
    %get3A_12 = arith.constant 0 : index
    %get3A_13 = vector.load %arg1[%get3A_11, %get3A_12] : memref<64x64xf32, #tpu.memory_space<vmem>>, vector<64x64xf32>
    %dot_general3A = arith.constant dense<0.000000e+00> : vector<10000x64xf32>
    %dot_general3A_14 = tpu.matmul %max3A_10, %get3A_13, %dot_general3A {dimension_numbers = #tpu.dot_dimension_numbers<[1], [0], [0], [1], [0, 0, 1, 1], [], []>, precision = #tpu.contract_precision<fp32>, transpose_lhs_hint = false} : vector<10000x64xf32>, vector<64x64xf32>, vector<10000x64xf32> -> vector<10000x64xf32>
    %get3A_15 = arith.constant 0 : index
    %get3A_16 = vector.load %arg2[%get3A_15] : memref<64xf32, #tpu.memory_space<vmem>>, vector<64xf32>
    %broadcast_in_dim3A = vector.shape_cast %get3A_16 : vector<64xf32> to vector<1x64xf32>
    %add3A_17 = vector.broadcast %broadcast_in_dim3A : vector<1x64xf32> to vector<10000x64xf32>
    %add3A_18 = arith.addf %dot_general3A_14, %add3A_17 : vector<10000x64xf32>
    %swap3A = arith.constant 0 : index
    %swap3A_19 = arith.constant 0 : index
    %swap3A_20 = vector.load %arg3[%swap3A, %swap3A_19] : memref<10000x64xf32, #tpu.memory_space<vmem>>, vector<10000x64xf32>
    tpu.vector_store %arg3[%swap3A, %swap3A_19], %add3A_18 {strides = array<i32>} : memref<10000x64xf32, #tpu.memory_space<vmem>>, vector<10000x64xf32>,
    return
  }
}

module attributes {stable_mosaic.version = 14 : i64} {
  func.func @_relu_add(%arg0: memref<2x10000x64xf32, #tpu.memory_space<vmem>>, %arg1: memref<10000x64xf32, #tpu.memory_space<vmem>>) attributes {dimension_semantics = [], scalar_prefetch = 0 : i64, scratch_operands = 0 : i64, tpu.core_type = #tpu.core_type<tc>} {
    %get3A = arith.constant 0 : index
    %get3A_0 = arith.constant 0 : index
    %get3A_1 = arith.constant 0 : index
    %get3A_2 = vector.load %arg0[%get3A, %get3A_0, %get3A_1] : memref<2x10000x64xf32, #tpu.memory_space<vmem>>, vector<1x10000x64xf32>
    %get3A_3 = vector.shape_cast %get3A_2 : vector<1x10000x64xf32> to vector<10000x64xf32>
    %get3A_4 = arith.constant 1 : index
    %get3A_5 = arith.constant 0 : index
    %get3A_6 = arith.constant 0 : index
    %get3A_7 = vector.load %arg0[%get3A_4, %get3A_5, %get3A_6] : memref<2x10000x64xf32, #tpu.memory_space<vmem>>, vector<1x10000x64xf32>
    %get3A_8 = vector.shape_cast %get3A_7 : vector<1x10000x64xf32> to vector<10000x64xf32>
    %add3A = arith.addf %get3A_3, %get3A_8 : vector<10000x64xf32>
    %max3A = arith.constant 0.000000e+00 : f32
    %max3A_9 = vector.broadcast %max3A : f32 to vector<10000x64xf32>
    %max3A_10 = arith.maximumf %add3A, %max3A_9 : vector<10000x64xf32>
    %swap3A = arith.constant 0 : index
    %swap3A_11 = arith.constant 0 : index
    %swap3A_12 = vector.load %arg1[%swap3A, %swap3A_11] : memref<10000x64xf32, #tpu.memory_space<vmem>>, vector<10000x64xf32>
    tpu.vector_store %arg1[%swap3A, %swap3A_11], %max3A_10 {strides = array<i32>} : memref<10000x64xf32, #tpu.memory_space<vmem>>, vector<10000x64xf32>,
    return
  }
}

module attributes {stable_mosaic.version = 14 : i64} {
  func.func @_mm_last(%arg0: memref<2x10000x64xf32, #tpu.memory_space<vmem>>, %arg1: memref<64x128xf32, #tpu.memory_space<vmem>>, %arg2: memref<10000x128xf32, #tpu.memory_space<vmem>>) attributes {dimension_semantics = [], scalar_prefetch = 0 : i64, scratch_operands = 0 : i64, tpu.core_type = #tpu.core_type<tc>} {
    %get3A = arith.constant 0 : index
    %get3A_0 = arith.constant 0 : index
    %get3A_1 = arith.constant 0 : index
    %get3A_2 = vector.load %arg0[%get3A, %get3A_0, %get3A_1] : memref<2x10000x64xf32, #tpu.memory_space<vmem>>, vector<1x10000x64xf32>
    %get3A_3 = vector.shape_cast %get3A_2 : vector<1x10000x64xf32> to vector<10000x64xf32>
    %get3A_4 = arith.constant 1 : index
    %get3A_5 = arith.constant 0 : index
    %get3A_6 = arith.constant 0 : index
    %get3A_7 = vector.load %arg0[%get3A_4, %get3A_5, %get3A_6] : memref<2x10000x64xf32, #tpu.memory_space<vmem>>, vector<1x10000x64xf32>
    %get3A_8 = vector.shape_cast %get3A_7 : vector<1x10000x64xf32> to vector<10000x64xf32>
    %add3A = arith.addf %get3A_3, %get3A_8 : vector<10000x64xf32>
    %get3A_9 = arith.constant 0 : index
    %get3A_10 = arith.constant 0 : index
    %get3A_11 = vector.load %arg1[%get3A_9, %get3A_10] : memref<64x128xf32, #tpu.memory_space<vmem>>, vector<64x128xf32>
    %dot_general3A = arith.constant dense<0.000000e+00> : vector<10000x128xf32>
    %dot_general3A_12 = tpu.matmul %add3A, %get3A_11, %dot_general3A {dimension_numbers = #tpu.dot_dimension_numbers<[1], [0], [0], [1], [0, 0, 1, 1], [], []>, precision = #tpu.contract_precision<fp32>, transpose_lhs_hint = false} : vector<10000x64xf32>, vector<64x128xf32>, vector<10000x128xf32> -> vector<10000x128xf32>
    %swap3A = arith.constant 0 : index
    %swap3A_13 = arith.constant 0 : index
    %swap3A_14 = vector.load %arg2[%swap3A, %swap3A_13] : memref<10000x128xf32, #tpu.memory_space<vmem>>, vector<10000x128xf32>
    tpu.vector_store %arg2[%swap3A, %swap3A_13], %dot_general3A_12 {strides = array<i32>} : memref<10000x128xf32, #tpu.memory_space<vmem>>, vector<10000x128xf32>,
    return
  }
}

</mosaic_0001>

<sc_bundles>
// kernel: kernel.12.cloned.1.call-start
scs
__scs_entry_jumppad:
0x0: {  	(pc) =	sbr.rel $0x88, $3  }
0x1: {  	(tag) =	ssettag $0x0;
	lr =	simm.s32 $0x1  }
0x2: {  	[smem:$0x3F9A] =	sst lr;
	_ =	strace $0xD0000000  }
0x3: {  	_ = 	snop  }
0x4: {  	_ = 	snop  }
0x5: {  	_ = 	snop  }
0x6: {  	_ = 	snop  }
0x7: {  	_ = 	snop  }
__scs_overlays_trampoline_lowered:
0x8: {  	[smem:$0x3FA9] =	sst s0  }
0x9: {  	[smem:$0x3FAA] =	sst s1  }
0xa: {  	[smem:$0x3FAB] =	sst s2  }
0xb: {  	[smem:$0x3FAC] =	sst s3  }
0xc: {  	[smem:$0x3FAD] =	sst s4  }
0xd: {  	[smem:$0x3FAE] =	sst s5  }
0xe: {  	[smem:$0x3FAF] =	sst s6  }
0xf: {  	[smem:$0x3FB0] =	sst s7  }
0x10: {  	[smem:$0x3FB1] =	sst s8  }
0x11: {  	[smem:$0x3FB2] =	sst s9;
	s0 =	simm.s32 @!p0 $0x0  }
0x12: {  	s1 =	sld [smem:$0x3F98];
	s0 =	simm.s32 @p0 $0x1  }
0x13: {  	[smem:$0x3FB3] =	sst s0;
	s0 =	simm.s32 @!p1 $0x0  }
0x14: {  	s2 =	sld [smem:$0x3F97];
	s0 =	simm.s32 @p1 $0x1  }
0x15: {  	[smem:$0x3FB4] =	sst s0;
	s0 =	simm.s32 @!p2 $0x0  }
0x16: {  	s3 =	sld [smem:$0x3FDB];
	s0 =	simm.s32 @p2 $0x1  }
0x17: {  	s4 =	simm.s32 $0x1BF5;
	[smem:$0x3FB6] =	sst s0  }
0x18: {  	s0 =	sld [smem:$0x3F99];
	_ =	swait.ge [sflag:s4], $0x0  }
0x19: {  	s7 =	sld [smem:$0x3F9A]  }
0x1a: {  	s8 =	sadd.s32 $0xFFFFE003, lr  }
0x1b: {  	s9 =	sadd.s32 $0xFFFFFEF7, lr;
	s5 =	simm.s32 $0xFFFFFFFF;
	p2 =	slt.u32 s8, $0xFFFFF086  }
0x1c: {  	p1 =	slt.u32 s9, $0xF7A;
	s5 =	simm.s32 @!p2 $0x0  }
0x1d: {  	s5 =	simm.s32 @p1 $0x1;
	p0 =	seq.s32 s7, s2  }
0x1e: {  	s7 =	smul.u32 @!p0 $0xF7A, s2;
	p2 =	seq.s32 @!p0 s5, $0x0  }
0x1f: {  	s9 =	smul.u32 $0xF7A, s1;
	s8 =	simm.s32 @!p0 $0x1BF5;
	p2 =	por !p2, p0  }
0x20: {  	[sflag:s8] =	ssyncset.s32 @!p0 $0xFFFFF086;
	s6 =	sadd.s32 @!p0 s3, s7;
	s7 =	simm.s32 @!p0 $0x108  }
0x21: {  	s3 =	sadd.s32 s3, s9;
	s6 =	sadd.s32 @!p0 $0x88, s6;
	s7 =	simm.s32 @p2 $0x1082  }
0x22: {  	[simem:s7], [sflag:s8] =	dma.local @!p0 [hbm:s6], $0xF7A  }
0x23: {  	s9 =	sor.u32 $0xD0000000, s2;
	s6 =	simm.s32 $0x108;
	_ =	swait.ge @!p0 [sflag:s8], $0x0  }
0x24: {  	s3 =	sadd.s32 $0x88, s3;
	s6 =	simm.s32 @!p1 $0x1082;
	[sflag:s4] =	ssyncset.s32 $0xFFFFF086  }
0x25: {  	[simem:s6], [sflag:s4] =	dma.local [hbm:s3], $0xF7A  }
0x26: {  	[smem:$0x3F9A] =	sst s1;
	(tag) =	ssettag s2;
	_ =	strace s9  }
0x27: {  	s1 =	sld [smem:$0x3FAA]  }
0x28: {  	s2 =	sld [smem:$0x3FAB]  }
0x29: {  	s4 =	sld [smem:$0x3FAD]  }
0x2a: {  	p0 =	seq.s32 s5, $0x0;
	s5 =	sld [smem:$0x3FAE]  }
0x2b: {  	s6 =	sld [smem:$0x3FAF]  }
0x2c: {  	s7 =	sld [smem:$0x3FB0]  }
0x2d: {  	s3 =	simm.s32 $0x108;
	s8 =	sld [smem:$0x3FB1]  }
0x2e: {  	s3 =	simm.s32 @!p0 $0x1082;
	s9 =	sld [smem:$0x3FB2]  }
0x2f: {  	lr =	sadd.s32 s0, s3;
	s0 =	sld [smem:$0x3FA9]  }
0x30: {  	s3 =	sld [smem:$0x3FAC]  }
0x31: {  	[smem:$0x3FB5] =	sst s10  }
0x32: {  	s10 =	sld [smem:$0x3FB3];
	_ =	sdelay $0x3  }
0x33: {  	p0 =	seq.s32 s10, $0x1;
	s10 =	sld [smem:$0x3FB5];
	_ =	sdelay $0x3  }
0x34: {  	[smem:$0x3FB5] =	sst s10  }
0x35: {  	s10 =	sld [smem:$0x3FB4];
	_ =	sdelay $0x3  }
0x36: {  	p1 =	seq.s32 s10, $0x1;
	s10 =	sld [smem:$0x3FB5];
	_ =	sdelay $0x3  }
0x37: {  	[smem:$0x3FB5] =	sst s10  }
0x38: {  	s10 =	sld [smem:$0x3FB6]  }
0x39: {  	_ = 	snop;
	(pc) =	sbr.ind lr, $3  }
0x3a: {  	_ = 	snop  }
0x3b: {  	_ = 	snop  }
0x3c: {  	p2 =	seq.s32 s10, $0x1;
	s10 =	sld [smem:$0x3FB5]  }
0x3d: {  	_ =	shalt  }
0x3e: {  	_ =	shalt  }
0x3f: {  	_ =	shalt  }
0x40: {  	_ =	shalt  }
0x41: {  	_ =	shalt  }
0x42: {  	_ =	shalt  }
0x43: {  	_ =	shalt  }
0x44: {  	_ =	shalt  }
0x45: {  	_ =	shalt  }
0x46: {  	_ =	shalt  }
0x47: {  	_ =	shalt  }
0x48: {  	_ =	shalt  }
0x49: {  	_ =	shalt  }
0x4a: {  	_ =	shalt  }
0x4b: {  	_ =	shalt  }
0x4c: {  	_ =	shalt  }
0x4d: {  	_ =	shalt  }
0x4e: {  	_ =	shalt  }
0x4f: {  	_ =	shalt  }
0x50: {  	_ =	shalt  }
0x51: {  	_ =	shalt  }
0x52: {  	_ =	shalt  }
0x53: {  	_ =	shalt  }
0x54: {  	_ =	shalt  }
0x55: {  	_ =	shalt  }
0x56: {  	_ =	shalt  }
0x57: {  	_ =	shalt  }
0x58: {  	_ =	shalt  }
0x59: {  	_ =	shalt  }
0x5a: {  	_ =	shalt  }
0x5b: {  	_ =	shalt  }
0x5c: {  	_ =	shalt  }
0x5d: {  	_ =	shalt  }
0x5e: {  	_ =	shalt  }
0x5f: {  	_ =	shalt  }
0x60: {  	_ =	shalt  }
0x61: {  	_ =	shalt  }
0x62: {  	_ =	shalt  }
0x63: {  	_ =	shalt  }
0x64: {  	_ =	shalt  }
0x65: {  	_ =	shalt  }
0x66: {  	_ =	shalt  }
0x67: {  	_ =	shalt  }
0x68: {  	_ =	shalt  }
0x69: {  	_ =	shalt  }
0x6a: {  	_ =	shalt  }
0x6b: {  	_ =	shalt  }
0x6c: {  	_ =	shalt  }
0x6d: {  	_ =	shalt  }
0x6e: {  	_ =	shalt  }
0x6f: {  	_ =	shalt  }
0x70: {  	_ =	shalt  }
0x71: {  	_ =	shalt  }
0x72: {  	_ =	shalt  }
0x73: {  	_ =	shalt  }
0x74: {  	_ =	shalt  }
0x75: {  	_ =	shalt  }
0x76: {  	_ =	shalt  }
0x77: {  	_ =	shalt  }
0x78: {  	_ =	shalt  }
0x79: {  	_ =	shalt  }
0x7a: {  	_ =	shalt  }
0x7b: {  	_ =	shalt  }
0x7c: {  	_ =	shalt  }
0x7d: {  	_ =	shalt  }
0x7e: {  	_ =	shalt  }
0x7f: {  	_ =	shalt  }
0x80: {  	_ =	shalt  }
0x81: {  	_ =	shalt  }
0x82: {  	_ =	shalt  }
0x83: {  	_ =	shalt  }
0x84: {  	_ =	shalt  }
0x85: {  	_ =	shalt  }
0x86: {  	_ =	shalt  }
0x87: {  	_ =	shalt  }
.Lfunc_end0:
.L_simem_size_0:
called_computation.1_lowered:
.L_overlay_start_0:
0x88: {  	s2 =	sld [smem:$0x3FD9]  }
0x89: {  	s3 =	sld [smem:$0x3FFE];
	_ =	sdelay $0x1  }
0x8a: {  	s1 =	srdreg.scid  }
0x8b: {  	s0 =	sand.u32 $0x1, s1  }
0x8c: {  	s17 =	sshll.u32 s0, $0xA;
	s2 =	sadd.s32 s3, s2  }
0x8d: {  	s2 =	sadd.s32 s2, s17  }
0x8e: {  	[smem:$0x3FC1] =	sst s2  }
0x8f: {  	_ = 	snop  }
0x90: {  	s2 =	sld [smem:$0x3FD0];
	(tm) =	ssettm $0x1  }
0x91: {  	s18 =	sld [smem:$0x3FFB];
	_ =	sdelay $0x3  }
0x92: {  	_ =	strace s18  }
0x93: {  	s3 =	sld [smem:$0x3FFC];
	_ =	sdelay $0x3  }
0x94: {  	_ =	strace s3  }
0x95: {  	s3 =	sld [smem:$0x3FFD];
	_ =	sdelay $0x3  }
0x96: {  	_ =	strace s3  }
0x97: {  	_ =	strace $0x8FFFFFFF  }
0x98: {  	s19 =	sld [smem:$0x3FDB];
	_ =	sdelay $0x1  }
0x99: {  	s4 =	simm.s32 $_scs_section_size  }
0x9a: {  	s5 =	simm.s32 $_size__tile_overlayer_lowered;
	s6 =	simm.s32 $_tile_overlayer_lowered  }
0x9b: {  	s22 =	simm.s32 $0x1BFF;
	s21 =	sshll.u32 s6, $0x1;
	s3 =	sadd.s32 s4, s19  }
0x9c: {  	s7 =	simm.s32 $0x0;
	s20 =	sshll.u32 s5, $0x1;
	s5 =	sadd.s32 s21, s3  }
0x9d: {  	[timem:s7], [sflag:s22] =	dma.local [hbm:s5], s20  }
0x9e: {  	_ =	swait.ge [sflag:s22], s20  }
0x9f: {  	s4 =	ssub.s32 $0x0, s20;
	[sflag:s22] =	ssyncset.done $0x0  }
0xa0: {  	[sflag:s22] =	ssyncadd.s32 s4;
	_ =	sdelay $0x1  }
0xa1: {  	s23 =	simm.s32 $0x1B8B  }
0xa2: {  	_ =	swait.ge [sflag:s23], $0x1  }
0xa3: {  	[sflag:s23] =	ssyncset.done $0x0  }
0xa4: {  	s25 =	simm.s32 $0x1B8E;
	s24 =	sld [smem:$0x3FFE];
	[sflag:s23] =	ssyncadd.s32 $0xFFFFFFFF  }
0xa5: {  	s26 =	simm.s32 $execute0_lowered;
	[smem:$0x3FD2] =	sst s25  }
0xa6: {  	s5 =	sshll.u32 s26, $0x1;
	_ =	strace $0x80000049;
	[dreg:$0x1] =	wrdreg $0xFFFFFFFF  }
0xa7: {  	s28 =	simm.s32 $_size_execute0_lowered;
	s3 =	sadd.s32 s3, s5;
	[dreg:$0x0] =	wrdreg $0x0  }
0xa8: {  	s5 =	sshll.u32 s28, $0x1;
	[dreg:$0x2] =	wrdreg s3  }
0xa9: {  	[dreg:$0x3] =	wrdreg s5  }
0xaa: {  	[dreg:$0x4] =	wrdreg $0xC0  }
0xab: {  	_ =	task [dreg:s7], $0x5FFFF  }
0xac: {  	[dreg:$0x1] =	wrdreg $0xFFFFFFFF  }
0xad: {  	[dreg:$0x0] =	wrdreg $0x60  }
0xae: {  	[dreg:$0x2] =	wrdreg s24  }
0xaf: {  	[dreg:$0x3] =	wrdreg s2  }
0xb0: {  	[dreg:$0x4] =	wrdreg $0xEC400  }
0xb1: {  	[dreg:$0x5] =	wrdreg $0x9  }
0xb2: {  	_ =	task.clear_ibuf [dreg:s7], $0x6FFFF;
	_ =	strace $0x90000049  }
0xb3: {  	s29 =	simm.s32 $0x9;
	_ =	strace $0x8000004B  }
0xb4: {  	_ =	swait.ge [sflag:s29], $0x1  }
0xb5: {  	[sflag:s29] =	ssyncadd.s32 $0xFFFFFFFF  }
0xb6: {  	_ =	strace $0x9000004B  }
0xb7: {  	_ =	sfence  }
0xb8: {  	s30 =	sld [smem:$0x0];
	_ =	sdelay $0x2  }
0xb9: {  	s31 =	sshll.u32 s1, $0xD;
	s1 =	sshrl.u32 s1, $0x2  }
0xba: {  	s3 =	sand.u32 $0x4000, s31;
	s1 =	sadd.s32 s1, s30  }
0xbb: {  	s0 =	sor.u32 s3, s0;
	s1 =	sshll.u32 s1, $0x11  }
0xbc: {  	s0 =	sor.u32 s1, s0  }
0xbd: {  	s0 =	sadd.s32 $0x8F2B, s0  }
0xbe: {  	[sflag:s0] =	ssyncadd.remote.s32 $0x1  }
0xbf: {  	_ =	sfence.sel $0xFFFF  }
0xc0: {  	[dreg:$0x0] =	wrdreg $0xFFFFFFFF;
	(pc) =	sbr.abs _section_cstart, $3  }
0xc1: {  	[dreg:$0x1] =	wrdreg $0xFFFFFFFF  }
0xc2: {  	_ =	task.clear_ibuf [dreg:s7], $0x2FFFF;
	_ =	strace $0x9FFFFFFF  }
0xc3: {  	(tm) =	ssettm $0x7FFFFFFF  }
tec
execute0_lowered:
.L_overlay_start_1:
0x0: {  	(tag) =	ssettag $0x1  }
0x1: {  	s0 =	rddreg [dreg:$0x0]  }
0x2: {  	s1 =	rddreg [dreg:$0x1];
	s3 =	srdreg.scid  }
0x3: {  	s8 =	stileid.u32;
	s2 =	rddreg [dreg:$0x2];
	s5 =	simm.s32 $0x0  }
0x4: {  	s16 =	simm.s32 $0x5000;
	s17 =	simm.s32 $0xA;
	s18 =	simm.s32 $0x1  }
0x5: {  	s29 =	simm.s32 $0xCD00;
	s30 =	simm.s32 $0x2;
	s31 =	simm.s32 $0x6  }
0x6: {  	s15 =	simm.s32 $0x7;
	s28 =	simm.s32 $0x9;
	s3 =	sand.u32 $0x1, s3  }
0x7: {  	s4 =	sshll.u32 s8, $0x1;
	[smem:$0x7FF] =	sst s5;
	s7 =	smul.u32 $0x27100, s8  }
0x8: {  	s23 =	smul.u32 $0x9C00, s8;
	p0 =	sne.s32 s8, $0xF;
	s4 =	sor.u32 s3, s4  }
0x9: {  	_ =	strace $0x8000004A;
	s6 =	ssub.s32 $0x2, s3;
	s3 =	smul.u32 $0x9C400, s3  }
0xa: {  	s19 =	smul.u32 $0x500, s4;
	s4 =	sadd.s32 $0x15400, s0;
	s20 =	sshrl.u32 s6, $0x1  }
0xb: {  	s21 =	sshrl.u32 s7, $0x2;
	s26 =	sadd.s32 s23, s2;
	s5 =	ssub.s32 s6, s20  }
0xc: {  	s6 =	sadd.s32 s21, s2;
	s25 =	sadd.s32 s23, s3;
	s3 =	sshrl.u32 s3, $0x3  }
0xd: {  	s20 =	simm.s32 $0x6F40;
	s21 =	simm.s32 $0x8;
	s23 =	simm.s32 $0x5  }
0xe: {  	s0 =	sadd.s32 s19, s0;
	s24 =	sadd.s32 $0x1F40, s6;
	s9 =	sadd.s32 $0x3E80, s6  }
0xf: {  	s10 =	sadd.s32 $0x5DC0, s6;
	s11 =	sadd.s32 $0x7D00, s6;
	s3 =	sadd.s32 s1, s3  }
0x10: {  	s14 =	smax.u32 s5, $0x1;
	s19 =	simm.s32 $0x7D;
	s22 =	sadd.s32 $0xB400, s0  }
0x11: {  	s0 =	sadd.s32 $0x1400, s0;
	[dreg:$0x6] =	wrdreg s24;
	s13 =	sadd.s32 $0x13800, s3  }
0x12: {  	s24 =	sshrl.u32 s26, $0x3;
	s26 =	simm.s32 $0xADC0;
	[dreg:$0x4] =	wrdreg s22  }
0x13: {  	s3 =	simm.s32 $0x0;
	[dreg:$0x5] =	wrdreg s0;
	s0 =	sshrl.u32 s25, $0x3  }
0x14: {  	s22 =	simm.s32 $0x8E80;
	s12 =	sadd.s32 s1, s0;
	s1 =	sadd.s32 $0x9C000, s2  }
0x15: {  	v0 =	vimm.f32 $0.0e+00;
	s0 =	simm.s32 $0x4;
	s25 =	sshrl.u32 @!p0 s1, $0x3;
	s1 =	simm.s32 $0x3  }
.LBB2_1:
0x16: {  	s5 =	simm.s32 $0x0;
	s7 =	rddreg [dreg:$0x4]  }
0x17: {  	[tilespmem:s5], [sflag:$0x1] =	stream.linear.gather [hbm4b:s7+s5], $0x2800, $0x38;
	[tilespmem:$0x18880] =	vst v63  }
0x18: {  	s8 =	simm.s32 $0x2800;
	s7 =	rddreg [dreg:$0x5]  }
0x19: {  	[tilespmem:s8], [sflag:$0x1] =	stream.linear.gather [hbm4b:s7+s5], $0x2800, $0x38;
	[tilespmem:$0x18880] =	vst v63  }
0x1a: {  	s7 =	simm.s32 $0x100;
	s5 =	simm.s32 $0x0  }
.LBB2_2:
0x1b: {  	p1 =	sne.s32 s7, $0x7C00;
	[tilespmem:s5+$0x5030] =	vst v0;
	s8 =	smov.u32 s7;
	s7 =	sadd.s32 $0x100, s7  }
.Ltmp0:
0x1c: {  	[tilespmem:s5+$0x5020] =	vst v0;
	(pc) =	sbr.rel @p1 .LBB2_2-.Ltmp0, $3  }
0x1d: {  	[tilespmem:s5+$0x5000] =	vst v0  }
0x1e: {  	[tilespmem:s5+$0x5010] =	vst v0;
	_ =	sdelay $0x1  }
0x1f: {  	s5 =	sshra.s32 s8, $0x2  }
0x20: {  	[tilespmem:s5+$0x5030] =	vst v0  }
0x21: {  	[tilespmem:s5+$0x5020] =	vst v0  }
0x22: {  	[tilespmem:s5+$0x5000] =	vst v0  }
0x23: {  	[tilespmem:s5+$0x5010] =	vst v0  }
0x24: {  	[spmem:s6] =	stream.linear.scatter [tilespmem:s16], [sflag:$0xA], $0x1F40, $0x38;
	[tilespmem:$0x18880] =	vst v63  }
0x25: {  	_ =	swait.ge [sflag:s17], $0x1F40  }
0x26: {  	[sflag:s17] =	ssyncset.done $0x0  }
0x27: {  	s7 =	rddreg [dreg:$0x6];
	[sflag:s17] =	ssyncadd.s32 $0xFFFFE0C0  }
0x28: {  	[spmem:s7] =	stream.linear.scatter [tilespmem:s16], [sflag:$0xA], $0x1F40, $0x38;
	[tilespmem:$0x18880] =	vst v63  }
0x29: {  	_ =	swait.ge [sflag:s17], $0x1F40  }
0x2a: {  	[sflag:s17] =	ssyncset.done $0x0  }
0x2b: {  	[sflag:s17] =	ssyncadd.s32 $0xFFFFE0C0  }
0x2c: {  	[spmem:s9] =	stream.linear.scatter [tilespmem:s16], [sflag:$0xA], $0x1F40, $0x38;
	[tilespmem:$0x18880] =	vst v63  }
0x2d: {  	_ =	swait.ge [sflag:s17], $0x1F40  }
0x2e: {  	[sflag:s17] =	ssyncset.done $0x0  }
0x2f: {  	[sflag:s17] =	ssyncadd.s32 $0xFFFFE0C0  }
0x30: {  	[spmem:s10] =	stream.linear.scatter [tilespmem:s16], [sflag:$0xA], $0x1F40, $0x38;
	[tilespmem:$0x18880] =	vst v63  }
0x31: {  	_ =	swait.ge [sflag:s17], $0x1F40  }
0x32: {  	[sflag:s17] =	ssyncset.done $0x0  }
0x33: {  	[sflag:s17] =	ssyncadd.s32 $0xFFFFE0C0  }
0x34: {  	[spmem:s11] =	stream.linear.scatter [tilespmem:s16], [sflag:$0xA], $0x1F40, $0x38;
	[tilespmem:$0x18880] =	vst v63  }
0x35: {  	_ =	swait.ge [sflag:s17], $0x1F40  }
0x36: {  	[sflag:s17] =	ssyncset.done $0x0  }
0x37: {  	[sflag:s17] =	ssyncadd.s32 $0xFFFFE0C0  }
0x38: {  	_ =	swait.ge [sflag:s18], $0x2800  }
0x39: {  	[sflag:s18] =	ssyncset.done $0x0  }
0x3a: {  	[sflag:s18] =	ssyncadd.s32 $0xFFFFD800  }
0x3b: {  	_ =	swait.ge [sflag:s18], $0x2800  }
0x3c: {  	[sflag:s18] =	ssyncset.done $0x0  }
0x3d: {  	[sflag:s18] =	ssyncadd.s32 $0xFFFFD800  }
0x3e: {  	s8 =	simm.s32 $0x0;
	[bflag:$0x0] =	sbarrier.arrive $0xFFFF  }
0x3f: {  	[tilespmem:s20], [sflag:$0x2] =	stream.indirect.gather [hbm4b:s4+s19], $0x40, s8, s19, $0xb8;
	[tilespmem:$0x18880] =	vst v63  }
0x40: {  	s7 =	simm.s32 $0x80  }
0x41: {  	[tilespmem:s22], [sflag:$0x3] =	stream.indirect.gather [hbm4b:s4+s19], $0x40, s7, s19, $0xb8;
	[tilespmem:$0x18880] =	vst v63  }
0x42: {  	s8 =	simm.s32 $0x100  }
0x43: {  	[tilespmem:s26], [sflag:$0x4] =	stream.indirect.gather [hbm4b:s4+s19], $0x40, s8, s19, $0xb8;
	[tilespmem:$0x18880] =	vst v63  }
0x44: {  	s7 =	simm.s32 $0x180  }
0x45: {  	[tilespmem:s29], [sflag:$0x5] =	stream.indirect.gather [hbm4b:s4+s19], $0x40, s7, s19, $0xb8;
	[tilespmem:$0x18880] =	vst v63  }
0x46: {  	_ =	swait.ge [sflag:s30], $0x1F40  }
0x47: {  	[sflag:s30] =	ssyncset.done $0x0  }
0x48: {  	s8 =	simm.s32 $0x2800;
	[sflag:s30] =	ssyncadd.s32 $0xFFFFE0C0  }
0x49: {  	[spmem:s2] =	stream.indirect.scatter.add.f32 [tilespmem:s20], [sflag:$0x6], $0x40, s8, s19, $0xb8;
	[tilespmem:$0x18880] =	vst v63  }
0x4a: {  	_ =	swait.ge [sflag:s31], $0x1F40  }
0x4b: {  	[sflag:s31] =	ssyncset.done $0x0  }
0x4c: {  	s7 =	simm.s32 $0x200;
	[sflag:s31] =	ssyncadd.s32 $0xFFFFE0C0  }
0x4d: {  	[tilespmem:s20], [sflag:$0x2] =	stream.indirect.gather [hbm4b:s4+s19], $0x40, s7, s19, $0xb8;
	[tilespmem:$0x18880] =	vst v63  }
0x4e: {  	_ =	swait.ge [sflag:s1], $0x1F40  }
0x4f: {  	[sflag:s1] =	ssyncset.done $0x0  }
0x50: {  	s8 =	simm.s32 $0x2880;
	[sflag:s1] =	ssyncadd.s32 $0xFFFFE0C0  }
0x51: {  	[spmem:s2] =	stream.indirect.scatter.add.f32 [tilespmem:s22], [sflag:$0x7], $0x40, s8, s19, $0xb8;
	[tilespmem:$0x18880] =	vst v63  }
0x52: {  	_ =	swait.ge [sflag:s15], $0x1F40  }
0x53: {  	[sflag:s15] =	ssyncset.done $0x0  }
0x54: {  	s7 =	simm.s32 $0x280;
	[sflag:s15] =	ssyncadd.s32 $0xFFFFE0C0  }
0x55: {  	[tilespmem:s22], [sflag:$0x3] =	stream.indirect.gather [hbm4b:s4+s19], $0x40, s7, s19, $0xb8;
	[tilespmem:$0x18880] =	vst v63  }
0x56: {  	_ =	swait.ge [sflag:s0], $0x1F40  }
0x57: {  	[sflag:s0] =	ssyncset.done $0x0  }
0x58: {  	s8 =	simm.s32 $0x2900;
	[sflag:s0] =	ssyncadd.s32 $0xFFFFE0C0  }
0x59: {  	[spmem:s2] =	stream.indirect.scatter.add.f32 [tilespmem:s26], [sflag:$0x8], $0x40, s8, s19, $0xb8;
	[tilespmem:$0x18880] =	vst v63  }
0x5a: {  	_ =	swait.ge [sflag:s21], $0x1F40  }
0x5b: {  	[sflag:s21] =	ssyncset.done $0x0  }
0x5c: {  	s7 =	simm.s32 $0x300;
	[sflag:s21] =	ssyncadd.s32 $0xFFFFE0C0  }
0x5d: {  	[tilespmem:s26], [sflag:$0x4] =	stream.indirect.gather [hbm4b:s4+s19], $0x40, s7, s19, $0xb8;
	[tilespmem:$0x18880] =	vst v63  }
0x5e: {  	_ =	swait.ge [sflag:s23], $0x1F40  }
0x5f: {  	[sflag:s23] =	ssyncset.done $0x0  }
0x60: {  	s8 =	simm.s32 $0x2980;
	[sflag:s23] =	ssyncadd.s32 $0xFFFFE0C0  }
0x61: {  	[spmem:s2] =	stream.indirect.scatter.add.f32 [tilespmem:s29], [sflag:$0x9], $0x40, s8, s19, $0xb8;
	[tilespmem:$0x18880] =	vst v63  }
0x62: {  	_ =	swait.ge [sflag:s28], $0x1F40  }
0x63: {  	[sflag:s28] =	ssyncset.done $0x0  }
0x64: {  	s5 =	simm.s32 $0x800;
	s7 =	simm.s32 $0x380;
	[sflag:s28] =	ssyncadd.s32 $0xFFFFE0C0  }
.LBB2_4:
0x65: {  	[tilespmem:s29], [sflag:$0x5] =	stream.indirect.gather [hbm4b:s4+s19], $0x40, s7, s19, $0xb8;
	[tilespmem:$0x18880] =	vst v63  }
0x66: {  	s7 =	smov.u32 s5  }
0x67: {  	p1 =	sne.s32 s5, $0x9000;
	s5 =	sadd.s32 $0x800, s5;
	_ =	swait.ge [sflag:s30], $0x1F40  }
0x68: {  	s7 =	sshra.s32 s7, $0x2;
	[sflag:s30] =	ssyncset.done $0x0  }
0x69: {  	s8 =	sadd.s32 $0x2800, s7;
	[sflag:s30] =	ssyncadd.s32 $0xFFFFE0C0  }
0x6a: {  	[spmem:s2] =	stream.indirect.scatter.add.f32 [tilespmem:s20], [sflag:$0x6], $0x40, s8, s19, $0xb8;
	[tilespmem:$0x18880] =	vst v63  }
0x6b: {  	_ =	swait.ge [sflag:s31], $0x1F40  }
0x6c: {  	[sflag:s31] =	ssyncset.done $0x0  }
0x6d: {  	s8 =	sadd.s32 $0x200, s7;
	[sflag:s31] =	ssyncadd.s32 $0xFFFFE0C0  }
0x6e: {  	[tilespmem:s20], [sflag:$0x2] =	stream.indirect.gather [hbm4b:s4+s19], $0x40, s8, s19, $0xb8;
	[tilespmem:$0x18880] =	vst v63  }
0x6f: {  	_ =	swait.ge [sflag:s1], $0x1F40  }
0x70: {  	[sflag:s1] =	ssyncset.done $0x0  }
0x71: {  	s8 =	sadd.s32 $0x2880, s7;
	[sflag:s1] =	ssyncadd.s32 $0xFFFFE0C0  }
0x72: {  	[spmem:s2] =	stream.indirect.scatter.add.f32 [tilespmem:s22], [sflag:$0x7], $0x40, s8, s19, $0xb8;
	[tilespmem:$0x18880] =	vst v63  }
0x73: {  	_ =	swait.ge [sflag:s15], $0x1F40  }
0x74: {  	[sflag:s15] =	ssyncset.done $0x0  }
0x75: {  	s8 =	sadd.s32 $0x280, s7;
	[sflag:s15] =	ssyncadd.s32 $0xFFFFE0C0  }
0x76: {  	[tilespmem:s22], [sflag:$0x3] =	stream.indirect.gather [hbm4b:s4+s19], $0x40, s8, s19, $0xb8;
	[tilespmem:$0x18880] =	vst v63  }
0x77: {  	_ =	swait.ge [sflag:s0], $0x1F40  }
0x78: {  	[sflag:s0] =	ssyncset.done $0x0  }
0x79: {  	s8 =	sadd.s32 $0x2900, s7;
	[sflag:s0] =	ssyncadd.s32 $0xFFFFE0C0  }
0x7a: {  	[spmem:s2] =	stream.indirect.scatter.add.f32 [tilespmem:s26], [sflag:$0x8], $0x40, s8, s19, $0xb8;
	[tilespmem:$0x18880] =	vst v63  }
0x7b: {  	_ =	swait.ge [sflag:s21], $0x1F40  }
0x7c: {  	[sflag:s21] =	ssyncset.done $0x0  }
0x7d: {  	s8 =	sadd.s32 $0x300, s7;
	[sflag:s21] =	ssyncadd.s32 $0xFFFFE0C0  }
0x7e: {  	[tilespmem:s26], [sflag:$0x4] =	stream.indirect.gather [hbm4b:s4+s19], $0x40, s8, s19, $0xb8;
	[tilespmem:$0x18880] =	vst v63  }
0x7f: {  	_ =	swait.ge [sflag:s23], $0x1F40  }
0x80: {  	[sflag:s23] =	ssyncset.done $0x0  }
.Ltmp1:
0x81: {  	s8 =	sadd.s32 $0x2980, s7;
	[sflag:s23] =	ssyncadd.s32 $0xFFFFE0C0;
	(pc) =	sbr.rel @p1 .LBB2_4-.Ltmp1, $4  }
0x82: {  	[spmem:s2] =	stream.indirect.scatter.add.f32 [tilespmem:s29], [sflag:$0x9], $0x40, s8, s19, $0xb8;
	[tilespmem:$0x18880] =	vst v63  }
0x83: {  	_ =	swait.ge [sflag:s28], $0x1F40  }
0x84: {  	[sflag:s28] =	ssyncset.done $0x0  }
0x85: {  	s7 =	sadd.s32 $0x380, s7;
	[sflag:s28] =	ssyncadd.s32 $0xFFFFE0C0  }
0x86: {  	[tilespmem:s29], [sflag:$0x5] =	stream.indirect.gather [hbm4b:s4+s19], $0x40, s7, s19, $0xb8;
	[tilespmem:$0x18880] =	vst v63  }
0x87: {  	_ =	swait.ge [sflag:s30], $0x1F40  }
0x88: {  	[sflag:s30] =	ssyncset.done $0x0  }
0x89: {  	s5 =	simm.s32 $0x4E00;
	[sflag:s30] =	ssyncadd.s32 $0xFFFFE0C0  }
0x8a: {  	[spmem:s2] =	stream.indirect.scatter.add.f32 [tilespmem:s20], [sflag:$0x6], $0x40, s5, s19, $0xb8;
	[tilespmem:$0x18880] =	vst v63  }
0x8b: {  	_ =	swait.ge [sflag:s1], $0x1F40  }
0x8c: {  	[sflag:s1] =	ssyncset.done $0x0  }
0x8d: {  	s7 =	simm.s32 $0x4E80;
	[sflag:s1] =	ssyncadd.s32 $0xFFFFE0C0  }
0x8e: {  	[spmem:s2] =	stream.indirect.scatter.add.f32 [tilespmem:s22], [sflag:$0x7], $0x40, s7, s19, $0xb8;
	[tilespmem:$0x18880] =	vst v63  }
0x8f: {  	_ =	swait.ge [sflag:s0], $0x1F40  }
0x90: {  	[sflag:s0] =	ssyncset.done $0x0  }
0x91: {  	s8 =	simm.s32 $0x4F00;
	[sflag:s0] =	ssyncadd.s32 $0xFFFFE0C0  }
0x92: {  	[spmem:s2] =	stream.indirect.scatter.add.f32 [tilespmem:s26], [sflag:$0x8], $0x40, s8, s19, $0xb8;
	[tilespmem:$0x18880] =	vst v63  }
0x93: {  	_ =	swait.ge [sflag:s23], $0x1F40  }
0x94: {  	[sflag:s23] =	ssyncset.done $0x0  }
0x95: {  	s7 =	simm.s32 $0x4F80;
	[sflag:s23] =	ssyncadd.s32 $0xFFFFE0C0  }
0x96: {  	[spmem:s2] =	stream.indirect.scatter.add.f32 [tilespmem:s29], [sflag:$0x9], $0x40, s7, s19, $0xb8;
	[tilespmem:$0x18880] =	vst v63  }
0x97: {  	_ =	swait.ge [sflag:s31], $0x1F40  }
0x98: {  	[sflag:s31] =	ssyncset.done $0x0  }
0x99: {  	[sflag:s31] =	ssyncadd.s32 $0xFFFFE0C0  }
0x9a: {  	_ =	swait.ge [sflag:s15], $0x1F40  }
0x9b: {  	[sflag:s15] =	ssyncset.done $0x0  }
0x9c: {  	[sflag:s15] =	ssyncadd.s32 $0xFFFFE0C0  }
0x9d: {  	_ =	swait.ge [sflag:s21], $0x1F40  }
0x9e: {  	[sflag:s21] =	ssyncset.done $0x0  }
0x9f: {  	[sflag:s21] =	ssyncadd.s32 $0xFFFFE0C0  }
0xa0: {  	_ =	swait.ge [sflag:s28], $0x1F40  }
0xa1: {  	s8 =	stileid.u32;
	[sflag:s28] =	ssyncset.done $0x0  }
0xa2: {  	s5 =	sshll.u32 s8, $0x6;
	[sflag:s28] =	ssyncadd.s32 $0xFFFFE0C0  }
0xa3: {  	s5 =	sor.u32 $0x1C0A, s5;
	[bflag:$0x0] =	sbarrier.arrive $0xFFFF  }
0xa4: {  	[hbm:s12], [sflag:s5] =	dma.local [spmem:s24], $0x1380  }
0xa5: {  	_ =	swait.ge [sflag:s17], $0x1380  }
0xa6: {  	s3 =	sadd.s32 $0x1, s3;
	[sflag:s17] =	ssyncset.done $0x0  }
0xa7: {  	p1 =	sne.s32 s3, s14;
	[sflag:s17] =	ssyncadd.s32 $0xFFFFEC80  }
0xa8: {  	[hbm:s13], [sflag:s5] =	dma.local @!p0 [spmem:s25], $0x80  }
.Ltmp2:
0xa9: {  	_ = 	snop;
	(pc) =	sbr.rel @p1 .LBB2_1-.Ltmp2, $4  }
0xaa: {  	s5 =	simm.s32 @!p0 $0xA  }
0xab: {  	_ =	swait.ge @!p0 [sflag:s5], $0x80  }
0xac: {  	[sflag:s5] =	ssyncset.done @!p0 $0x0  }
0xad: {  	[sflag:s5] =	ssyncadd.s32 @!p0 $0xFFFFFF80  }
0xae: {  	_ =	sfence.sel $0x180000  }
0xaf: {  	[bflag:$0x0] =	sbarrier.arrive $0xFFFF  }
0xb0: {  	_ =	strace $0x9000004A  }
0xb1: {  	s0 =	stileid.u32;
	[bflag:$0x2] =	sbarrier.arrive $0xFFFF  }
0xb2: {  	p0 =	sne.s32 s0, $0x0;
	s0 =	rddreg [dreg:$0x3]  }
0xb3: {  	s0 =	sadd.s32 @!p0 $0x100000, s0  }
0xb4: {  	[sflag:s0] =	ssyncadd.tile.s32 @!p0 $0x1;
	_ =	shalt  }
.Lfunc_end2:
_tile_overlayer_lowered:
.L_overlay_start_2:
0xb5: {  	(tag) =	ssettag $0x2  }
0xb6: {  	s0 =	rddreg [dreg:$0x0];
	s2 =	stileid.u32  }
0xb7: {  	s1 =	rddreg [dreg:$0x1];
	p0 =	sne.s32 s2, $0x0  }
0xb8: {  	s3 =	rddreg [dreg:$0x2];
	[bflag:$0x3] =	sbarrier.arrive $0xFFFF;
	s2 =	simm.s32 @!p0 $0x1C0A  }
0xb9: {  	[timem:s3], [sflag:s2] =	dma.local @!p0 [hbm:s0], s1  }
0xba: {  	s0 =	simm.s32 @!p0 $0xA  }
0xbb: {  	_ =	swait.ge @!p0 [sflag:s0], s1  }
0xbc: {  	s1 =	ssub.s32 @!p0 $0x0, s1;
	[sflag:s0] =	ssyncset.done @!p0 $0x0  }
0xbd: {  	[sflag:s0] =	ssyncadd.s32 @!p0 s1  }
0xbe: {  	[bflag:$0x3] =	sbarrier.arrive $0xFFFF  }
0xbf: {  	_ =	shalt  }

// kernel: kernel.15.cloned.1.call-start
scs
__scs_entry_jumppad:
0x0: {  	(pc) =	sbr.rel $0x88, $3  }
0x1: {  	(tag) =	ssettag $0x0;
	lr =	simm.s32 $0x1  }
0x2: {  	[smem:$0x3F9A] =	sst lr;
	_ =	strace $0xD0000000  }
0x3: {  	_ = 	snop  }
0x4: {  	_ = 	snop  }
0x5: {  	_ = 	snop  }
0x6: {  	_ = 	snop  }
0x7: {  	_ = 	snop  }
__scs_overlays_trampoline_lowered:
0x8: {  	[smem:$0x3FA9] =	sst s0  }
0x9: {  	[smem:$0x3FAA] =	sst s1  }
0xa: {  	[smem:$0x3FAB] =	sst s2  }
0xb: {  	[smem:$0x3FAC] =	sst s3  }
0xc: {  	[smem:$0x3FAD] =	sst s4  }
0xd: {  	[smem:$0x3FAE] =	sst s5  }
0xe: {  	[smem:$0x3FAF] =	sst s6  }
0xf: {  	[smem:$0x3FB0] =	sst s7  }
0x10: {  	[smem:$0x3FB1] =	sst s8  }
0x11: {  	[smem:$0x3FB2] =	sst s9;
	s0 =	simm.s32 @!p0 $0x0  }
0x12: {  	s1 =	sld [smem:$0x3F98];
	s0 =	simm.s32 @p0 $0x1  }
0x13: {  	[smem:$0x3FB3] =	sst s0;
	s0 =	simm.s32 @!p1 $0x0  }
0x14: {  	s2 =	sld [smem:$0x3F97];
	s0 =	simm.s32 @p1 $0x1  }
0x15: {  	[smem:$0x3FB4] =	sst s0;
	s0 =	simm.s32 @!p2 $0x0  }
0x16: {  	s3 =	sld [smem:$0x3FDB];
	s0 =	simm.s32 @p2 $0x1  }
0x17: {  	s4 =	simm.s32 $0x1BF5;
	[smem:$0x3FB6] =	sst s0  }
0x18: {  	s0 =	sld [smem:$0x3F99];
	_ =	swait.ge [sflag:s4], $0x0  }
0x19: {  	s7 =	sld [smem:$0x3F9A]  }
0x1a: {  	s8 =	sadd.s32 $0xFFFFE003, lr  }
0x1b: {  	s9 =	sadd.s32 $0xFFFFFEF7, lr;
	s5 =	simm.s32 $0xFFFFFFFF;
	p2 =	slt.u32 s8, $0xFFFFF086  }
0x1c: {  	p1 =	slt.u32 s9, $0xF7A;
	s5 =	simm.s32 @!p2 $0x0  }
0x1d: {  	s5 =	simm.s32 @p1 $0x1;
	p0 =	seq.s32 s7, s2  }
0x1e: {  	s7 =	smul.u32 @!p0 $0xF7A, s2;
	p2 =	seq.s32 @!p0 s5, $0x0  }
0x1f: {  	s9 =	smul.u32 $0xF7A, s1;
	s8 =	simm.s32 @!p0 $0x1BF5;
	p2 =	por !p2, p0  }
0x20: {  	[sflag:s8] =	ssyncset.s32 @!p0 $0xFFFFF086;
	s6 =	sadd.s32 @!p0 s3, s7;
	s7 =	simm.s32 @!p0 $0x108  }
0x21: {  	s3 =	sadd.s32 s3, s9;
	s6 =	sadd.s32 @!p0 $0x88, s6;
	s7 =	simm.s32 @p2 $0x1082  }
0x22: {  	[simem:s7], [sflag:s8] =	dma.local @!p0 [hbm:s6], $0xF7A  }
0x23: {  	s9 =	sor.u32 $0xD0000000, s2;
	s6 =	simm.s32 $0x108;
	_ =	swait.ge @!p0 [sflag:s8], $0x0  }
0x24: {  	s3 =	sadd.s32 $0x88, s3;
	s6 =	simm.s32 @!p1 $0x1082;
	[sflag:s4] =	ssyncset.s32 $0xFFFFF086  }
0x25: {  	[simem:s6], [sflag:s4] =	dma.local [hbm:s3], $0xF7A  }
0x26: {  	[smem:$0x3F9A] =	sst s1;
	(tag) =	ssettag s2;
	_ =	strace s9  }
0x27: {  	s1 =	sld [smem:$0x3FAA]  }
0x28: {  	s2 =	sld [smem:$0x3FAB]  }
0x29: {  	s4 =	sld [smem:$0x3FAD]  }
0x2a: {  	p0 =	seq.s32 s5, $0x0;
	s5 =	sld [smem:$0x3FAE]  }
0x2b: {  	s6 =	sld [smem:$0x3FAF]  }
0x2c: {  	s7 =	sld [smem:$0x3FB0]  }
0x2d: {  	s3 =	simm.s32 $0x108;
	s8 =	sld [smem:$0x3FB1]  }
0x2e: {  	s3 =	simm.s32 @!p0 $0x1082;
	s9 =	sld [smem:$0x3FB2]  }
0x2f: {  	lr =	sadd.s32 s0, s3;
	s0 =	sld [smem:$0x3FA9]  }
0x30: {  	s3 =	sld [smem:$0x3FAC]  }
0x31: {  	[smem:$0x3FB5] =	sst s10  }
0x32: {  	s10 =	sld [smem:$0x3FB3];
	_ =	sdelay $0x3  }
0x33: {  	p0 =	seq.s32 s10, $0x1;
	s10 =	sld [smem:$0x3FB5];
	_ =	sdelay $0x3  }
0x34: {  	[smem:$0x3FB5] =	sst s10  }
0x35: {  	s10 =	sld [smem:$0x3FB4];
	_ =	sdelay $0x3  }
0x36: {  	p1 =	seq.s32 s10, $0x1;
	s10 =	sld [smem:$0x3FB5];
	_ =	sdelay $0x3  }
0x37: {  	[smem:$0x3FB5] =	sst s10  }
0x38: {  	s10 =	sld [smem:$0x3FB6]  }
0x39: {  	_ = 	snop;
	(pc) =	sbr.ind lr, $3  }
0x3a: {  	_ = 	snop  }
0x3b: {  	_ = 	snop  }
0x3c: {  	p2 =	seq.s32 s10, $0x1;
	s10 =	sld [smem:$0x3FB5]  }
0x3d: {  	_ =	shalt  }
0x3e: {  	_ =	shalt  }
0x3f: {  	_ =	shalt  }
0x40: {  	_ =	shalt  }
0x41: {  	_ =	shalt  }
0x42: {  	_ =	shalt  }
0x43: {  	_ =	shalt  }
0x44: {  	_ =	shalt  }
0x45: {  	_ =	shalt  }
0x46: {  	_ =	shalt  }
0x47: {  	_ =	shalt  }
0x48: {  	_ =	shalt  }
0x49: {  	_ =	shalt  }
0x4a: {  	_ =	shalt  }
0x4b: {  	_ =	shalt  }
0x4c: {  	_ =	shalt  }
0x4d: {  	_ =	shalt  }
0x4e: {  	_ =	shalt  }
0x4f: {  	_ =	shalt  }
0x50: {  	_ =	shalt  }
0x51: {  	_ =	shalt  }
0x52: {  	_ =	shalt  }
0x53: {  	_ =	shalt  }
0x54: {  	_ =	shalt  }
0x55: {  	_ =	shalt  }
0x56: {  	_ =	shalt  }
0x57: {  	_ =	shalt  }
0x58: {  	_ =	shalt  }
0x59: {  	_ =	shalt  }
0x5a: {  	_ =	shalt  }
0x5b: {  	_ =	shalt  }
0x5c: {  	_ =	shalt  }
0x5d: {  	_ =	shalt  }
0x5e: {  	_ =	shalt  }
0x5f: {  	_ =	shalt  }
0x60: {  	_ =	shalt  }
0x61: {  	_ =	shalt  }
0x62: {  	_ =	shalt  }
0x63: {  	_ =	shalt  }
0x64: {  	_ =	shalt  }
0x65: {  	_ =	shalt  }
0x66: {  	_ =	shalt  }
0x67: {  	_ =	shalt  }
0x68: {  	_ =	shalt  }
0x69: {  	_ =	shalt  }
0x6a: {  	_ =	shalt  }
0x6b: {  	_ =	shalt  }
0x6c: {  	_ =	shalt  }
0x6d: {  	_ =	shalt  }
0x6e: {  	_ =	shalt  }
0x6f: {  	_ =	shalt  }
0x70: {  	_ =	shalt  }
0x71: {  	_ =	shalt  }
0x72: {  	_ =	shalt  }
0x73: {  	_ =	shalt  }
0x74: {  	_ =	shalt  }
0x75: {  	_ =	shalt  }
0x76: {  	_ =	shalt  }
0x77: {  	_ =	shalt  }
0x78: {  	_ =	shalt  }
0x79: {  	_ =	shalt  }
0x7a: {  	_ =	shalt  }
0x7b: {  	_ =	shalt  }
0x7c: {  	_ =	shalt  }
0x7d: {  	_ =	shalt  }
0x7e: {  	_ =	shalt  }
0x7f: {  	_ =	shalt  }
0x80: {  	_ =	shalt  }
0x81: {  	_ =	shalt  }
0x82: {  	_ =	shalt  }
0x83: {  	_ =	shalt  }
0x84: {  	_ =	shalt  }
0x85: {  	_ =	shalt  }
0x86: {  	_ =	shalt  }
0x87: {  	_ =	shalt  }
.Lfunc_end0:
.L_simem_size_0:
called_computation.2_lowered:
.L_overlay_start_0:
0x88: {  	s2 =	sld [smem:$0x3FD9]  }
0x89: {  	s3 =	sld [smem:$0x3FFE];
	_ =	sdelay $0x1  }
0x8a: {  	s1 =	srdreg.scid  }
0x8b: {  	s0 =	sand.u32 $0x1, s1  }
0x8c: {  	s17 =	sshll.u32 s0, $0xA;
	s2 =	sadd.s32 s3, s2  }
0x8d: {  	s2 =	sadd.s32 s2, s17  }
0x8e: {  	[smem:$0x3FC1] =	sst s2  }
0x8f: {  	_ = 	snop  }
0x90: {  	s2 =	sld [smem:$0x3FD0];
	(tm) =	ssettm $0x1  }
0x91: {  	s18 =	sld [smem:$0x3FFB];
	_ =	sdelay $0x3  }
0x92: {  	_ =	strace s18  }
0x93: {  	s3 =	sld [smem:$0x3FFC];
	_ =	sdelay $0x3  }
0x94: {  	_ =	strace s3  }
0x95: {  	s3 =	sld [smem:$0x3FFD];
	_ =	sdelay $0x3  }
0x96: {  	_ =	strace s3  }
0x97: {  	_ =	strace $0x8FFFFFFF  }
0x98: {  	s19 =	sld [smem:$0x3FDB];
	_ =	sdelay $0x1  }
0x99: {  	s4 =	simm.s32 $_scs_section_size  }
0x9a: {  	s5 =	simm.s32 $_size__tile_overlayer_lowered;
	s6 =	simm.s32 $_tile_overlayer_lowered  }
0x9b: {  	s22 =	simm.s32 $0x1BFF;
	s21 =	sshll.u32 s6, $0x1;
	s3 =	sadd.s32 s4, s19  }
0x9c: {  	s7 =	simm.s32 $0x0;
	s20 =	sshll.u32 s5, $0x1;
	s5 =	sadd.s32 s21, s3  }
0x9d: {  	[timem:s7], [sflag:s22] =	dma.local [hbm:s5], s20  }
0x9e: {  	_ =	swait.ge [sflag:s22], s20  }
0x9f: {  	s4 =	ssub.s32 $0x0, s20;
	[sflag:s22] =	ssyncset.done $0x0  }
0xa0: {  	[sflag:s22] =	ssyncadd.s32 s4;
	_ =	sdelay $0x1  }
0xa1: {  	s23 =	simm.s32 $0x1B8B  }
0xa2: {  	_ =	swait.ge [sflag:s23], $0x1  }
0xa3: {  	[sflag:s23] =	ssyncset.done $0x0  }
0xa4: {  	s25 =	simm.s32 $0x1B8E;
	s24 =	sld [smem:$0x3FFE];
	[sflag:s23] =	ssyncadd.s32 $0xFFFFFFFF  }
0xa5: {  	s26 =	simm.s32 $execute0_lowered;
	[smem:$0x3FD2] =	sst s25  }
0xa6: {  	s5 =	sshll.u32 s26, $0x1;
	_ =	strace $0x8000004C;
	[dreg:$0x1] =	wrdreg $0xFFFFFFFF  }
0xa7: {  	s28 =	simm.s32 $_size_execute0_lowered;
	s3 =	sadd.s32 s3, s5;
	[dreg:$0x0] =	wrdreg $0x0  }
0xa8: {  	s5 =	sshll.u32 s28, $0x1;
	[dreg:$0x2] =	wrdreg s3  }
0xa9: {  	[dreg:$0x3] =	wrdreg s5  }
0xaa: {  	[dreg:$0x4] =	wrdreg $0xC0  }
0xab: {  	_ =	task [dreg:s7], $0x5FFFF  }
0xac: {  	[dreg:$0x1] =	wrdreg $0xFFFFFFFF  }
0xad: {  	[dreg:$0x0] =	wrdreg $0x60  }
0xae: {  	[dreg:$0x2] =	wrdreg s24  }
0xaf: {  	[dreg:$0x3] =	wrdreg s2  }
0xb0: {  	[dreg:$0x4] =	wrdreg $0xEC400  }
0xb1: {  	[dreg:$0x5] =	wrdreg $0x9  }
0xb2: {  	_ =	task.clear_ibuf [dreg:s7], $0x6FFFF;
	_ =	strace $0x9000004C  }
0xb3: {  	s29 =	simm.s32 $0x9;
	_ =	strace $0x8000004E  }
0xb4: {  	_ =	swait.ge [sflag:s29], $0x1  }
0xb5: {  	[sflag:s29] =	ssyncadd.s32 $0xFFFFFFFF  }
0xb6: {  	_ =	strace $0x9000004E  }
0xb7: {  	_ =	sfence  }
0xb8: {  	s30 =	sld [smem:$0x0];
	_ =	sdelay $0x2  }
0xb9: {  	s31 =	sshll.u32 s1, $0xD;
	s1 =	sshrl.u32 s1, $0x2  }
0xba: {  	s3 =	sand.u32 $0x4000, s31;
	s1 =	sadd.s32 s1, s30  }
0xbb: {  	s0 =	sor.u32 s3, s0;
	s1 =	sshll.u32 s1, $0x11  }
0xbc: {  	s0 =	sor.u32 s1, s0  }
0xbd: {  	s0 =	sadd.s32 $0x8F2B, s0  }
0xbe: {  	[sflag:s0] =	ssyncadd.remote.s32 $0x1  }
0xbf: {  	_ =	sfence.sel $0xFFFF  }
0xc0: {  	[dreg:$0x0] =	wrdreg $0xFFFFFFFF;
	(pc) =	sbr.abs _section_cstart, $3  }
0xc1: {  	[dreg:$0x1] =	wrdreg $0xFFFFFFFF  }
0xc2: {  	_ =	task.clear_ibuf [dreg:s7], $0x2FFFF;
	_ =	strace $0x9FFFFFFF  }
0xc3: {  	(tm) =	ssettm $0x7FFFFFFF  }
tec
execute0_lowered:
.L_overlay_start_1:
0x0: {  	(tag) =	ssettag $0x1  }
0x1: {  	s0 =	rddreg [dreg:$0x0]  }
0x2: {  	s1 =	rddreg [dreg:$0x1];
	s3 =	srdreg.scid  }
0x3: {  	s8 =	stileid.u32;
	s2 =	rddreg [dreg:$0x2];
	s5 =	simm.s32 $0x0  }
0x4: {  	s16 =	simm.s32 $0x5000;
	s17 =	simm.s32 $0xA;
	s18 =	simm.s32 $0x1  }
0x5: {  	s29 =	simm.s32 $0xCD00;
	s30 =	simm.s32 $0x2;
	s31 =	simm.s32 $0x6  }
0x6: {  	s15 =	simm.s32 $0x7;
	s28 =	simm.s32 $0x9;
	s3 =	sand.u32 $0x1, s3  }
0x7: {  	s4 =	sshll.u32 s8, $0x1;
	[smem:$0x7FF] =	sst s5;
	s7 =	smul.u32 $0x27100, s8  }
0x8: {  	s23 =	smul.u32 $0x9C00, s8;
	p0 =	sne.s32 s8, $0xF;
	s4 =	sor.u32 s3, s4  }
0x9: {  	_ =	strace $0x8000004D;
	s6 =	ssub.s32 $0x2, s3;
	s3 =	smul.u32 $0x9C400, s3  }
0xa: {  	s19 =	smul.u32 $0x500, s4;
	s4 =	sadd.s32 $0x15400, s0;
	s20 =	sshrl.u32 s6, $0x1  }
0xb: {  	s21 =	sshrl.u32 s7, $0x2;
	s26 =	sadd.s32 s23, s2;
	s5 =	ssub.s32 s6, s20  }
0xc: {  	s6 =	sadd.s32 s21, s2;
	s25 =	sadd.s32 s23, s3;
	s3 =	sshrl.u32 s3, $0x3  }
0xd: {  	s20 =	simm.s32 $0x6F40;
	s21 =	simm.s32 $0x8;
	s23 =	simm.s32 $0x5  }
0xe: {  	s0 =	sadd.s32 s19, s0;
	s24 =	sadd.s32 $0x1F40, s6;
	s9 =	sadd.s32 $0x3E80, s6  }
0xf: {  	s10 =	sadd.s32 $0x5DC0, s6;
	s11 =	sadd.s32 $0x7D00, s6;
	s3 =	sadd.s32 s1, s3  }
0x10: {  	s14 =	smax.u32 s5, $0x1;
	s19 =	simm.s32 $0x7D;
	s22 =	sadd.s32 $0xB400, s0  }
0x11: {  	s0 =	sadd.s32 $0x1400, s0;
	[dreg:$0x6] =	wrdreg s24;
	s13 =	sadd.s32 $0x13800, s3  }
0x12: {  	s24 =	sshrl.u32 s26, $0x3;
	s26 =	simm.s32 $0xADC0;
	[dreg:$0x4] =	wrdreg s22  }
0x13: {  	s3 =	simm.s32 $0x0;
	[dreg:$0x5] =	wrdreg s0;
	s0 =	sshrl.u32 s25, $0x3  }
0x14: {  	s22 =	simm.s32 $0x8E80;
	s12 =	sadd.s32 s1, s0;
	s1 =	sadd.s32 $0x9C000, s2  }
0x15: {  	v0 =	vimm.f32 $0.0e+00;
	s0 =	simm.s32 $0x4;
	s25 =	sshrl.u32 @!p0 s1, $0x3;
	s1 =	simm.s32 $0x3  }
.LBB2_1:
0x16: {  	s5 =	simm.s32 $0x0;
	s7 =	rddreg [dreg:$0x4]  }
0x17: {  	[tilespmem:s5], [sflag:$0x1] =	stream.linear.gather [hbm4b:s7+s5], $0x2800, $0x38;
	[tilespmem:$0x18880] =	vst v63  }
0x18: {  	s8 =	simm.s32 $0x2800;
	s7 =	rddreg [dreg:$0x5]  }
0x19: {  	[tilespmem:s8], [sflag:$0x1] =	stream.linear.gather [hbm4b:s7+s5], $0x2800, $0x38;
	[tilespmem:$0x18880] =	vst v63  }
0x1a: {  	s7 =	simm.s32 $0x100;
	s5 =	simm.s32 $0x0  }
.LBB2_2:
0x1b: {  	p1 =	sne.s32 s7, $0x7C00;
	[tilespmem:s5+$0x5030] =	vst v0;
	s8 =	smov.u32 s7;
	s7 =	sadd.s32 $0x100, s7  }
.Ltmp0:
0x1c: {  	[tilespmem:s5+$0x5020] =	vst v0;
	(pc) =	sbr.rel @p1 .LBB2_2-.Ltmp0, $3  }
0x1d: {  	[tilespmem:s5+$0x5000] =	vst v0  }
0x1e: {  	[tilespmem:s5+$0x5010] =	vst v0;
	_ =	sdelay $0x1  }
0x1f: {  	s5 =	sshra.s32 s8, $0x2  }
0x20: {  	[tilespmem:s5+$0x5030] =	vst v0  }
0x21: {  	[tilespmem:s5+$0x5020] =	vst v0  }
0x22: {  	[tilespmem:s5+$0x5000] =	vst v0  }
0x23: {  	[tilespmem:s5+$0x5010] =	vst v0  }
0x24: {  	[spmem:s6] =	stream.linear.scatter [tilespmem:s16], [sflag:$0xA], $0x1F40, $0x38;
	[tilespmem:$0x18880] =	vst v63  }
0x25: {  	_ =	swait.ge [sflag:s17], $0x1F40  }
0x26: {  	[sflag:s17] =	ssyncset.done $0x0  }
0x27: {  	s7 =	rddreg [dreg:$0x6];
	[sflag:s17] =	ssyncadd.s32 $0xFFFFE0C0  }
0x28: {  	[spmem:s7] =	stream.linear.scatter [tilespmem:s16], [sflag:$0xA], $0x1F40, $0x38;
	[tilespmem:$0x18880] =	vst v63  }
0x29: {  	_ =	swait.ge [sflag:s17], $0x1F40  }
0x2a: {  	[sflag:s17] =	ssyncset.done $0x0  }
0x2b: {  	[sflag:s17] =	ssyncadd.s32 $0xFFFFE0C0  }
0x2c: {  	[spmem:s9] =	stream.linear.scatter [tilespmem:s16], [sflag:$0xA], $0x1F40, $0x38;
	[tilespmem:$0x18880] =	vst v63  }
0x2d: {  	_ =	swait.ge [sflag:s17], $0x1F40  }
0x2e: {  	[sflag:s17] =	ssyncset.done $0x0  }
0x2f: {  	[sflag:s17] =	ssyncadd.s32 $0xFFFFE0C0  }
0x30: {  	[spmem:s10] =	stream.linear.scatter [tilespmem:s16], [sflag:$0xA], $0x1F40, $0x38;
	[tilespmem:$0x18880] =	vst v63  }
0x31: {  	_ =	swait.ge [sflag:s17], $0x1F40  }
0x32: {  	[sflag:s17] =	ssyncset.done $0x0  }
0x33: {  	[sflag:s17] =	ssyncadd.s32 $0xFFFFE0C0  }
0x34: {  	[spmem:s11] =	stream.linear.scatter [tilespmem:s16], [sflag:$0xA], $0x1F40, $0x38;
	[tilespmem:$0x18880] =	vst v63  }
0x35: {  	_ =	swait.ge [sflag:s17], $0x1F40  }
0x36: {  	[sflag:s17] =	ssyncset.done $0x0  }
0x37: {  	[sflag:s17] =	ssyncadd.s32 $0xFFFFE0C0  }
0x38: {  	_ =	swait.ge [sflag:s18], $0x2800  }
0x39: {  	[sflag:s18] =	ssyncset.done $0x0  }
0x3a: {  	[sflag:s18] =	ssyncadd.s32 $0xFFFFD800  }
0x3b: {  	_ =	swait.ge [sflag:s18], $0x2800  }
0x3c: {  	[sflag:s18] =	ssyncset.done $0x0  }
0x3d: {  	[sflag:s18] =	ssyncadd.s32 $0xFFFFD800  }
0x3e: {  	s8 =	simm.s32 $0x0;
	[bflag:$0x0] =	sbarrier.arrive $0xFFFF  }
0x3f: {  	[tilespmem:s20], [sflag:$0x2] =	stream.indirect.gather [hbm4b:s4+s19], $0x40, s8, s19, $0xb8;
	[tilespmem:$0x18880] =	vst v63  }
0x40: {  	s7 =	simm.s32 $0x80  }
0x41: {  	[tilespmem:s22], [sflag:$0x3] =	stream.indirect.gather [hbm4b:s4+s19], $0x40, s7, s19, $0xb8;
	[tilespmem:$0x18880] =	vst v63  }
0x42: {  	s8 =	simm.s32 $0x100  }
0x43: {  	[tilespmem:s26], [sflag:$0x4] =	stream.indirect.gather [hbm4b:s4+s19], $0x40, s8, s19, $0xb8;
	[tilespmem:$0x18880] =	vst v63  }
0x44: {  	s7 =	simm.s32 $0x180  }
0x45: {  	[tilespmem:s29], [sflag:$0x5] =	stream.indirect.gather [hbm4b:s4+s19], $0x40, s7, s19, $0xb8;
	[tilespmem:$0x18880] =	vst v63  }
0x46: {  	_ =	swait.ge [sflag:s30], $0x1F40  }
0x47: {  	[sflag:s30] =	ssyncset.done $0x0  }
0x48: {  	s8 =	simm.s32 $0x2800;
	[sflag:s30] =	ssyncadd.s32 $0xFFFFE0C0  }
0x49: {  	[spmem:s2] =	stream.indirect.scatter.add.f32 [tilespmem:s20], [sflag:$0x6], $0x40, s8, s19, $0xb8;
	[tilespmem:$0x18880] =	vst v63  }
0x4a: {  	_ =	swait.ge [sflag:s31], $0x1F40  }
0x4b: {  	[sflag:s31] =	ssyncset.done $0x0  }
0x4c: {  	s7 =	simm.s32 $0x200;
	[sflag:s31] =	ssyncadd.s32 $0xFFFFE0C0  }
0x4d: {  	[tilespmem:s20], [sflag:$0x2] =	stream.indirect.gather [hbm4b:s4+s19], $0x40, s7, s19, $0xb8;
	[tilespmem:$0x18880] =	vst v63  }
0x4e: {  	_ =	swait.ge [sflag:s1], $0x1F40  }
0x4f: {  	[sflag:s1] =	ssyncset.done $0x0  }
0x50: {  	s8 =	simm.s32 $0x2880;
	[sflag:s1] =	ssyncadd.s32 $0xFFFFE0C0  }
0x51: {  	[spmem:s2] =	stream.indirect.scatter.add.f32 [tilespmem:s22], [sflag:$0x7], $0x40, s8, s19, $0xb8;
	[tilespmem:$0x18880] =	vst v63  }
0x52: {  	_ =	swait.ge [sflag:s15], $0x1F40  }
0x53: {  	[sflag:s15] =	ssyncset.done $0x0  }
0x54: {  	s7 =	simm.s32 $0x280;
	[sflag:s15] =	ssyncadd.s32 $0xFFFFE0C0  }
0x55: {  	[tilespmem:s22], [sflag:$0x3] =	stream.indirect.gather [hbm4b:s4+s19], $0x40, s7, s19, $0xb8;
	[tilespmem:$0x18880] =	vst v63  }
0x56: {  	_ =	swait.ge [sflag:s0], $0x1F40  }
0x57: {  	[sflag:s0] =	ssyncset.done $0x0  }
0x58: {  	s8 =	simm.s32 $0x2900;
	[sflag:s0] =	ssyncadd.s32 $0xFFFFE0C0  }
0x59: {  	[spmem:s2] =	stream.indirect.scatter.add.f32 [tilespmem:s26], [sflag:$0x8], $0x40, s8, s19, $0xb8;
	[tilespmem:$0x18880] =	vst v63  }
0x5a: {  	_ =	swait.ge [sflag:s21], $0x1F40  }
0x5b: {  	[sflag:s21] =	ssyncset.done $0x0  }
0x5c: {  	s7 =	simm.s32 $0x300;
	[sflag:s21] =	ssyncadd.s32 $0xFFFFE0C0  }
0x5d: {  	[tilespmem:s26], [sflag:$0x4] =	stream.indirect.gather [hbm4b:s4+s19], $0x40, s7, s19, $0xb8;
	[tilespmem:$0x18880] =	vst v63  }
0x5e: {  	_ =	swait.ge [sflag:s23], $0x1F40  }
0x5f: {  	[sflag:s23] =	ssyncset.done $0x0  }
0x60: {  	s8 =	simm.s32 $0x2980;
	[sflag:s23] =	ssyncadd.s32 $0xFFFFE0C0  }
0x61: {  	[spmem:s2] =	stream.indirect.scatter.add.f32 [tilespmem:s29], [sflag:$0x9], $0x40, s8, s19, $0xb8;
	[tilespmem:$0x18880] =	vst v63  }
0x62: {  	_ =	swait.ge [sflag:s28], $0x1F40  }
0x63: {  	[sflag:s28] =	ssyncset.done $0x0  }
0x64: {  	s5 =	simm.s32 $0x800;
	s7 =	simm.s32 $0x380;
	[sflag:s28] =	ssyncadd.s32 $0xFFFFE0C0  }
.LBB2_4:
0x65: {  	[tilespmem:s29], [sflag:$0x5] =	stream.indirect.gather [hbm4b:s4+s19], $0x40, s7, s19, $0xb8;
	[tilespmem:$0x18880] =	vst v63  }
0x66: {  	s7 =	smov.u32 s5  }
0x67: {  	p1 =	sne.s32 s5, $0x9000;
	s5 =	sadd.s32 $0x800, s5;
	_ =	swait.ge [sflag:s30], $0x1F40  }
0x68: {  	s7 =	sshra.s32 s7, $0x2;
	[sflag:s30] =	ssyncset.done $0x0  }
0x69: {  	s8 =	sadd.s32 $0x2800, s7;
	[sflag:s30] =	ssyncadd.s32 $0xFFFFE0C0  }
0x6a: {  	[spmem:s2] =	stream.indirect.scatter.add.f32 [tilespmem:s20], [sflag:$0x6], $0x40, s8, s19, $0xb8;
	[tilespmem:$0x18880] =	vst v63  }
0x6b: {  	_ =	swait.ge [sflag:s31], $0x1F40  }
0x6c: {  	[sflag:s31] =	ssyncset.done $0x0  }
0x6d: {  	s8 =	sadd.s32 $0x200, s7;
	[sflag:s31] =	ssyncadd.s32 $0xFFFFE0C0  }
0x6e: {  	[tilespmem:s20], [sflag:$0x2] =	stream.indirect.gather [hbm4b:s4+s19], $0x40, s8, s19, $0xb8;
	[tilespmem:$0x18880] =	vst v63  }
0x6f: {  	_ =	swait.ge [sflag:s1], $0x1F40  }
0x70: {  	[sflag:s1] =	ssyncset.done $0x0  }
0x71: {  	s8 =	sadd.s32 $0x2880, s7;
	[sflag:s1] =	ssyncadd.s32 $0xFFFFE0C0  }
0x72: {  	[spmem:s2] =	stream.indirect.scatter.add.f32 [tilespmem:s22], [sflag:$0x7], $0x40, s8, s19, $0xb8;
	[tilespmem:$0x18880] =	vst v63  }
0x73: {  	_ =	swait.ge [sflag:s15], $0x1F40  }
0x74: {  	[sflag:s15] =	ssyncset.done $0x0  }
0x75: {  	s8 =	sadd.s32 $0x280, s7;
	[sflag:s15] =	ssyncadd.s32 $0xFFFFE0C0  }
0x76: {  	[tilespmem:s22], [sflag:$0x3] =	stream.indirect.gather [hbm4b:s4+s19], $0x40, s8, s19, $0xb8;
	[tilespmem:$0x18880] =	vst v63  }
0x77: {  	_ =	swait.ge [sflag:s0], $0x1F40  }
0x78: {  	[sflag:s0] =	ssyncset.done $0x0  }
0x79: {  	s8 =	sadd.s32 $0x2900, s7;
	[sflag:s0] =	ssyncadd.s32 $0xFFFFE0C0  }
0x7a: {  	[spmem:s2] =	stream.indirect.scatter.add.f32 [tilespmem:s26], [sflag:$0x8], $0x40, s8, s19, $0xb8;
	[tilespmem:$0x18880] =	vst v63  }
0x7b: {  	_ =	swait.ge [sflag:s21], $0x1F40  }
0x7c: {  	[sflag:s21] =	ssyncset.done $0x0  }
0x7d: {  	s8 =	sadd.s32 $0x300, s7;
	[sflag:s21] =	ssyncadd.s32 $0xFFFFE0C0  }
0x7e: {  	[tilespmem:s26], [sflag:$0x4] =	stream.indirect.gather [hbm4b:s4+s19], $0x40, s8, s19, $0xb8;
	[tilespmem:$0x18880] =	vst v63  }
0x7f: {  	_ =	swait.ge [sflag:s23], $0x1F40  }
0x80: {  	[sflag:s23] =	ssyncset.done $0x0  }
.Ltmp1:
0x81: {  	s8 =	sadd.s32 $0x2980, s7;
	[sflag:s23] =	ssyncadd.s32 $0xFFFFE0C0;
	(pc) =	sbr.rel @p1 .LBB2_4-.Ltmp1, $4  }
0x82: {  	[spmem:s2] =	stream.indirect.scatter.add.f32 [tilespmem:s29], [sflag:$0x9], $0x40, s8, s19, $0xb8;
	[tilespmem:$0x18880] =	vst v63  }
0x83: {  	_ =	swait.ge [sflag:s28], $0x1F40  }
0x84: {  	[sflag:s28] =	ssyncset.done $0x0  }
0x85: {  	s7 =	sadd.s32 $0x380, s7;
	[sflag:s28] =	ssyncadd.s32 $0xFFFFE0C0  }
0x86: {  	[tilespmem:s29], [sflag:$0x5] =	stream.indirect.gather [hbm4b:s4+s19], $0x40, s7, s19, $0xb8;
	[tilespmem:$0x18880] =	vst v63  }
0x87: {  	_ =	swait.ge [sflag:s30], $0x1F40  }
0x88: {  	[sflag:s30] =	ssyncset.done $0x0  }
0x89: {  	s5 =	simm.s32 $0x4E00;
	[sflag:s30] =	ssyncadd.s32 $0xFFFFE0C0  }
0x8a: {  	[spmem:s2] =	stream.indirect.scatter.add.f32 [tilespmem:s20], [sflag:$0x6], $0x40, s5, s19, $0xb8;
	[tilespmem:$0x18880] =	vst v63  }
0x8b: {  	_ =	swait.ge [sflag:s1], $0x1F40  }
0x8c: {  	[sflag:s1] =	ssyncset.done $0x0  }
0x8d: {  	s7 =	simm.s32 $0x4E80;
	[sflag:s1] =	ssyncadd.s32 $0xFFFFE0C0  }
0x8e: {  	[spmem:s2] =	stream.indirect.scatter.add.f32 [tilespmem:s22], [sflag:$0x7], $0x40, s7, s19, $0xb8;
	[tilespmem:$0x18880] =	vst v63  }
0x8f: {  	_ =	swait.ge [sflag:s0], $0x1F40  }
0x90: {  	[sflag:s0] =	ssyncset.done $0x0  }
0x91: {  	s8 =	simm.s32 $0x4F00;
	[sflag:s0] =	ssyncadd.s32 $0xFFFFE0C0  }
0x92: {  	[spmem:s2] =	stream.indirect.scatter.add.f32 [tilespmem:s26], [sflag:$0x8], $0x40, s8, s19, $0xb8;
	[tilespmem:$0x18880] =	vst v63  }
0x93: {  	_ =	swait.ge [sflag:s23], $0x1F40  }
0x94: {  	[sflag:s23] =	ssyncset.done $0x0  }
0x95: {  	s7 =	simm.s32 $0x4F80;
	[sflag:s23] =	ssyncadd.s32 $0xFFFFE0C0  }
0x96: {  	[spmem:s2] =	stream.indirect.scatter.add.f32 [tilespmem:s29], [sflag:$0x9], $0x40, s7, s19, $0xb8;
	[tilespmem:$0x18880] =	vst v63  }
0x97: {  	_ =	swait.ge [sflag:s31], $0x1F40  }
0x98: {  	[sflag:s31] =	ssyncset.done $0x0  }
0x99: {  	[sflag:s31] =	ssyncadd.s32 $0xFFFFE0C0  }
0x9a: {  	_ =	swait.ge [sflag:s15], $0x1F40  }
0x9b: {  	[sflag:s15] =	ssyncset.done $0x0  }
0x9c: {  	[sflag:s15] =	ssyncadd.s32 $0xFFFFE0C0  }
0x9d: {  	_ =	swait.ge [sflag:s21], $0x1F40  }
0x9e: {  	[sflag:s21] =	ssyncset.done $0x0  }
0x9f: {  	[sflag:s21] =	ssyncadd.s32 $0xFFFFE0C0  }
0xa0: {  	_ =	swait.ge [sflag:s28], $0x1F40  }
0xa1: {  	s8 =	stileid.u32;
	[sflag:s28] =	ssyncset.done $0x0  }
0xa2: {  	s5 =	sshll.u32 s8, $0x6;
	[sflag:s28] =	ssyncadd.s32 $0xFFFFE0C0  }
0xa3: {  	s5 =	sor.u32 $0x1C0A, s5;
	[bflag:$0x0] =	sbarrier.arrive $0xFFFF  }
0xa4: {  	[hbm:s12], [sflag:s5] =	dma.local [spmem:s24], $0x1380  }
0xa5: {  	_ =	swait.ge [sflag:s17], $0x1380  }
0xa6: {  	s3 =	sadd.s32 $0x1, s3;
	[sflag:s17] =	ssyncset.done $0x0  }
0xa7: {  	p1 =	sne.s32 s3, s14;
	[sflag:s17] =	ssyncadd.s32 $0xFFFFEC80  }
0xa8: {  	[hbm:s13], [sflag:s5] =	dma.local @!p0 [spmem:s25], $0x80  }
.Ltmp2:
0xa9: {  	_ = 	snop;
	(pc) =	sbr.rel @p1 .LBB2_1-.Ltmp2, $4  }
0xaa: {  	s5 =	simm.s32 @!p0 $0xA  }
0xab: {  	_ =	swait.ge @!p0 [sflag:s5], $0x80  }
0xac: {  	[sflag:s5] =	ssyncset.done @!p0 $0x0  }
0xad: {  	[sflag:s5] =	ssyncadd.s32 @!p0 $0xFFFFFF80  }
0xae: {  	_ =	sfence.sel $0x180000  }
0xaf: {  	[bflag:$0x0] =	sbarrier.arrive $0xFFFF  }
0xb0: {  	_ =	strace $0x9000004D  }
0xb1: {  	s0 =	stileid.u32;
	[bflag:$0x2] =	sbarrier.arrive $0xFFFF  }
0xb2: {  	p0 =	sne.s32 s0, $0x0;
	s0 =	rddreg [dreg:$0x3]  }
0xb3: {  	s0 =	sadd.s32 @!p0 $0x100000, s0  }
0xb4: {  	[sflag:s0] =	ssyncadd.tile.s32 @!p0 $0x1;
	_ =	shalt  }
.Lfunc_end2:
_tile_overlayer_lowered:
.L_overlay_start_2:
0xb5: {  	(tag) =	ssettag $0x2  }
0xb6: {  	s0 =	rddreg [dreg:$0x0];
	s2 =	stileid.u32  }
0xb7: {  	s1 =	rddreg [dreg:$0x1];
	p0 =	sne.s32 s2, $0x0  }
0xb8: {  	s3 =	rddreg [dreg:$0x2];
	[bflag:$0x3] =	sbarrier.arrive $0xFFFF;
	s2 =	simm.s32 @!p0 $0x1C0A  }
0xb9: {  	[timem:s3], [sflag:s2] =	dma.local @!p0 [hbm:s0], s1  }
0xba: {  	s0 =	simm.s32 @!p0 $0xA  }
0xbb: {  	_ =	swait.ge @!p0 [sflag:s0], s1  }
0xbc: {  	s1 =	ssub.s32 @!p0 $0x0, s1;
	[sflag:s0] =	ssyncset.done @!p0 $0x0  }
0xbd: {  	[sflag:s0] =	ssyncadd.s32 @!p0 s1  }
0xbe: {  	[bflag:$0x3] =	sbarrier.arrive $0xFFFF  }
0xbf: {  	_ =	shalt  }

// kernel: kernel.9.cloned.1.call-start
scs
__scs_entry_jumppad:
0x0: {  	(pc) =	sbr.rel $0x88, $3  }
0x1: {  	(tag) =	ssettag $0x0;
	lr =	simm.s32 $0x1  }
0x2: {  	[smem:$0x3F9A] =	sst lr;
	_ =	strace $0xD0000000  }
0x3: {  	_ = 	snop  }
0x4: {  	_ = 	snop  }
0x5: {  	_ = 	snop  }
0x6: {  	_ = 	snop  }
0x7: {  	_ = 	snop  }
__scs_overlays_trampoline_lowered:
0x8: {  	[smem:$0x3FA9] =	sst s0  }
0x9: {  	[smem:$0x3FAA] =	sst s1  }
0xa: {  	[smem:$0x3FAB] =	sst s2  }
0xb: {  	[smem:$0x3FAC] =	sst s3  }
0xc: {  	[smem:$0x3FAD] =	sst s4  }
0xd: {  	[smem:$0x3FAE] =	sst s5  }
0xe: {  	[smem:$0x3FAF] =	sst s6  }
0xf: {  	[smem:$0x3FB0] =	sst s7  }
0x10: {  	[smem:$0x3FB1] =	sst s8  }
0x11: {  	[smem:$0x3FB2] =	sst s9;
	s0 =	simm.s32 @!p0 $0x0  }
0x12: {  	s1 =	sld [smem:$0x3F98];
	s0 =	simm.s32 @p0 $0x1  }
0x13: {  	[smem:$0x3FB3] =	sst s0;
	s0 =	simm.s32 @!p1 $0x0  }
0x14: {  	s2 =	sld [smem:$0x3F97];
	s0 =	simm.s32 @p1 $0x1  }
0x15: {  	[smem:$0x3FB4] =	sst s0;
	s0 =	simm.s32 @!p2 $0x0  }
0x16: {  	s3 =	sld [smem:$0x3FDB];
	s0 =	simm.s32 @p2 $0x1  }
0x17: {  	s4 =	simm.s32 $0x1BF5;
	[smem:$0x3FB6] =	sst s0  }
0x18: {  	s0 =	sld [smem:$0x3F99];
	_ =	swait.ge [sflag:s4], $0x0  }
0x19: {  	s7 =	sld [smem:$0x3F9A]  }
0x1a: {  	s8 =	sadd.s32 $0xFFFFE003, lr  }
0x1b: {  	s9 =	sadd.s32 $0xFFFFFEF7, lr;
	s5 =	simm.s32 $0xFFFFFFFF;
	p2 =	slt.u32 s8, $0xFFFFF086  }
0x1c: {  	p1 =	slt.u32 s9, $0xF7A;
	s5 =	simm.s32 @!p2 $0x0  }
0x1d: {  	s5 =	simm.s32 @p1 $0x1;
	p0 =	seq.s32 s7, s2  }
0x1e: {  	s7 =	smul.u32 @!p0 $0xF7A, s2;
	p2 =	seq.s32 @!p0 s5, $0x0  }
0x1f: {  	s9 =	smul.u32 $0xF7A, s1;
	s8 =	simm.s32 @!p0 $0x1BF5;
	p2 =	por !p2, p0  }
0x20: {  	[sflag:s8] =	ssyncset.s32 @!p0 $0xFFFFF086;
	s6 =	sadd.s32 @!p0 s3, s7;
	s7 =	simm.s32 @!p0 $0x108  }
0x21: {  	s3 =	sadd.s32 s3, s9;
	s6 =	sadd.s32 @!p0 $0x88, s6;
	s7 =	simm.s32 @p2 $0x1082  }
0x22: {  	[simem:s7], [sflag:s8] =	dma.local @!p0 [hbm:s6], $0xF7A  }
0x23: {  	s9 =	sor.u32 $0xD0000000, s2;
	s6 =	simm.s32 $0x108;
	_ =	swait.ge @!p0 [sflag:s8], $0x0  }
0x24: {  	s3 =	sadd.s32 $0x88, s3;
	s6 =	simm.s32 @!p1 $0x1082;
	[sflag:s4] =	ssyncset.s32 $0xFFFFF086  }
0x25: {  	[simem:s6], [sflag:s4] =	dma.local [hbm:s3], $0xF7A  }
0x26: {  	[smem:$0x3F9A] =	sst s1;
	(tag) =	ssettag s2;
	_ =	strace s9  }
0x27: {  	s1 =	sld [smem:$0x3FAA]  }
0x28: {  	s2 =	sld [smem:$0x3FAB]  }
0x29: {  	s4 =	sld [smem:$0x3FAD]  }
0x2a: {  	p0 =	seq.s32 s5, $0x0;
	s5 =	sld [smem:$0x3FAE]  }
0x2b: {  	s6 =	sld [smem:$0x3FAF]  }
0x2c: {  	s7 =	sld [smem:$0x3FB0]  }
0x2d: {  	s3 =	simm.s32 $0x108;
	s8 =	sld [smem:$0x3FB1]  }
0x2e: {  	s3 =	simm.s32 @!p0 $0x1082;
	s9 =	sld [smem:$0x3FB2]  }
0x2f: {  	lr =	sadd.s32 s0, s3;
	s0 =	sld [smem:$0x3FA9]  }
0x30: {  	s3 =	sld [smem:$0x3FAC]  }
0x31: {  	[smem:$0x3FB5] =	sst s10  }
0x32: {  	s10 =	sld [smem:$0x3FB3];
	_ =	sdelay $0x3  }
0x33: {  	p0 =	seq.s32 s10, $0x1;
	s10 =	sld [smem:$0x3FB5];
	_ =	sdelay $0x3  }
0x34: {  	[smem:$0x3FB5] =	sst s10  }
0x35: {  	s10 =	sld [smem:$0x3FB4];
	_ =	sdelay $0x3  }
0x36: {  	p1 =	seq.s32 s10, $0x1;
	s10 =	sld [smem:$0x3FB5];
	_ =	sdelay $0x3  }
0x37: {  	[smem:$0x3FB5] =	sst s10  }
0x38: {  	s10 =	sld [smem:$0x3FB6]  }
0x39: {  	_ = 	snop;
	(pc) =	sbr.ind lr, $3  }
0x3a: {  	_ = 	snop  }
0x3b: {  	_ = 	snop  }
0x3c: {  	p2 =	seq.s32 s10, $0x1;
	s10 =	sld [smem:$0x3FB5]  }
0x3d: {  	_ =	shalt  }
0x3e: {  	_ =	shalt  }
0x3f: {  	_ =	shalt  }
0x40: {  	_ =	shalt  }
0x41: {  	_ =	shalt  }
0x42: {  	_ =	shalt  }
0x43: {  	_ =	shalt  }
0x44: {  	_ =	shalt  }
0x45: {  	_ =	shalt  }
0x46: {  	_ =	shalt  }
0x47: {  	_ =	shalt  }
0x48: {  	_ =	shalt  }
0x49: {  	_ =	shalt  }
0x4a: {  	_ =	shalt  }
0x4b: {  	_ =	shalt  }
0x4c: {  	_ =	shalt  }
0x4d: {  	_ =	shalt  }
0x4e: {  	_ =	shalt  }
0x4f: {  	_ =	shalt  }
0x50: {  	_ =	shalt  }
0x51: {  	_ =	shalt  }
0x52: {  	_ =	shalt  }
0x53: {  	_ =	shalt  }
0x54: {  	_ =	shalt  }
0x55: {  	_ =	shalt  }
0x56: {  	_ =	shalt  }
0x57: {  	_ =	shalt  }
0x58: {  	_ =	shalt  }
0x59: {  	_ =	shalt  }
0x5a: {  	_ =	shalt  }
0x5b: {  	_ =	shalt  }
0x5c: {  	_ =	shalt  }
0x5d: {  	_ =	shalt  }
0x5e: {  	_ =	shalt  }
0x5f: {  	_ =	shalt  }
0x60: {  	_ =	shalt  }
0x61: {  	_ =	shalt  }
0x62: {  	_ =	shalt  }
0x63: {  	_ =	shalt  }
0x64: {  	_ =	shalt  }
0x65: {  	_ =	shalt  }
0x66: {  	_ =	shalt  }
0x67: {  	_ =	shalt  }
0x68: {  	_ =	shalt  }
0x69: {  	_ =	shalt  }
0x6a: {  	_ =	shalt  }
0x6b: {  	_ =	shalt  }
0x6c: {  	_ =	shalt  }
0x6d: {  	_ =	shalt  }
0x6e: {  	_ =	shalt  }
0x6f: {  	_ =	shalt  }
0x70: {  	_ =	shalt  }
0x71: {  	_ =	shalt  }
0x72: {  	_ =	shalt  }
0x73: {  	_ =	shalt  }
0x74: {  	_ =	shalt  }
0x75: {  	_ =	shalt  }
0x76: {  	_ =	shalt  }
0x77: {  	_ =	shalt  }
0x78: {  	_ =	shalt  }
0x79: {  	_ =	shalt  }
0x7a: {  	_ =	shalt  }
0x7b: {  	_ =	shalt  }
0x7c: {  	_ =	shalt  }
0x7d: {  	_ =	shalt  }
0x7e: {  	_ =	shalt  }
0x7f: {  	_ =	shalt  }
0x80: {  	_ =	shalt  }
0x81: {  	_ =	shalt  }
0x82: {  	_ =	shalt  }
0x83: {  	_ =	shalt  }
0x84: {  	_ =	shalt  }
0x85: {  	_ =	shalt  }
0x86: {  	_ =	shalt  }
0x87: {  	_ =	shalt  }
.Lfunc_end0:
.L_simem_size_0:
called_computation_lowered:
.L_overlay_start_0:
0x88: {  	s2 =	sld [smem:$0x3FD9]  }
0x89: {  	s3 =	sld [smem:$0x3FFE];
	_ =	sdelay $0x1  }
0x8a: {  	s1 =	srdreg.scid  }
0x8b: {  	s0 =	sand.u32 $0x1, s1  }
0x8c: {  	s17 =	sshll.u32 s0, $0xA;
	s2 =	sadd.s32 s3, s2  }
0x8d: {  	s2 =	sadd.s32 s2, s17  }
0x8e: {  	[smem:$0x3FC1] =	sst s2  }
0x8f: {  	_ = 	snop  }
0x90: {  	s2 =	sld [smem:$0x3FD0];
	(tm) =	ssettm $0x1  }
0x91: {  	s18 =	sld [smem:$0x3FFB];
	_ =	sdelay $0x3  }
0x92: {  	_ =	strace s18  }
0x93: {  	s3 =	sld [smem:$0x3FFC];
	_ =	sdelay $0x3  }
0x94: {  	_ =	strace s3  }
0x95: {  	s3 =	sld [smem:$0x3FFD];
	_ =	sdelay $0x3  }
0x96: {  	_ =	strace s3  }
0x97: {  	_ =	strace $0x8FFFFFFF  }
0x98: {  	s19 =	sld [smem:$0x3FDB];
	_ =	sdelay $0x1  }
0x99: {  	s4 =	simm.s32 $_scs_section_size  }
0x9a: {  	s5 =	simm.s32 $_size__tile_overlayer_lowered;
	s6 =	simm.s32 $_tile_overlayer_lowered  }
0x9b: {  	s22 =	simm.s32 $0x1BFF;
	s21 =	sshll.u32 s6, $0x1;
	s3 =	sadd.s32 s4, s19  }
0x9c: {  	s7 =	simm.s32 $0x0;
	s20 =	sshll.u32 s5, $0x1;
	s5 =	sadd.s32 s21, s3  }
0x9d: {  	[timem:s7], [sflag:s22] =	dma.local [hbm:s5], s20  }
0x9e: {  	_ =	swait.ge [sflag:s22], s20  }
0x9f: {  	s4 =	ssub.s32 $0x0, s20;
	[sflag:s22] =	ssyncset.done $0x0  }
0xa0: {  	[sflag:s22] =	ssyncadd.s32 s4;
	_ =	sdelay $0x1  }
0xa1: {  	s23 =	simm.s32 $0x1B8B  }
0xa2: {  	_ =	swait.ge [sflag:s23], $0x1  }
0xa3: {  	[sflag:s23] =	ssyncset.done $0x0  }
0xa4: {  	s25 =	simm.s32 $0x1B8E;
	s24 =	sld [smem:$0x3FFE];
	[sflag:s23] =	ssyncadd.s32 $0xFFFFFFFF  }
0xa5: {  	s26 =	simm.s32 $execute0_lowered;
	[smem:$0x3FD2] =	sst s25  }
0xa6: {  	s5 =	sshll.u32 s26, $0x1;
	_ =	strace $0x80000046;
	[dreg:$0x1] =	wrdreg $0xFFFFFFFF  }
0xa7: {  	s28 =	simm.s32 $_size_execute0_lowered;
	s3 =	sadd.s32 s3, s5;
	[dreg:$0x0] =	wrdreg $0x0  }
0xa8: {  	s5 =	sshll.u32 s28, $0x1;
	[dreg:$0x2] =	wrdreg s3  }
0xa9: {  	[dreg:$0x3] =	wrdreg s5  }
0xaa: {  	[dreg:$0x4] =	wrdreg $0xC0  }
0xab: {  	_ =	task [dreg:s7], $0x5FFFF  }
0xac: {  	[dreg:$0x1] =	wrdreg $0xFFFFFFFF  }
0xad: {  	[dreg:$0x0] =	wrdreg $0x60  }
0xae: {  	[dreg:$0x2] =	wrdreg s24  }
0xaf: {  	[dreg:$0x3] =	wrdreg s2  }
0xb0: {  	[dreg:$0x4] =	wrdreg $0xEC400  }
0xb1: {  	[dreg:$0x5] =	wrdreg $0x9  }
0xb2: {  	_ =	task.clear_ibuf [dreg:s7], $0x6FFFF;
	_ =	strace $0x90000046  }
0xb3: {  	s29 =	simm.s32 $0x9;
	_ =	strace $0x80000048  }
0xb4: {  	_ =	swait.ge [sflag:s29], $0x1  }
0xb5: {  	[sflag:s29] =	ssyncadd.s32 $0xFFFFFFFF  }
0xb6: {  	_ =	strace $0x90000048  }
0xb7: {  	_ =	sfence  }
0xb8: {  	s30 =	sld [smem:$0x0];
	_ =	sdelay $0x2  }
0xb9: {  	s31 =	sshll.u32 s1, $0xD;
	s1 =	sshrl.u32 s1, $0x2  }
0xba: {  	s3 =	sand.u32 $0x4000, s31;
	s1 =	sadd.s32 s1, s30  }
0xbb: {  	s0 =	sor.u32 s3, s0;
	s1 =	sshll.u32 s1, $0x11  }
0xbc: {  	s0 =	sor.u32 s1, s0  }
0xbd: {  	s0 =	sadd.s32 $0x8F2B, s0  }
0xbe: {  	[sflag:s0] =	ssyncadd.remote.s32 $0x1  }
0xbf: {  	_ =	sfence.sel $0xFFFF  }
0xc0: {  	[dreg:$0x0] =	wrdreg $0xFFFFFFFF;
	(pc) =	sbr.abs _section_cstart, $3  }
0xc1: {  	[dreg:$0x1] =	wrdreg $0xFFFFFFFF  }
0xc2: {  	_ =	task.clear_ibuf [dreg:s7], $0x2FFFF;
	_ =	strace $0x9FFFFFFF  }
0xc3: {  	(tm) =	ssettm $0x7FFFFFFF  }
tec
execute0_lowered:
.L_overlay_start_1:
0x0: {  	(tag) =	ssettag $0x1  }
0x1: {  	s0 =	rddreg [dreg:$0x0]  }
0x2: {  	s1 =	rddreg [dreg:$0x1];
	s3 =	srdreg.scid  }
0x3: {  	s8 =	stileid.u32;
	s2 =	rddreg [dreg:$0x2];
	s5 =	simm.s32 $0x0  }
0x4: {  	s16 =	simm.s32 $0x5000;
	s17 =	simm.s32 $0xA;
	s18 =	simm.s32 $0x1  }
0x5: {  	s29 =	simm.s32 $0xCD00;
	s30 =	simm.s32 $0x2;
	s31 =	simm.s32 $0x6  }
0x6: {  	s15 =	simm.s32 $0x7;
	s28 =	simm.s32 $0x9;
	s3 =	sand.u32 $0x1, s3  }
0x7: {  	s4 =	sshll.u32 s8, $0x1;
	[smem:$0x7FF] =	sst s5;
	s7 =	smul.u32 $0x27100, s8  }
0x8: {  	s23 =	smul.u32 $0x9C00, s8;
	p0 =	sne.s32 s8, $0xF;
	s4 =	sor.u32 s3, s4  }
0x9: {  	_ =	strace $0x80000047;
	s6 =	ssub.s32 $0x2, s3;
	s3 =	smul.u32 $0x9C400, s3  }
0xa: {  	s19 =	smul.u32 $0x500, s4;
	s4 =	sadd.s32 $0x15400, s0;
	s20 =	sshrl.u32 s6, $0x1  }
0xb: {  	s21 =	sshrl.u32 s7, $0x2;
	s26 =	sadd.s32 s23, s2;
	s5 =	ssub.s32 s6, s20  }
0xc: {  	s6 =	sadd.s32 s21, s2;
	s25 =	sadd.s32 s23, s3;
	s3 =	sshrl.u32 s3, $0x3  }
0xd: {  	s20 =	simm.s32 $0x6F40;
	s21 =	simm.s32 $0x8;
	s23 =	simm.s32 $0x5  }
0xe: {  	s0 =	sadd.s32 s19, s0;
	s24 =	sadd.s32 $0x1F40, s6;
	s9 =	sadd.s32 $0x3E80, s6  }
0xf: {  	s10 =	sadd.s32 $0x5DC0, s6;
	s11 =	sadd.s32 $0x7D00, s6;
	s3 =	sadd.s32 s1, s3  }
0x10: {  	s14 =	smax.u32 s5, $0x1;
	s19 =	simm.s32 $0x7D;
	s22 =	sadd.s32 $0xB400, s0  }
0x11: {  	s0 =	sadd.s32 $0x1400, s0;
	[dreg:$0x6] =	wrdreg s24;
	s13 =	sadd.s32 $0x13800, s3  }
0x12: {  	s24 =	sshrl.u32 s26, $0x3;
	s26 =	simm.s32 $0xADC0;
	[dreg:$0x4] =	wrdreg s22  }
0x13: {  	s3 =	simm.s32 $0x0;
	[dreg:$0x5] =	wrdreg s0;
	s0 =	sshrl.u32 s25, $0x3  }
0x14: {  	s22 =	simm.s32 $0x8E80;
	s12 =	sadd.s32 s1, s0;
	s1 =	sadd.s32 $0x9C000, s2  }
0x15: {  	v0 =	vimm.f32 $0.0e+00;
	s0 =	simm.s32 $0x4;
	s25 =	sshrl.u32 @!p0 s1, $0x3;
	s1 =	simm.s32 $0x3  }
.LBB2_1:
0x16: {  	s5 =	simm.s32 $0x0;
	s7 =	rddreg [dreg:$0x4]  }
0x17: {  	[tilespmem:s5], [sflag:$0x1] =	stream.linear.gather [hbm4b:s7+s5], $0x2800, $0x38;
	[tilespmem:$0x18880] =	vst v63  }
0x18: {  	s8 =	simm.s32 $0x2800;
	s7 =	rddreg [dreg:$0x5]  }
0x19: {  	[tilespmem:s8], [sflag:$0x1] =	stream.linear.gather [hbm4b:s7+s5], $0x2800, $0x38;
	[tilespmem:$0x18880] =	vst v63  }
0x1a: {  	s7 =	simm.s32 $0x100;
	s5 =	simm.s32 $0x0  }
.LBB2_2:
0x1b: {  	p1 =	sne.s32 s7, $0x7C00;
	[tilespmem:s5+$0x5030] =	vst v0;
	s8 =	smov.u32 s7;
	s7 =	sadd.s32 $0x100, s7  }
.Ltmp0:
0x1c: {  	[tilespmem:s5+$0x5020] =	vst v0;
	(pc) =	sbr.rel @p1 .LBB2_2-.Ltmp0, $3  }
0x1d: {  	[tilespmem:s5+$0x5000] =	vst v0  }
0x1e: {  	[tilespmem:s5+$0x5010] =	vst v0;
	_ =	sdelay $0x1  }
0x1f: {  	s5 =	sshra.s32 s8, $0x2  }
0x20: {  	[tilespmem:s5+$0x5030] =	vst v0  }
0x21: {  	[tilespmem:s5+$0x5020] =	vst v0  }
0x22: {  	[tilespmem:s5+$0x5000] =	vst v0  }
0x23: {  	[tilespmem:s5+$0x5010] =	vst v0  }
0x24: {  	[spmem:s6] =	stream.linear.scatter [tilespmem:s16], [sflag:$0xA], $0x1F40, $0x38;
	[tilespmem:$0x18880] =	vst v63  }
0x25: {  	_ =	swait.ge [sflag:s17], $0x1F40  }
0x26: {  	[sflag:s17] =	ssyncset.done $0x0  }
0x27: {  	s7 =	rddreg [dreg:$0x6];
	[sflag:s17] =	ssyncadd.s32 $0xFFFFE0C0  }
0x28: {  	[spmem:s7] =	stream.linear.scatter [tilespmem:s16], [sflag:$0xA], $0x1F40, $0x38;
	[tilespmem:$0x18880] =	vst v63  }
0x29: {  	_ =	swait.ge [sflag:s17], $0x1F40  }
0x2a: {  	[sflag:s17] =	ssyncset.done $0x0  }
0x2b: {  	[sflag:s17] =	ssyncadd.s32 $0xFFFFE0C0  }
0x2c: {  	[spmem:s9] =	stream.linear.scatter [tilespmem:s16], [sflag:$0xA], $0x1F40, $0x38;
	[tilespmem:$0x18880] =	vst v63  }
0x2d: {  	_ =	swait.ge [sflag:s17], $0x1F40  }
0x2e: {  	[sflag:s17] =	ssyncset.done $0x0  }
0x2f: {  	[sflag:s17] =	ssyncadd.s32 $0xFFFFE0C0  }
0x30: {  	[spmem:s10] =	stream.linear.scatter [tilespmem:s16], [sflag:$0xA], $0x1F40, $0x38;
	[tilespmem:$0x18880] =	vst v63  }
0x31: {  	_ =	swait.ge [sflag:s17], $0x1F40  }
0x32: {  	[sflag:s17] =	ssyncset.done $0x0  }
0x33: {  	[sflag:s17] =	ssyncadd.s32 $0xFFFFE0C0  }
0x34: {  	[spmem:s11] =	stream.linear.scatter [tilespmem:s16], [sflag:$0xA], $0x1F40, $0x38;
	[tilespmem:$0x18880] =	vst v63  }
0x35: {  	_ =	swait.ge [sflag:s17], $0x1F40  }
0x36: {  	[sflag:s17] =	ssyncset.done $0x0  }
0x37: {  	[sflag:s17] =	ssyncadd.s32 $0xFFFFE0C0  }
0x38: {  	_ =	swait.ge [sflag:s18], $0x2800  }
0x39: {  	[sflag:s18] =	ssyncset.done $0x0  }
0x3a: {  	[sflag:s18] =	ssyncadd.s32 $0xFFFFD800  }
0x3b: {  	_ =	swait.ge [sflag:s18], $0x2800  }
0x3c: {  	[sflag:s18] =	ssyncset.done $0x0  }
0x3d: {  	[sflag:s18] =	ssyncadd.s32 $0xFFFFD800  }
0x3e: {  	s8 =	simm.s32 $0x0;
	[bflag:$0x0] =	sbarrier.arrive $0xFFFF  }
0x3f: {  	[tilespmem:s20], [sflag:$0x2] =	stream.indirect.gather [hbm4b:s4+s19], $0x40, s8, s19, $0xb8;
	[tilespmem:$0x18880] =	vst v63  }
0x40: {  	s7 =	simm.s32 $0x80  }
0x41: {  	[tilespmem:s22], [sflag:$0x3] =	stream.indirect.gather [hbm4b:s4+s19], $0x40, s7, s19, $0xb8;
	[tilespmem:$0x18880] =	vst v63  }
0x42: {  	s8 =	simm.s32 $0x100  }
0x43: {  	[tilespmem:s26], [sflag:$0x4] =	stream.indirect.gather [hbm4b:s4+s19], $0x40, s8, s19, $0xb8;
	[tilespmem:$0x18880] =	vst v63  }
0x44: {  	s7 =	simm.s32 $0x180  }
0x45: {  	[tilespmem:s29], [sflag:$0x5] =	stream.indirect.gather [hbm4b:s4+s19], $0x40, s7, s19, $0xb8;
	[tilespmem:$0x18880] =	vst v63  }
0x46: {  	_ =	swait.ge [sflag:s30], $0x1F40  }
0x47: {  	[sflag:s30] =	ssyncset.done $0x0  }
0x48: {  	s8 =	simm.s32 $0x2800;
	[sflag:s30] =	ssyncadd.s32 $0xFFFFE0C0  }
0x49: {  	[spmem:s2] =	stream.indirect.scatter.add.f32 [tilespmem:s20], [sflag:$0x6], $0x40, s8, s19, $0xb8;
	[tilespmem:$0x18880] =	vst v63  }
0x4a: {  	_ =	swait.ge [sflag:s31], $0x1F40  }
0x4b: {  	[sflag:s31] =	ssyncset.done $0x0  }
0x4c: {  	s7 =	simm.s32 $0x200;
	[sflag:s31] =	ssyncadd.s32 $0xFFFFE0C0  }
0x4d: {  	[tilespmem:s20], [sflag:$0x2] =	stream.indirect.gather [hbm4b:s4+s19], $0x40, s7, s19, $0xb8;
	[tilespmem:$0x18880] =	vst v63  }
0x4e: {  	_ =	swait.ge [sflag:s1], $0x1F40  }
0x4f: {  	[sflag:s1] =	ssyncset.done $0x0  }
0x50: {  	s8 =	simm.s32 $0x2880;
	[sflag:s1] =	ssyncadd.s32 $0xFFFFE0C0  }
0x51: {  	[spmem:s2] =	stream.indirect.scatter.add.f32 [tilespmem:s22], [sflag:$0x7], $0x40, s8, s19, $0xb8;
	[tilespmem:$0x18880] =	vst v63  }
0x52: {  	_ =	swait.ge [sflag:s15], $0x1F40  }
0x53: {  	[sflag:s15] =	ssyncset.done $0x0  }
0x54: {  	s7 =	simm.s32 $0x280;
	[sflag:s15] =	ssyncadd.s32 $0xFFFFE0C0  }
0x55: {  	[tilespmem:s22], [sflag:$0x3] =	stream.indirect.gather [hbm4b:s4+s19], $0x40, s7, s19, $0xb8;
	[tilespmem:$0x18880] =	vst v63  }
0x56: {  	_ =	swait.ge [sflag:s0], $0x1F40  }
0x57: {  	[sflag:s0] =	ssyncset.done $0x0  }
0x58: {  	s8 =	simm.s32 $0x2900;
	[sflag:s0] =	ssyncadd.s32 $0xFFFFE0C0  }
0x59: {  	[spmem:s2] =	stream.indirect.scatter.add.f32 [tilespmem:s26], [sflag:$0x8], $0x40, s8, s19, $0xb8;
	[tilespmem:$0x18880] =	vst v63  }
0x5a: {  	_ =	swait.ge [sflag:s21], $0x1F40  }
0x5b: {  	[sflag:s21] =	ssyncset.done $0x0  }
0x5c: {  	s7 =	simm.s32 $0x300;
	[sflag:s21] =	ssyncadd.s32 $0xFFFFE0C0  }
0x5d: {  	[tilespmem:s26], [sflag:$0x4] =	stream.indirect.gather [hbm4b:s4+s19], $0x40, s7, s19, $0xb8;
	[tilespmem:$0x18880] =	vst v63  }
0x5e: {  	_ =	swait.ge [sflag:s23], $0x1F40  }
0x5f: {  	[sflag:s23] =	ssyncset.done $0x0  }
0x60: {  	s8 =	simm.s32 $0x2980;
	[sflag:s23] =	ssyncadd.s32 $0xFFFFE0C0  }
0x61: {  	[spmem:s2] =	stream.indirect.scatter.add.f32 [tilespmem:s29], [sflag:$0x9], $0x40, s8, s19, $0xb8;
	[tilespmem:$0x18880] =	vst v63  }
0x62: {  	_ =	swait.ge [sflag:s28], $0x1F40  }
0x63: {  	[sflag:s28] =	ssyncset.done $0x0  }
0x64: {  	s5 =	simm.s32 $0x800;
	s7 =	simm.s32 $0x380;
	[sflag:s28] =	ssyncadd.s32 $0xFFFFE0C0  }
.LBB2_4:
0x65: {  	[tilespmem:s29], [sflag:$0x5] =	stream.indirect.gather [hbm4b:s4+s19], $0x40, s7, s19, $0xb8;
	[tilespmem:$0x18880] =	vst v63  }
0x66: {  	s7 =	smov.u32 s5  }
0x67: {  	p1 =	sne.s32 s5, $0x9000;
	s5 =	sadd.s32 $0x800, s5;
	_ =	swait.ge [sflag:s30], $0x1F40  }
0x68: {  	s7 =	sshra.s32 s7, $0x2;
	[sflag:s30] =	ssyncset.done $0x0  }
0x69: {  	s8 =	sadd.s32 $0x2800, s7;
	[sflag:s30] =	ssyncadd.s32 $0xFFFFE0C0  }
0x6a: {  	[spmem:s2] =	stream.indirect.scatter.add.f32 [tilespmem:s20], [sflag:$0x6], $0x40, s8, s19, $0xb8;
	[tilespmem:$0x18880] =	vst v63  }
0x6b: {  	_ =	swait.ge [sflag:s31], $0x1F40  }
0x6c: {  	[sflag:s31] =	ssyncset.done $0x0  }
0x6d: {  	s8 =	sadd.s32 $0x200, s7;
	[sflag:s31] =	ssyncadd.s32 $0xFFFFE0C0  }
0x6e: {  	[tilespmem:s20], [sflag:$0x2] =	stream.indirect.gather [hbm4b:s4+s19], $0x40, s8, s19, $0xb8;
	[tilespmem:$0x18880] =	vst v63  }
0x6f: {  	_ =	swait.ge [sflag:s1], $0x1F40  }
0x70: {  	[sflag:s1] =	ssyncset.done $0x0  }
0x71: {  	s8 =	sadd.s32 $0x2880, s7;
	[sflag:s1] =	ssyncadd.s32 $0xFFFFE0C0  }
0x72: {  	[spmem:s2] =	stream.indirect.scatter.add.f32 [tilespmem:s22], [sflag:$0x7], $0x40, s8, s19, $0xb8;
	[tilespmem:$0x18880] =	vst v63  }
0x73: {  	_ =	swait.ge [sflag:s15], $0x1F40  }
0x74: {  	[sflag:s15] =	ssyncset.done $0x0  }
0x75: {  	s8 =	sadd.s32 $0x280, s7;
	[sflag:s15] =	ssyncadd.s32 $0xFFFFE0C0  }
0x76: {  	[tilespmem:s22], [sflag:$0x3] =	stream.indirect.gather [hbm4b:s4+s19], $0x40, s8, s19, $0xb8;
	[tilespmem:$0x18880] =	vst v63  }
0x77: {  	_ =	swait.ge [sflag:s0], $0x1F40  }
0x78: {  	[sflag:s0] =	ssyncset.done $0x0  }
0x79: {  	s8 =	sadd.s32 $0x2900, s7;
	[sflag:s0] =	ssyncadd.s32 $0xFFFFE0C0  }
0x7a: {  	[spmem:s2] =	stream.indirect.scatter.add.f32 [tilespmem:s26], [sflag:$0x8], $0x40, s8, s19, $0xb8;
	[tilespmem:$0x18880] =	vst v63  }
0x7b: {  	_ =	swait.ge [sflag:s21], $0x1F40  }
0x7c: {  	[sflag:s21] =	ssyncset.done $0x0  }
0x7d: {  	s8 =	sadd.s32 $0x300, s7;
	[sflag:s21] =	ssyncadd.s32 $0xFFFFE0C0  }
0x7e: {  	[tilespmem:s26], [sflag:$0x4] =	stream.indirect.gather [hbm4b:s4+s19], $0x40, s8, s19, $0xb8;
	[tilespmem:$0x18880] =	vst v63  }
0x7f: {  	_ =	swait.ge [sflag:s23], $0x1F40  }
0x80: {  	[sflag:s23] =	ssyncset.done $0x0  }
.Ltmp1:
0x81: {  	s8 =	sadd.s32 $0x2980, s7;
	[sflag:s23] =	ssyncadd.s32 $0xFFFFE0C0;
	(pc) =	sbr.rel @p1 .LBB2_4-.Ltmp1, $4  }
0x82: {  	[spmem:s2] =	stream.indirect.scatter.add.f32 [tilespmem:s29], [sflag:$0x9], $0x40, s8, s19, $0xb8;
	[tilespmem:$0x18880] =	vst v63  }
0x83: {  	_ =	swait.ge [sflag:s28], $0x1F40  }
0x84: {  	[sflag:s28] =	ssyncset.done $0x0  }
0x85: {  	s7 =	sadd.s32 $0x380, s7;
	[sflag:s28] =	ssyncadd.s32 $0xFFFFE0C0  }
0x86: {  	[tilespmem:s29], [sflag:$0x5] =	stream.indirect.gather [hbm4b:s4+s19], $0x40, s7, s19, $0xb8;
	[tilespmem:$0x18880] =	vst v63  }
0x87: {  	_ =	swait.ge [sflag:s30], $0x1F40  }
0x88: {  	[sflag:s30] =	ssyncset.done $0x0  }
0x89: {  	s5 =	simm.s32 $0x4E00;
	[sflag:s30] =	ssyncadd.s32 $0xFFFFE0C0  }
0x8a: {  	[spmem:s2] =	stream.indirect.scatter.add.f32 [tilespmem:s20], [sflag:$0x6], $0x40, s5, s19, $0xb8;
	[tilespmem:$0x18880] =	vst v63  }
0x8b: {  	_ =	swait.ge [sflag:s1], $0x1F40  }
0x8c: {  	[sflag:s1] =	ssyncset.done $0x0  }
0x8d: {  	s7 =	simm.s32 $0x4E80;
	[sflag:s1] =	ssyncadd.s32 $0xFFFFE0C0  }
0x8e: {  	[spmem:s2] =	stream.indirect.scatter.add.f32 [tilespmem:s22], [sflag:$0x7], $0x40, s7, s19, $0xb8;
	[tilespmem:$0x18880] =	vst v63  }
0x8f: {  	_ =	swait.ge [sflag:s0], $0x1F40  }
0x90: {  	[sflag:s0] =	ssyncset.done $0x0  }
0x91: {  	s8 =	simm.s32 $0x4F00;
	[sflag:s0] =	ssyncadd.s32 $0xFFFFE0C0  }
0x92: {  	[spmem:s2] =	stream.indirect.scatter.add.f32 [tilespmem:s26], [sflag:$0x8], $0x40, s8, s19, $0xb8;
	[tilespmem:$0x18880] =	vst v63  }
0x93: {  	_ =	swait.ge [sflag:s23], $0x1F40  }
0x94: {  	[sflag:s23] =	ssyncset.done $0x0  }
0x95: {  	s7 =	simm.s32 $0x4F80;
	[sflag:s23] =	ssyncadd.s32 $0xFFFFE0C0  }
0x96: {  	[spmem:s2] =	stream.indirect.scatter.add.f32 [tilespmem:s29], [sflag:$0x9], $0x40, s7, s19, $0xb8;
	[tilespmem:$0x18880] =	vst v63  }
0x97: {  	_ =	swait.ge [sflag:s31], $0x1F40  }
0x98: {  	[sflag:s31] =	ssyncset.done $0x0  }
0x99: {  	[sflag:s31] =	ssyncadd.s32 $0xFFFFE0C0  }
0x9a: {  	_ =	swait.ge [sflag:s15], $0x1F40  }
0x9b: {  	[sflag:s15] =	ssyncset.done $0x0  }
0x9c: {  	[sflag:s15] =	ssyncadd.s32 $0xFFFFE0C0  }
0x9d: {  	_ =	swait.ge [sflag:s21], $0x1F40  }
0x9e: {  	[sflag:s21] =	ssyncset.done $0x0  }
0x9f: {  	[sflag:s21] =	ssyncadd.s32 $0xFFFFE0C0  }
0xa0: {  	_ =	swait.ge [sflag:s28], $0x1F40  }
0xa1: {  	s8 =	stileid.u32;
	[sflag:s28] =	ssyncset.done $0x0  }
0xa2: {  	s5 =	sshll.u32 s8, $0x6;
	[sflag:s28] =	ssyncadd.s32 $0xFFFFE0C0  }
0xa3: {  	s5 =	sor.u32 $0x1C0A, s5;
	[bflag:$0x0] =	sbarrier.arrive $0xFFFF  }
0xa4: {  	[hbm:s12], [sflag:s5] =	dma.local [spmem:s24], $0x1380  }
0xa5: {  	_ =	swait.ge [sflag:s17], $0x1380  }
0xa6: {  	s3 =	sadd.s32 $0x1, s3;
	[sflag:s17] =	ssyncset.done $0x0  }
0xa7: {  	p1 =	sne.s32 s3, s14;
	[sflag:s17] =	ssyncadd.s32 $0xFFFFEC80  }
0xa8: {  	[hbm:s13], [sflag:s5] =	dma.local @!p0 [spmem:s25], $0x80  }
.Ltmp2:
0xa9: {  	_ = 	snop;
	(pc) =	sbr.rel @p1 .LBB2_1-.Ltmp2, $4  }
0xaa: {  	s5 =	simm.s32 @!p0 $0xA  }
0xab: {  	_ =	swait.ge @!p0 [sflag:s5], $0x80  }
0xac: {  	[sflag:s5] =	ssyncset.done @!p0 $0x0  }
0xad: {  	[sflag:s5] =	ssyncadd.s32 @!p0 $0xFFFFFF80  }
0xae: {  	_ =	sfence.sel $0x180000  }
0xaf: {  	[bflag:$0x0] =	sbarrier.arrive $0xFFFF  }
0xb0: {  	_ =	strace $0x90000047  }
0xb1: {  	s0 =	stileid.u32;
	[bflag:$0x2] =	sbarrier.arrive $0xFFFF  }
0xb2: {  	p0 =	sne.s32 s0, $0x0;
	s0 =	rddreg [dreg:$0x3]  }
0xb3: {  	s0 =	sadd.s32 @!p0 $0x100000, s0  }
0xb4: {  	[sflag:s0] =	ssyncadd.tile.s32 @!p0 $0x1;
	_ =	shalt  }
.Lfunc_end2:
_tile_overlayer_lowered:
.L_overlay_start_2:
0xb5: {  	(tag) =	ssettag $0x2  }
0xb6: {  	s0 =	rddreg [dreg:$0x0];
	s2 =	stileid.u32  }
0xb7: {  	s1 =	rddreg [dreg:$0x1];
	p0 =	sne.s32 s2, $0x0  }
0xb8: {  	s3 =	rddreg [dreg:$0x2];
	[bflag:$0x3] =	sbarrier.arrive $0xFFFF;
	s2 =	simm.s32 @!p0 $0x1C0A  }
0xb9: {  	[timem:s3], [sflag:s2] =	dma.local @!p0 [hbm:s0], s1  }
0xba: {  	s0 =	simm.s32 @!p0 $0xA  }
0xbb: {  	_ =	swait.ge @!p0 [sflag:s0], s1  }
0xbc: {  	s1 =	ssub.s32 @!p0 $0x0, s1;
	[sflag:s0] =	ssyncset.done @!p0 $0x0  }
0xbd: {  	[sflag:s0] =	ssyncadd.s32 @!p0 s1  }
0xbe: {  	[bflag:$0x3] =	sbarrier.arrive $0xFFFF  }
0xbf: {  	_ =	shalt  }

</sc_bundles>
